<compile_context>
chip_gen: v7x
topology: tpu7x:2x2x1
jax: 0.10.2.dev20260603
libtpu: 0.0.44.dev20260713+nightly
codegen_flags: <defaults>
</compile_context>

<pallas_src>
import jax
import jax.numpy as jnp
from jax import lax
from jax.experimental import pallas as pl
from jax.experimental.pallas import tpu as pltpu
from jax.experimental.pallas import tpu_sc as plsc

_FIELD_DIMS = [1000] * 26
_NUM_FIELDS = len(_FIELD_DIMS)
_TOTAL = int(sum(_FIELD_DIMS))
_EMBED_DIM = 32
_BATCH = 4096
_HOT = _FIELD_DIMS[0]
_ROW_STRIDE = _HOT

_NUM_CORES = 2
_NUM_SUBCORES = 16
_NUM_WORKERS = _NUM_CORES * _NUM_SUBCORES
_N = _BATCH * _NUM_FIELDS
_PER_W = _N // _NUM_WORKERS
_CHUNK = 128
_NCHUNK = _PER_W // _CHUNK
_LANES = 16


def _body(x_hbm, tab_hbm, out_hbm, idx_v, rows_v, gsem, osem):
    wid = lax.axis_index("s") * _NUM_CORES + lax.axis_index("c")
    base = wid * _PER_W

    pltpu.sync_copy(x_hbm.at[pl.ds(base, _PER_W)], idx_v)

    def add_off(j, _):
        s = j * _LANES
        pos = base + s + lax.iota(jnp.int32, _LANES)
        fid = lax.shift_right_logical(pos, 12)
        idx_v[pl.ds(s, _LANES)] = idx_v[pl.ds(s, _LANES)] + fid * _ROW_STRIDE
        return _

    lax.fori_loop(0, _PER_W // _LANES, add_off, None)

    gathers = []
    for j in range(_NCHUNK):
        gathers.append(pltpu.async_copy(
            tab_hbm.at[idx_v.at[pl.ds(j * _CHUNK, _CHUNK)]],
            rows_v.at[pl.ds(j * _CHUNK, _CHUNK)],
            gsem,
        ))
    outs = []
    for j in range(_NCHUNK):
        gathers[j].wait()
        pos = base + j * _CHUNK
        outs.append(pltpu.async_copy(
            rows_v.at[pl.ds(j * _CHUNK, _CHUNK)],
            out_hbm.at[pos // _BATCH, pl.ds(pos % _BATCH, _CHUNK),
                       pl.ds(0, _EMBED_DIM)],
            osem,
        ))
    for o in outs:
        o.wait()


@jax.jit
def kernel(x, tables):
    hot1d = jnp.concatenate([
        lax.slice(tables, (f, _HOT * f, 0), (f + 1, _HOT * (f + 1), _EMBED_DIM))
        .reshape(_HOT * _EMBED_DIM)
        for f in range(_NUM_FIELDS)
    ])
    tab_flat = hot1d.reshape(_NUM_FIELDS * _HOT, _EMBED_DIM)
    x_flat = jnp.transpose(x).reshape(_N)
    mesh = plsc.VectorSubcoreMesh(core_axis_name="c", subcore_axis_name="s")
    out = pl.kernel(
        _body,
        out_type=jax.ShapeDtypeStruct((_NUM_FIELDS, _BATCH, 4 * _EMBED_DIM), jnp.float32),
        mesh=mesh,
        scratch_types=[
            pltpu.VMEM((_PER_W,), jnp.int32),
            pltpu.VMEM((_PER_W, _EMBED_DIM), jnp.float32),
            pltpu.SemaphoreType.DMA,
            pltpu.SemaphoreType.DMA,
        ],
        compiler_params=pltpu.CompilerParams(use_tc_tiling_on_sc=False),
    )(x_flat, tab_flat)
    return out[:, :, : _EMBED_DIM].transpose(1, 0, 2)

# --- scband reference (transcript-rebuilt; emitter-appended) ---
"""Pipeline reference for scband-features-embedding-15461882266234 (READ-ONLY COPY).

The authoritative reference and input builder live on the scoring server;
editing this copy changes nothing except your own understanding.
"""

import jax, jax.numpy as jnp
import numpy as np

FIELD_DIMS = [1000] * 26
NUM_FIELDS = len(FIELD_DIMS)
TOTAL = int(sum(FIELD_DIMS))
EMBED_DIM = 32
OFFSETS = np.array((0, *np.cumsum(FIELD_DIMS)[:-1]), dtype=np.int32)
BATCH = 4096


def setup_inputs(seed: int = 0) -> dict:
    key = jax.random.key(seed)
    kx, kw = jax.random.split(key)
    x = jax.random.randint(kx, (BATCH, NUM_FIELDS), 0, 1000, dtype=jnp.int32)
    # xavier_uniform init for each table of shape [TOTAL, EMBED_DIM]
    limit = float(np.sqrt(6.0 / (TOTAL + EMBED_DIM)))
    tables = jax.random.uniform(kw, (NUM_FIELDS, TOTAL, EMBED_DIM),
                                minval=-limit, maxval=limit, dtype=jnp.float32)
    return {"x": x, "tables": tables}


def reference(x, tables):
    # x: int[B, F]; tables: float32[F, TOTAL, D] (one table per field, each sized sum(field_dims))
    offsets = jnp.asarray(OFFSETS, dtype=x.dtype)
    xo = x + offsets[None, :]
    embs = [jnp.take(tables[i], xo[:, i], axis=0) for i in range(NUM_FIELDS)]
    return jnp.stack(embs, axis=1)  # [B, F, D]

if __name__ == "__main__":
    import jax
    _d = setup_inputs()
    print(jax.jit(kernel)(*tuple(_d.values())))

</pallas_src>

<mosaic_0001>
#map = affine_map<(d0, d1) -> (0)>
#map1 = affine_map<(d0, d1) -> (0, 0)>
#map2 = affine_map<(d0, d1) -> (0, 0, 0)>
module attributes {stable_mosaic.version = 14 : i64} {
  func.func @_body(%arg0: i32, %arg1: i32, %arg2: memref<106496xi32, #tpu.memory_space<hbm>>, %arg3: memref<26000x32xf32, #tpu.memory_space<hbm>>, %arg4: memref<26x4096x128xf32, #tpu.memory_space<hbm>>, %arg5: memref<3328xi32, #tpu.memory_space<vmem>>, %arg6: memref<3328x32xf32, #tpu.memory_space<vmem>>, %arg7: memref<!tpu.dma_semaphore, #tpu.memory_space<semaphore_mem>>, %arg8: memref<!tpu.dma_semaphore, #tpu.memory_space<semaphore_mem>>) attributes {dimension_semantics = [#tpu.dimension_semantics<core_parallel>, #tpu.dimension_semantics<subcore_parallel>], iteration_bounds = array<i64: 2, 16>, scalar_prefetch = 0 : i64, scratch_operands = 4 : i64, tpu.core_type = #tpu.core_type<sc_vector_subcore>, window_params = [{transform_indices = #map}, {transform_indices = #map1}, {transform_indices = #map2}]} {
    %mul3A = arith.constant 2 : i32
    %mul3A_0 = arith.muli %arg1, %mul3A : i32
    %add3A = arith.addi %mul3A_0, %arg0 : i32
    %mul3A_1 = arith.constant 3328 : i32
    %mul3A_2 = arith.muli %add3A, %mul3A_1 : i32
    "tpu.region"() ({
      %run_scoped3A = tpu.sem_alloc : memref<!tpu.dma_semaphore, #tpu.memory_space<semaphore_mem>>
      %dma_start3A_2127 = tpu.memref_slice %arg2[%mul3A_2] : memref<106496xi32, #tpu.memory_space<hbm>> -> memref<3328xi32, #tpu.memory_space<hbm>>
      %dma_start3A_2128 = tpu.memref_slice %arg2[%mul3A_2] : memref<106496xi32, #tpu.memory_space<hbm>> -> memref<3328xi32, #tpu.memory_space<hbm>>
      tpu.enqueue_dma source(%dma_start3A_2128 : memref<3328xi32, #tpu.memory_space<hbm>>) target(%arg5 : memref<3328xi32, #tpu.memory_space<vmem>>) target_semaphore(%run_scoped3A : memref<!tpu.dma_semaphore, #tpu.memory_space<semaphore_mem>>)
      %dma_wait3A_2129 = tpu.memref_slice %arg2[%mul3A_2] : memref<106496xi32, #tpu.memory_space<hbm>> -> memref<3328xi32, #tpu.memory_space<hbm>>
      %dma_wait3A_2130 = tpu.memref_slice %arg2[%mul3A_2] : memref<106496xi32, #tpu.memory_space<hbm>> -> memref<3328xi32, #tpu.memory_space<hbm>>
      tpu.wait_dma2 semaphore(%run_scoped3A : memref<!tpu.dma_semaphore, #tpu.memory_space<semaphore_mem>>) src(%dma_wait3A_2130 : memref<3328xi32, #tpu.memory_space<hbm>>) dst(%arg5 : memref<3328xi32, #tpu.memory_space<vmem>>)
      tpu.yield
    }) : () -> ()
    %scan3A = arith.constant 0 : i32
    %scan3A_3 = arith.constant 208 : i32
    %scan3A_4 = arith.addi %scan3A, %scan3A_3 : i32
    %scan3A_5 = arith.constant 1 : i32
    scf.for %scan3A_2127 = %scan3A to %scan3A_4 step %scan3A_5  : i32 {
      %mul3A_2128 = arith.constant 16 : i32
      %mul3A_2129 = arith.muli %scan3A_2127, %mul3A_2128 : i32
      %add3A_2130 = arith.addi %mul3A_2, %mul3A_2129 : i32
      %iota3A = tpu.iota {dimensions = array<i32: 0>} : vector<16xi32>
      %add3A_2131 = vector.broadcast %add3A_2130 : i32 to vector<16xi32>
      %add3A_2132 = arith.addi %add3A_2131, %iota3A : vector<16xi32>
      %shift_right_logical3A = arith.constant 12 : i32
      %shift_right_logical3A_2133 = vector.broadcast %shift_right_logical3A : i32 to vector<16xi32>
      %shift_right_logical3A_2134 = arith.shrui %add3A_2132, %shift_right_logical3A_2133 : vector<16xi32>
      %get3A = arith.index_cast %mul3A_2129 : i32 to index
      %get3A_2135 = tpu.vector_load %arg5[%get3A] {strides = array<i32>} : memref<3328xi32, #tpu.memory_space<vmem>>, vector<16xi32>,
      %get3A_2136 = vector.shape_cast %get3A_2135 : vector<16xi32> to vector<16xi32>
      %mul3A_2137 = arith.constant 1000 : i32
      %mul3A_2138 = vector.broadcast %mul3A_2137 : i32 to vector<16xi32>
      %mul3A_2139 = arith.muli %shift_right_logical3A_2134, %mul3A_2138 : vector<16xi32>
      %add3A_2140 = arith.addi %get3A_2136, %mul3A_2139 : vector<16xi32>
      %swap3A = arith.index_cast %mul3A_2129 : i32 to index
      %swap3A_2141 = tpu.vector_load %arg5[%swap3A] {strides = array<i32>} : memref<3328xi32, #tpu.memory_space<vmem>>, vector<16xi32>,
      %swap3A_2142 = vector.shape_cast %swap3A_2141 : vector<16xi32> to vector<16xi32>
      %swap3A_2143 = vector.shape_cast %add3A_2140 : vector<16xi32> to vector<16xi32>
      tpu.vector_store %arg5[%swap3A], %swap3A_2143 {strides = array<i32>} : memref<3328xi32, #tpu.memory_space<vmem>>, vector<16xi32>,
    }
    %scan3A_6 = arith.constant 208 : i32
    %dma_start3A = arith.constant 0 : i32
    %dma_start3A_7 = arith.constant 0 : i32
    %dma_start3A_8 = tpu.memref_slice %arg6[%dma_start3A, %dma_start3A_7] : memref<3328x32xf32, #tpu.memory_space<vmem>> -> memref<128x32xf32, #tpu.memory_space<vmem>>
    %dma_start3A_9 = arith.constant 0 : i32
    %dma_start3A_10 = tpu.memref_slice %arg5[%dma_start3A_9] : memref<3328xi32, #tpu.memory_space<vmem>> -> memref<128xi32, #tpu.memory_space<vmem>>
    %dma_start3A_11 = arith.constant 0 : i32
    %dma_start3A_12 = arith.constant 0 : i32
    %dma_start3A_13 = tpu.memref_slice %arg3[%dma_start3A_11, %dma_start3A_12] : memref<26000x32xf32, #tpu.memory_space<hbm>> -> memref<26000x32xf32, #tpu.memory_space<hbm>>
    tpu.enqueue_indirect_dma source(%dma_start3A_13 : memref<26000x32xf32, #tpu.memory_space<hbm>>) target(%dma_start3A_8 : memref<128x32xf32, #tpu.memory_space<vmem>>) offsets(%dma_start3A_10 : memref<128xi32, #tpu.memory_space<vmem>>) semaphore(%arg7 : memref<!tpu.dma_semaphore, #tpu.memory_space<semaphore_mem>>)
    %dma_start3A_14 = arith.constant 128 : i32
    %dma_start3A_15 = arith.constant 0 : i32
    %dma_start3A_16 = tpu.memref_slice %arg6[%dma_start3A_14, %dma_start3A_15] : memref<3328x32xf32, #tpu.memory_space<vmem>> -> memref<128x32xf32, #tpu.memory_space<vmem>>
    %dma_start3A_17 = arith.constant 128 : i32
    %dma_start3A_18 = tpu.memref_slice %arg5[%dma_start3A_17] : memref<3328xi32, #tpu.memory_space<vmem>> -> memref<128xi32, #tpu.memory_space<vmem>>
    %dma_start3A_19 = arith.constant 0 : i32
    %dma_start3A_20 = arith.constant 0 : i32
    %dma_start3A_21 = tpu.memref_slice %arg3[%dma_start3A_19, %dma_start3A_20] : memref<26000x32xf32, #tpu.memory_space<hbm>> -> memref<26000x32xf32, #tpu.memory_space<hbm>>
    tpu.enqueue_indirect_dma source(%dma_start3A_21 : memref<26000x32xf32, #tpu.memory_space<hbm>>) target(%dma_start3A_16 : memref<128x32xf32, #tpu.memory_space<vmem>>) offsets(%dma_start3A_18 : memref<128xi32, #tpu.memory_space<vmem>>) semaphore(%arg7 : memref<!tpu.dma_semaphore, #tpu.memory_space<semaphore_mem>>)
    %dma_start3A_22 = arith.constant 256 : i32
    %dma_start3A_23 = arith.constant 0 : i32
    %dma_start3A_24 = tpu.memref_slice %arg6[%dma_start3A_22, %dma_start3A_23] : memref<3328x32xf32, #tpu.memory_space<vmem>> -> memref<128x32xf32, #tpu.memory_space<vmem>>
    %dma_start3A_25 = arith.constant 256 : i32
    %dma_start3A_26 = tpu.memref_slice %arg5[%dma_start3A_25] : memref<3328xi32, #tpu.memory_space<vmem>> -> memref<128xi32, #tpu.memory_space<vmem>>
    %dma_start3A_27 = arith.constant 0 : i32
    %dma_start3A_28 = arith.constant 0 : i32
    %dma_start3A_29 = tpu.memref_slice %arg3[%dma_start3A_27, %dma_start3A_28] : memref<26000x32xf32, #tpu.memory_space<hbm>> -> memref<26000x32xf32, #tpu.memory_space<hbm>>
    tpu.enqueue_indirect_dma source(%dma_start3A_29 : memref<26000x32xf32, #tpu.memory_space<hbm>>) target(%dma_start3A_24 : memref<128x32xf32, #tpu.memory_space<vmem>>) offsets(%dma_start3A_26 : memref<128xi32, #tpu.memory_space<vmem>>) semaphore(%arg7 : memref<!tpu.dma_semaphore, #tpu.memory_space<semaphore_mem>>)
    %dma_start3A_30 = arith.constant 384 : i32
    %dma_start3A_31 = arith.constant 0 : i32
    %dma_start3A_32 = tpu.memref_slice %arg6[%dma_start3A_30, %dma_start3A_31] : memref<3328x32xf32, #tpu.memory_space<vmem>> -> memref<128x32xf32, #tpu.memory_space<vmem>>
    %dma_start3A_33 = arith.constant 384 : i32
    %dma_start3A_34 = tpu.memref_slice %arg5[%dma_start3A_33] : memref<3328xi32, #tpu.memory_space<vmem>> -> memref<128xi32, #tpu.memory_space<vmem>>
    %dma_start3A_35 = arith.constant 0 : i32
    %dma_start3A_36 = arith.constant 0 : i32
    %dma_start3A_37 = tpu.memref_slice %arg3[%dma_start3A_35, %dma_start3A_36] : memref<26000x32xf32, #tpu.memory_space<hbm>> -> memref<26000x32xf32, #tpu.memory_space<hbm>>
    tpu.enqueue_indirect_dma source(%dma_start3A_37 : memref<26000x32xf32, #tpu.memory_space<hbm>>) target(%dma_start3A_32 : memref<128x32xf32, #tpu.memory_space<vmem>>) offsets(%dma_start3A_34 : memref<128xi32, #tpu.memory_space<vmem>>) semaphore(%arg7 : memref<!tpu.dma_semaphore, #tpu.memory_space<semaphore_mem>>)
    %dma_start3A_38 = arith.constant 512 : i32
    %dma_start3A_39 = arith.constant 0 : i32
    %dma_start3A_40 = tpu.memref_slice %arg6[%dma_start3A_38, %dma_start3A_39] : memref<3328x32xf32, #tpu.memory_space<vmem>> -> memref<128x32xf32, #tpu.memory_space<vmem>>
    %dma_start3A_41 = arith.constant 512 : i32
    %dma_start3A_42 = tpu.memref_slice %arg5[%dma_start3A_41] : memref<3328xi32, #tpu.memory_space<vmem>> -> memref<128xi32, #tpu.memory_space<vmem>>
    %dma_start3A_43 = arith.constant 0 : i32
    %dma_start3A_44 = arith.constant 0 : i32
    %dma_start3A_45 = tpu.memref_slice %arg3[%dma_start3A_43, %dma_start3A_44] : memref<26000x32xf32, #tpu.memory_space<hbm>> -> memref<26000x32xf32, #tpu.memory_space<hbm>>
    tpu.enqueue_indirect_dma source(%dma_start3A_45 : memref<26000x32xf32, #tpu.memory_space<hbm>>) target(%dma_start3A_40 : memref<128x32xf32, #tpu.memory_space<vmem>>) offsets(%dma_start3A_42 : memref<128xi32, #tpu.memory_space<vmem>>) semaphore(%arg7 : memref<!tpu.dma_semaphore, #tpu.memory_space<semaphore_mem>>)
    %dma_start3A_46 = arith.constant 640 : i32
    %dma_start3A_47 = arith.constant 0 : i32
    %dma_start3A_48 = tpu.memref_slice %arg6[%dma_start3A_46, %dma_start3A_47] : memref<3328x32xf32, #tpu.memory_space<vmem>> -> memref<128x32xf32, #tpu.memory_space<vmem>>
    %dma_start3A_49 = arith.constant 640 : i32
    %dma_start3A_50 = tpu.memref_slice %arg5[%dma_start3A_49] : memref<3328xi32, #tpu.memory_space<vmem>> -> memref<128xi32, #tpu.memory_space<vmem>>
    %dma_start3A_51 = arith.constant 0 : i32
    %dma_start3A_52 = arith.constant 0 : i32
    %dma_start3A_53 = tpu.memref_slice %arg3[%dma_start3A_51, %dma_start3A_52] : memref<26000x32xf32, #tpu.memory_space<hbm>> -> memref<26000x32xf32, #tpu.memory_space<hbm>>
    tpu.enqueue_indirect_dma source(%dma_start3A_53 : memref<26000x32xf32, #tpu.memory_space<hbm>>) target(%dma_start3A_48 : memref<128x32xf32, #tpu.memory_space<vmem>>) offsets(%dma_start3A_50 : memref<128xi32, #tpu.memory_space<vmem>>) semaphore(%arg7 : memref<!tpu.dma_semaphore, #tpu.memory_space<semaphore_mem>>)
    %dma_start3A_54 = arith.constant 768 : i32
    %dma_start3A_55 = arith.constant 0 : i32
    %dma_start3A_56 = tpu.memref_slice %arg6[%dma_start3A_54, %dma_start3A_55] : memref<3328x32xf32, #tpu.memory_space<vmem>> -> memref<128x32xf32, #tpu.memory_space<vmem>>
    %dma_start3A_57 = arith.constant 768 : i32
    %dma_start3A_58 = tpu.memref_slice %arg5[%dma_start3A_57] : memref<3328xi32, #tpu.memory_space<vmem>> -> memref<128xi32, #tpu.memory_space<vmem>>
    %dma_start3A_59 = arith.constant 0 : i32
    %dma_start3A_60 = arith.constant 0 : i32
    %dma_start3A_61 = tpu.memref_slice %arg3[%dma_start3A_59, %dma_start3A_60] : memref<26000x32xf32, #tpu.memory_space<hbm>> -> memref<26000x32xf32, #tpu.memory_space<hbm>>
    tpu.enqueue_indirect_dma source(%dma_start3A_61 : memref<26000x32xf32, #tpu.memory_space<hbm>>) target(%dma_start3A_56 : memref<128x32xf32, #tpu.memory_space<vmem>>) offsets(%dma_start3A_58 : memref<128xi32, #tpu.memory_space<vmem>>) semaphore(%arg7 : memref<!tpu.dma_semaphore, #tpu.memory_space<semaphore_mem>>)
    %dma_start3A_62 = arith.constant 896 : i32
    %dma_start3A_63 = arith.constant 0 : i32
    %dma_start3A_64 = tpu.memref_slice %arg6[%dma_start3A_62, %dma_start3A_63] : memref<3328x32xf32, #tpu.memory_space<vmem>> -> memref<128x32xf32, #tpu.memory_space<vmem>>
    %dma_start3A_65 = arith.constant 896 : i32
    %dma_start3A_66 = tpu.memref_slice %arg5[%dma_start3A_65] : memref<3328xi32, #tpu.memory_space<vmem>> -> memref<128xi32, #tpu.memory_space<vmem>>
    %dma_start3A_67 = arith.constant 0 : i32
    %dma_start3A_68 = arith.constant 0 : i32
    %dma_start3A_69 = tpu.memref_slice %arg3[%dma_start3A_67, %dma_start3A_68] : memref<26000x32xf32, #tpu.memory_space<hbm>> -> memref<26000x32xf32, #tpu.memory_space<hbm>>
    tpu.enqueue_indirect_dma source(%dma_start3A_69 : memref<26000x32xf32, #tpu.memory_space<hbm>>) target(%dma_start3A_64 : memref<128x32xf32, #tpu.memory_space<vmem>>) offsets(%dma_start3A_66 : memref<128xi32, #tpu.memory_space<vmem>>) semaphore(%arg7 : memref<!tpu.dma_semaphore, #tpu.memory_space<semaphore_mem>>)
    %dma_start3A_70 = arith.constant 1024 : i32
    %dma_start3A_71 = arith.constant 0 : i32
    %dma_start3A_72 = tpu.memref_slice %arg6[%dma_start3A_70, %dma_start3A_71] : memref<3328x32xf32, #tpu.memory_space<vmem>> -> memref<128x32xf32, #tpu.memory_space<vmem>>
    %dma_start3A_73 = arith.constant 1024 : i32
    %dma_start3A_74 = tpu.memref_slice %arg5[%dma_start3A_73] : memref<3328xi32, #tpu.memory_space<vmem>> -> memref<128xi32, #tpu.memory_space<vmem>>
    %dma_start3A_75 = arith.constant 0 : i32
    %dma_start3A_76 = arith.constant 0 : i32
    %dma_start3A_77 = tpu.memref_slice %arg3[%dma_start3A_75, %dma_start3A_76] : memref<26000x32xf32, #tpu.memory_space<hbm>> -> memref<26000x32xf32, #tpu.memory_space<hbm>>
    tpu.enqueue_indirect_dma source(%dma_start3A_77 : memref<26000x32xf32, #tpu.memory_space<hbm>>) target(%dma_start3A_72 : memref<128x32xf32, #tpu.memory_space<vmem>>) offsets(%dma_start3A_74 : memref<128xi32, #tpu.memory_space<vmem>>) semaphore(%arg7 : memref<!tpu.dma_semaphore, #tpu.memory_space<semaphore_mem>>)
    %dma_start3A_78 = arith.constant 1152 : i32
    %dma_start3A_79 = arith.constant 0 : i32
    %dma_start3A_80 = tpu.memref_slice %arg6[%dma_start3A_78, %dma_start3A_79] : memref<3328x32xf32, #tpu.memory_space<vmem>> -> memref<128x32xf32, #tpu.memory_space<vmem>>
    %dma_start3A_81 = arith.constant 1152 : i32
    %dma_start3A_82 = tpu.memref_slice %arg5[%dma_start3A_81] : memref<3328xi32, #tpu.memory_space<vmem>> -> memref<128xi32, #tpu.memory_space<vmem>>
    %dma_start3A_83 = arith.constant 0 : i32
    %dma_start3A_84 = arith.constant 0 : i32
    %dma_start3A_85 = tpu.memref_slice %arg3[%dma_start3A_83, %dma_start3A_84] : memref<26000x32xf32, #tpu.memory_space<hbm>> -> memref<26000x32xf32, #tpu.memory_space<hbm>>
    tpu.enqueue_indirect_dma source(%dma_start3A_85 : memref<26000x32xf32, #tpu.memory_space<hbm>>) target(%dma_start3A_80 : memref<128x32xf32, #tpu.memory_space<vmem>>) offsets(%dma_start3A_82 : memref<128xi32, #tpu.memory_space<vmem>>) semaphore(%arg7 : memref<!tpu.dma_semaphore, #tpu.memory_space<semaphore_mem>>)
    %dma_start3A_86 = arith.constant 1280 : i32
    %dma_start3A_87 = arith.constant 0 : i32
    %dma_start3A_88 = tpu.memref_slice %arg6[%dma_start3A_86, %dma_start3A_87] : memref<3328x32xf32, #tpu.memory_space<vmem>> -> memref<128x32xf32, #tpu.memory_space<vmem>>
    %dma_start3A_89 = arith.constant 1280 : i32
    %dma_start3A_90 = tpu.memref_slice %arg5[%dma_start3A_89] : memref<3328xi32, #tpu.memory_space<vmem>> -> memref<128xi32, #tpu.memory_space<vmem>>
    %dma_start3A_91 = arith.constant 0 : i32
    %dma_start3A_92 = arith.constant 0 : i32
    %dma_start3A_93 = tpu.memref_slice %arg3[%dma_start3A_91, %dma_start3A_92] : memref<26000x32xf32, #tpu.memory_space<hbm>> -> memref<26000x32xf32, #tpu.memory_space<hbm>>
    tpu.enqueue_indirect_dma source(%dma_start3A_93 : memref<26000x32xf32, #tpu.memory_space<hbm>>) target(%dma_start3A_88 : memref<128x32xf32, #tpu.memory_space<vmem>>) offsets(%dma_start3A_90 : memref<128xi32, #tpu.memory_space<vmem>>) semaphore(%arg7 : memref<!tpu.dma_semaphore, #tpu.memory_space<semaphore_mem>>)
    %dma_start3A_94 = arith.constant 1408 : i32
    %dma_start3A_95 = arith.constant 0 : i32
    %dma_start3A_96 = tpu.memref_slice %arg6[%dma_start3A_94, %dma_start3A_95] : memref<3328x32xf32, #tpu.memory_space<vmem>> -> memref<128x32xf32, #tpu.memory_space<vmem>>
    %dma_start3A_97 = arith.constant 1408 : i32
    %dma_start3A_98 = tpu.memref_slice %arg5[%dma_start3A_97] : memref<3328xi32, #tpu.memory_space<vmem>> -> memref<128xi32, #tpu.memory_space<vmem>>
    %dma_start3A_99 = arith.constant 0 : i32
    %dma_start3A_100 = arith.constant 0 : i32
    %dma_start3A_101 = tpu.memref_slice %arg3[%dma_start3A_99, %dma_start3A_100] : memref<26000x32xf32, #tpu.memory_space<hbm>> -> memref<26000x32xf32, #tpu.memory_space<hbm>>
    tpu.enqueue_indirect_dma source(%dma_start3A_101 : memref<26000x32xf32, #tpu.memory_space<hbm>>) target(%dma_start3A_96 : memref<128x32xf32, #tpu.memory_space<vmem>>) offsets(%dma_start3A_98 : memref<128xi32, #tpu.memory_space<vmem>>) semaphore(%arg7 : memref<!tpu.dma_semaphore, #tpu.memory_space<semaphore_mem>>)
    %dma_start3A_102 = arith.constant 1536 : i32
    %dma_start3A_103 = arith.constant 0 : i32
    %dma_start3A_104 = tpu.memref_slice %arg6[%dma_start3A_102, %dma_start3A_103] : memref<3328x32xf32, #tpu.memory_space<vmem>> -> memref<128x32xf32, #tpu.memory_space<vmem>>
    %dma_start3A_105 = arith.constant 1536 : i32
    %dma_start3A_106 = tpu.memref_slice %arg5[%dma_start3A_105] : memref<3328xi32, #tpu.memory_space<vmem>> -> memref<128xi32, #tpu.memory_space<vmem>>
    %dma_start3A_107 = arith.constant 0 : i32
    %dma_start3A_108 = arith.constant 0 : i32
    %dma_start3A_109 = tpu.memref_slice %arg3[%dma_start3A_107, %dma_start3A_108] : memref<26000x32xf32, #tpu.memory_space<hbm>> -> memref<26000x32xf32, #tpu.memory_space<hbm>>
    tpu.enqueue_indirect_dma source(%dma_start3A_109 : memref<26000x32xf32, #tpu.memory_space<hbm>>) target(%dma_start3A_104 : memref<128x32xf32, #tpu.memory_space<vmem>>) offsets(%dma_start3A_106 : memref<128xi32, #tpu.memory_space<vmem>>) semaphore(%arg7 : memref<!tpu.dma_semaphore, #tpu.memory_space<semaphore_mem>>)
    %dma_start3A_110 = arith.constant 1664 : i32
    %dma_start3A_111 = arith.constant 0 : i32
    %dma_start3A_112 = tpu.memref_slice %arg6[%dma_start3A_110, %dma_start3A_111] : memref<3328x32xf32, #tpu.memory_space<vmem>> -> memref<128x32xf32, #tpu.memory_space<vmem>>
    %dma_start3A_113 = arith.constant 1664 : i32
    %dma_start3A_114 = tpu.memref_slice %arg5[%dma_start3A_113] : memref<3328xi32, #tpu.memory_space<vmem>> -> memref<128xi32, #tpu.memory_space<vmem>>
    %dma_start3A_115 = arith.constant 0 : i32
    %dma_start3A_116 = arith.constant 0 : i32
    %dma_start3A_117 = tpu.memref_slice %arg3[%dma_start3A_115, %dma_start3A_116] : memref<26000x32xf32, #tpu.memory_space<hbm>> -> memref<26000x32xf32, #tpu.memory_space<hbm>>
    tpu.enqueue_indirect_dma source(%dma_start3A_117 : memref<26000x32xf32, #tpu.memory_space<hbm>>) target(%dma_start3A_112 : memref<128x32xf32, #tpu.memory_space<vmem>>) offsets(%dma_start3A_114 : memref<128xi32, #tpu.memory_space<vmem>>) semaphore(%arg7 : memref<!tpu.dma_semaphore, #tpu.memory_space<semaphore_mem>>)
    %dma_start3A_118 = arith.constant 1792 : i32
    %dma_start3A_119 = arith.constant 0 : i32
    %dma_start3A_120 = tpu.memref_slice %arg6[%dma_start3A_118, %dma_start3A_119] : memref<3328x32xf32, #tpu.memory_space<vmem>> -> memref<128x32xf32, #tpu.memory_space<vmem>>
    %dma_start3A_121 = arith.constant 1792 : i32
    %dma_start3A_122 = tpu.memref_slice %arg5[%dma_start3A_121] : memref<3328xi32, #tpu.memory_space<vmem>> -> memref<128xi32, #tpu.memory_space<vmem>>
    %dma_start3A_123 = arith.constant 0 : i32
    %dma_start3A_124 = arith.constant 0 : i32
    %dma_start3A_125 = tpu.memref_slice %arg3[%dma_start3A_123, %dma_start3A_124] : memref<26000x32xf32, #tpu.memory_space<hbm>> -> memref<26000x32xf32, #tpu.memory_space<hbm>>
    tpu.enqueue_indirect_dma source(%dma_start3A_125 : memref<26000x32xf32, #tpu.memory_space<hbm>>) target(%dma_start3A_120 : memref<128x32xf32, #tpu.memory_space<vmem>>) offsets(%dma_start3A_122 : memref<128xi32, #tpu.memory_space<vmem>>) semaphore(%arg7 : memref<!tpu.dma_semaphore, #tpu.memory_space<semaphore_mem>>)
    %dma_start3A_126 = arith.constant 1920 : i32
    %dma_start3A_127 = arith.constant 0 : i32
    %dma_start3A_128 = tpu.memref_slice %arg6[%dma_start3A_126, %dma_start3A_127] : memref<3328x32xf32, #tpu.memory_space<vmem>> -> memref<128x32xf32, #tpu.memory_space<vmem>>
    %dma_start3A_129 = arith.constant 1920 : i32
    %dma_start3A_130 = tpu.memref_slice %arg5[%dma_start3A_129] : memref<3328xi32, #tpu.memory_space<vmem>> -> memref<128xi32, #tpu.memory_space<vmem>>
    %dma_start3A_131 = arith.constant 0 : i32
    %dma_start3A_132 = arith.constant 0 : i32
    %dma_start3A_133 = tpu.memref_slice %arg3[%dma_start3A_131, %dma_start3A_132] : memref<26000x32xf32, #tpu.memory_space<hbm>> -> memref<26000x32xf32, #tpu.memory_space<hbm>>
    tpu.enqueue_indirect_dma source(%dma_start3A_133 : memref<26000x32xf32, #tpu.memory_space<hbm>>) target(%dma_start3A_128 : memref<128x32xf32, #tpu.memory_space<vmem>>) offsets(%dma_start3A_130 : memref<128xi32, #tpu.memory_space<vmem>>) semaphore(%arg7 : memref<!tpu.dma_semaphore, #tpu.memory_space<semaphore_mem>>)
    %dma_start3A_134 = arith.constant 2048 : i32
    %dma_start3A_135 = arith.constant 0 : i32
    %dma_start3A_136 = tpu.memref_slice %arg6[%dma_start3A_134, %dma_start3A_135] : memref<3328x32xf32, #tpu.memory_space<vmem>> -> memref<128x32xf32, #tpu.memory_space<vmem>>
    %dma_start3A_137 = arith.constant 2048 : i32
    %dma_start3A_138 = tpu.memref_slice %arg5[%dma_start3A_137] : memref<3328xi32, #tpu.memory_space<vmem>> -> memref<128xi32, #tpu.memory_space<vmem>>
    %dma_start3A_139 = arith.constant 0 : i32
    %dma_start3A_140 = arith.constant 0 : i32
    %dma_start3A_141 = tpu.memref_slice %arg3[%dma_start3A_139, %dma_start3A_140] : memref<26000x32xf32, #tpu.memory_space<hbm>> -> memref<26000x32xf32, #tpu.memory_space<hbm>>
    tpu.enqueue_indirect_dma source(%dma_start3A_141 : memref<26000x32xf32, #tpu.memory_space<hbm>>) target(%dma_start3A_136 : memref<128x32xf32, #tpu.memory_space<vmem>>) offsets(%dma_start3A_138 : memref<128xi32, #tpu.memory_space<vmem>>) semaphore(%arg7 : memref<!tpu.dma_semaphore, #tpu.memory_space<semaphore_mem>>)
    %dma_start3A_142 = arith.constant 2176 : i32
    %dma_start3A_143 = arith.constant 0 : i32
    %dma_start3A_144 = tpu.memref_slice %arg6[%dma_start3A_142, %dma_start3A_143] : memref<3328x32xf32, #tpu.memory_space<vmem>> -> memref<128x32xf32, #tpu.memory_space<vmem>>
    %dma_start3A_145 = arith.constant 2176 : i32
    %dma_start3A_146 = tpu.memref_slice %arg5[%dma_start3A_145] : memref<3328xi32, #tpu.memory_space<vmem>> -> memref<128xi32, #tpu.memory_space<vmem>>
    %dma_start3A_147 = arith.constant 0 : i32
    %dma_start3A_148 = arith.constant 0 : i32
    %dma_start3A_149 = tpu.memref_slice %arg3[%dma_start3A_147, %dma_start3A_148] : memref<26000x32xf32, #tpu.memory_space<hbm>> -> memref<26000x32xf32, #tpu.memory_space<hbm>>
    tpu.enqueue_indirect_dma source(%dma_start3A_149 : memref<26000x32xf32, #tpu.memory_space<hbm>>) target(%dma_start3A_144 : memref<128x32xf32, #tpu.memory_space<vmem>>) offsets(%dma_start3A_146 : memref<128xi32, #tpu.memory_space<vmem>>) semaphore(%arg7 : memref<!tpu.dma_semaphore, #tpu.memory_space<semaphore_mem>>)
    %dma_start3A_150 = arith.constant 2304 : i32
    %dma_start3A_151 = arith.constant 0 : i32
    %dma_start3A_152 = tpu.memref_slice %arg6[%dma_start3A_150, %dma_start3A_151] : memref<3328x32xf32, #tpu.memory_space<vmem>> -> memref<128x32xf32, #tpu.memory_space<vmem>>
    %dma_start3A_153 = arith.constant 2304 : i32
    %dma_start3A_154 = tpu.memref_slice %arg5[%dma_start3A_153] : memref<3328xi32, #tpu.memory_space<vmem>> -> memref<128xi32, #tpu.memory_space<vmem>>
    %dma_start3A_155 = arith.constant 0 : i32
    %dma_start3A_156 = arith.constant 0 : i32
    %dma_start3A_157 = tpu.memref_slice %arg3[%dma_start3A_155, %dma_start3A_156] : memref<26000x32xf32, #tpu.memory_space<hbm>> -> memref<26000x32xf32, #tpu.memory_space<hbm>>
    tpu.enqueue_indirect_dma source(%dma_start3A_157 : memref<26000x32xf32, #tpu.memory_space<hbm>>) target(%dma_start3A_152 : memref<128x32xf32, #tpu.memory_space<vmem>>) offsets(%dma_start3A_154 : memref<128xi32, #tpu.memory_space<vmem>>) semaphore(%arg7 : memref<!tpu.dma_semaphore, #tpu.memory_space<semaphore_mem>>)
    %dma_start3A_158 = arith.constant 2432 : i32
    %dma_start3A_159 = arith.constant 0 : i32
    %dma_start3A_160 = tpu.memref_slice %arg6[%dma_start3A_158, %dma_start3A_159] : memref<3328x32xf32, #tpu.memory_space<vmem>> -> memref<128x32xf32, #tpu.memory_space<vmem>>
    %dma_start3A_161 = arith.constant 2432 : i32
    %dma_start3A_162 = tpu.memref_slice %arg5[%dma_start3A_161] : memref<3328xi32, #tpu.memory_space<vmem>> -> memref<128xi32, #tpu.memory_space<vmem>>
    %dma_start3A_163 = arith.constant 0 : i32
    %dma_start3A_164 = arith.constant 0 : i32
    %dma_start3A_165 = tpu.memref_slice %arg3[%dma_start3A_163, %dma_start3A_164] : memref<26000x32xf32, #tpu.memory_space<hbm>> -> memref<26000x32xf32, #tpu.memory_space<hbm>>
    tpu.enqueue_indirect_dma source(%dma_start3A_165 : memref<26000x32xf32, #tpu.memory_space<hbm>>) target(%dma_start3A_160 : memref<128x32xf32, #tpu.memory_space<vmem>>) offsets(%dma_start3A_162 : memref<128xi32, #tpu.memory_space<vmem>>) semaphore(%arg7 : memref<!tpu.dma_semaphore, #tpu.memory_space<semaphore_mem>>)
    %dma_start3A_166 = arith.constant 2560 : i32
    %dma_start3A_167 = arith.constant 0 : i32
    %dma_start3A_168 = tpu.memref_slice %arg6[%dma_start3A_166, %dma_start3A_167] : memref<3328x32xf32, #tpu.memory_space<vmem>> -> memref<128x32xf32, #tpu.memory_space<vmem>>
    %dma_start3A_169 = arith.constant 2560 : i32
    %dma_start3A_170 = tpu.memref_slice %arg5[%dma_start3A_169] : memref<3328xi32, #tpu.memory_space<vmem>> -> memref<128xi32, #tpu.memory_space<vmem>>
    %dma_start3A_171 = arith.constant 0 : i32
    %dma_start3A_172 = arith.constant 0 : i32
    %dma_start3A_173 = tpu.memref_slice %arg3[%dma_start3A_171, %dma_start3A_172] : memref<26000x32xf32, #tpu.memory_space<hbm>> -> memref<26000x32xf32, #tpu.memory_space<hbm>>
    tpu.enqueue_indirect_dma source(%dma_start3A_173 : memref<26000x32xf32, #tpu.memory_space<hbm>>) target(%dma_start3A_168 : memref<128x32xf32, #tpu.memory_space<vmem>>) offsets(%dma_start3A_170 : memref<128xi32, #tpu.memory_space<vmem>>) semaphore(%arg7 : memref<!tpu.dma_semaphore, #tpu.memory_space<semaphore_mem>>)
    %dma_start3A_174 = arith.constant 2688 : i32
    %dma_start3A_175 = arith.constant 0 : i32
    %dma_start3A_176 = tpu.memref_slice %arg6[%dma_start3A_174, %dma_start3A_175] : memref<3328x32xf32, #tpu.memory_space<vmem>> -> memref<128x32xf32, #tpu.memory_space<vmem>>
    %dma_start3A_177 = arith.constant 2688 : i32
    %dma_start3A_178 = tpu.memref_slice %arg5[%dma_start3A_177] : memref<3328xi32, #tpu.memory_space<vmem>> -> memref<128xi32, #tpu.memory_space<vmem>>
    %dma_start3A_179 = arith.constant 0 : i32
    %dma_start3A_180 = arith.constant 0 : i32
    %dma_start3A_181 = tpu.memref_slice %arg3[%dma_start3A_179, %dma_start3A_180] : memref<26000x32xf32, #tpu.memory_space<hbm>> -> memref<26000x32xf32, #tpu.memory_space<hbm>>
    tpu.enqueue_indirect_dma source(%dma_start3A_181 : memref<26000x32xf32, #tpu.memory_space<hbm>>) target(%dma_start3A_176 : memref<128x32xf32, #tpu.memory_space<vmem>>) offsets(%dma_start3A_178 : memref<128xi32, #tpu.memory_space<vmem>>) semaphore(%arg7 : memref<!tpu.dma_semaphore, #tpu.memory_space<semaphore_mem>>)
    %dma_start3A_182 = arith.constant 2816 : i32
    %dma_start3A_183 = arith.constant 0 : i32
    %dma_start3A_184 = tpu.memref_slice %arg6[%dma_start3A_182, %dma_start3A_183] : memref<3328x32xf32, #tpu.memory_space<vmem>> -> memref<128x32xf32, #tpu.memory_space<vmem>>
    %dma_start3A_185 = arith.constant 2816 : i32
    %dma_start3A_186 = tpu.memref_slice %arg5[%dma_start3A_185] : memref<3328xi32, #tpu.memory_space<vmem>> -> memref<128xi32, #tpu.memory_space<vmem>>
    %dma_start3A_187 = arith.constant 0 : i32
    %dma_start3A_188 = arith.constant 0 : i32
    %dma_start3A_189 = tpu.memref_slice %arg3[%dma_start3A_187, %dma_start3A_188] : memref<26000x32xf32, #tpu.memory_space<hbm>> -> memref<26000x32xf32, #tpu.memory_space<hbm>>
    tpu.enqueue_indirect_dma source(%dma_start3A_189 : memref<26000x32xf32, #tpu.memory_space<hbm>>) target(%dma_start3A_184 : memref<128x32xf32, #tpu.memory_space<vmem>>) offsets(%dma_start3A_186 : memref<128xi32, #tpu.memory_space<vmem>>) semaphore(%arg7 : memref<!tpu.dma_semaphore, #tpu.memory_space<semaphore_mem>>)
    %dma_start3A_190 = arith.constant 2944 : i32
    %dma_start3A_191 = arith.constant 0 : i32
    %dma_start3A_192 = tpu.memref_slice %arg6[%dma_start3A_190, %dma_start3A_191] : memref<3328x32xf32, #tpu.memory_space<vmem>> -> memref<128x32xf32, #tpu.memory_space<vmem>>
    %dma_start3A_193 = arith.constant 2944 : i32
    %dma_start3A_194 = tpu.memref_slice %arg5[%dma_start3A_193] : memref<3328xi32, #tpu.memory_space<vmem>> -> memref<128xi32, #tpu.memory_space<vmem>>
    %dma_start3A_195 = arith.constant 0 : i32
    %dma_start3A_196 = arith.constant 0 : i32
    %dma_start3A_197 = tpu.memref_slice %arg3[%dma_start3A_195, %dma_start3A_196] : memref<26000x32xf32, #tpu.memory_space<hbm>> -> memref<26000x32xf32, #tpu.memory_space<hbm>>
    tpu.enqueue_indirect_dma source(%dma_start3A_197 : memref<26000x32xf32, #tpu.memory_space<hbm>>) target(%dma_start3A_192 : memref<128x32xf32, #tpu.memory_space<vmem>>) offsets(%dma_start3A_194 : memref<128xi32, #tpu.memory_space<vmem>>) semaphore(%arg7 : memref<!tpu.dma_semaphore, #tpu.memory_space<semaphore_mem>>)
    %dma_start3A_198 = arith.constant 3072 : i32
    %dma_start3A_199 = arith.constant 0 : i32
    %dma_start3A_200 = tpu.memref_slice %arg6[%dma_start3A_198, %dma_start3A_199] : memref<3328x32xf32, #tpu.memory_space<vmem>> -> memref<128x32xf32, #tpu.memory_space<vmem>>
    %dma_start3A_201 = arith.constant 3072 : i32
    %dma_start3A_202 = tpu.memref_slice %arg5[%dma_start3A_201] : memref<3328xi32, #tpu.memory_space<vmem>> -> memref<128xi32, #tpu.memory_space<vmem>>
    %dma_start3A_203 = arith.constant 0 : i32
    %dma_start3A_204 = arith.constant 0 : i32
    %dma_start3A_205 = tpu.memref_slice %arg3[%dma_start3A_203, %dma_start3A_204] : memref<26000x32xf32, #tpu.memory_space<hbm>> -> memref<26000x32xf32, #tpu.memory_space<hbm>>
    tpu.enqueue_indirect_dma source(%dma_start3A_205 : memref<26000x32xf32, #tpu.memory_space<hbm>>) target(%dma_start3A_200 : memref<128x32xf32, #tpu.memory_space<vmem>>) offsets(%dma_start3A_202 : memref<128xi32, #tpu.memory_space<vmem>>) semaphore(%arg7 : memref<!tpu.dma_semaphore, #tpu.memory_space<semaphore_mem>>)
    %dma_start3A_206 = arith.constant 3200 : i32
    %dma_start3A_207 = arith.constant 0 : i32
    %dma_start3A_208 = tpu.memref_slice %arg6[%dma_start3A_206, %dma_start3A_207] : memref<3328x32xf32, #tpu.memory_space<vmem>> -> memref<128x32xf32, #tpu.memory_space<vmem>>
    %dma_start3A_209 = arith.constant 3200 : i32
    %dma_start3A_210 = tpu.memref_slice %arg5[%dma_start3A_209] : memref<3328xi32, #tpu.memory_space<vmem>> -> memref<128xi32, #tpu.memory_space<vmem>>
    %dma_start3A_211 = arith.constant 0 : i32
    %dma_start3A_212 = arith.constant 0 : i32
    %dma_start3A_213 = tpu.memref_slice %arg3[%dma_start3A_211, %dma_start3A_212] : memref<26000x32xf32, #tpu.memory_space<hbm>> -> memref<26000x32xf32, #tpu.memory_space<hbm>>
    tpu.enqueue_indirect_dma source(%dma_start3A_213 : memref<26000x32xf32, #tpu.memory_space<hbm>>) target(%dma_start3A_208 : memref<128x32xf32, #tpu.memory_space<vmem>>) offsets(%dma_start3A_210 : memref<128xi32, #tpu.memory_space<vmem>>) semaphore(%arg7 : memref<!tpu.dma_semaphore, #tpu.memory_space<semaphore_mem>>)
    %dma_wait3A = arith.constant 0 : i32
    %dma_wait3A_214 = arith.constant 0 : i32
    %dma_wait3A_215 = tpu.memref_slice %arg6[%dma_wait3A, %dma_wait3A_214] : memref<3328x32xf32, #tpu.memory_space<vmem>> -> memref<128x32xf32, #tpu.memory_space<vmem>>
    %dma_wait3A_216 = arith.constant 0 : i32
    %dma_wait3A_217 = tpu.memref_slice %arg5[%dma_wait3A_216] : memref<3328xi32, #tpu.memory_space<vmem>> -> memref<128xi32, #tpu.memory_space<vmem>>
    %dma_wait3A_218 = arith.constant 0 : i32
    %dma_wait3A_219 = arith.constant 0 : i32
    %dma_wait3A_220 = tpu.memref_slice %arg3[%dma_wait3A_218, %dma_wait3A_219] : memref<26000x32xf32, #tpu.memory_space<hbm>> -> memref<26000x32xf32, #tpu.memory_space<hbm>>
    tpu.wait_indirect_dma semaphore(%arg7 : memref<!tpu.dma_semaphore, #tpu.memory_space<semaphore_mem>>) src(%dma_wait3A_220 : memref<26000x32xf32, #tpu.memory_space<hbm>>) dst(%dma_wait3A_215 : memref<128x32xf32, #tpu.memory_space<vmem>>)
    %add3A_221 = arith.constant 0 : i32
    %add3A_222 = arith.addi %mul3A_2, %add3A_221 : i32
    %jit3A = arith.constant 4096 : i32
    %div3A = arith.divsi %add3A_222, %jit3A : i32
    %sign3A = arith.constant 0 : i32
    %sign3A_223 = arith.cmpi sgt, %add3A_222, %sign3A : i32
    %sign3A_224 = arith.extui %sign3A_223 : i1 to i32
    %sign3A_225 = arith.constant 0 : i32
    %sign3A_226 = arith.cmpi slt, %add3A_222, %sign3A_225 : i32
    %sign3A_227 = arith.extui %sign3A_226 : i1 to i32
    %sign3A_228 = arith.subi %sign3A_224, %sign3A_227 : i32
    %sign3A_229 = arith.constant 0 : i32
    %sign3A_230 = arith.cmpi sgt, %jit3A, %sign3A_229 : i32
    %sign3A_231 = arith.extui %sign3A_230 : i1 to i32
    %sign3A_232 = arith.constant 0 : i32
    %sign3A_233 = arith.cmpi slt, %jit3A, %sign3A_232 : i32
    %sign3A_234 = arith.extui %sign3A_233 : i1 to i32
    %sign3A_235 = arith.subi %sign3A_231, %sign3A_234 : i32
    %ne3A = arith.cmpi ne, %sign3A_228, %sign3A_235 : i32
    %rem3A = arith.remsi %add3A_222, %jit3A : i32
    %ne3A_236 = arith.constant 0 : i32
    %ne3A_237 = arith.cmpi ne, %rem3A, %ne3A_236 : i32
    %and3A = arith.andi %ne3A, %ne3A_237 : i1
    %sub3A = arith.constant 1 : i32
    %sub3A_238 = arith.subi %div3A, %sub3A : i32
    %select_n3A = arith.select %and3A, %sub3A_238, %div3A : i32
    %jit3A_239 = arith.constant 4096 : i32
    %eq3A = arith.constant 0 : i32
    %eq3A_240 = arith.cmpi eq, %jit3A_239, %eq3A : i32
    %jit3A_241 = arith.constant 1 : i32
    %select_n3A_242 = arith.select %eq3A_240, %jit3A_241, %jit3A_239 : i32
    %rem3A_243 = arith.remsi %add3A_222, %select_n3A_242 : i32
    %ne3A_244 = arith.constant 0 : i32
    %ne3A_245 = arith.cmpi ne, %rem3A_243, %ne3A_244 : i32
    %lt3A = arith.constant 0 : i32
    %lt3A_246 = arith.cmpi slt, %rem3A_243, %lt3A : i32
    %lt3A_247 = arith.constant 0 : i32
    %lt3A_248 = arith.cmpi slt, %select_n3A_242, %lt3A_247 : i32
    %ne3A_249 = arith.xori %lt3A_246, %lt3A_248 : i1
    %and3A_250 = arith.andi %ne3A_249, %ne3A_245 : i1
    %add3A_251 = arith.addi %rem3A_243, %select_n3A_242 : i32
    %select_n3A_252 = arith.select %and3A_250, %add3A_251, %rem3A_243 : i32
    %dma_start3A_253 = arith.constant 0 : i32
    %dma_start3A_254 = arith.constant 0 : i32
    %dma_start3A_255 = tpu.memref_slice %arg6[%dma_start3A_253, %dma_start3A_254] : memref<3328x32xf32, #tpu.memory_space<vmem>> -> memref<128x32xf32, #tpu.memory_space<vmem>>
    %dma_start3A_256 = arith.constant 0 : i32
    %dma_start3A_257 = tpu.memref_slice %arg4[%select_n3A, %select_n3A_252, %dma_start3A_256] : memref<26x4096x128xf32, #tpu.memory_space<hbm>> -> memref<1x128x32xf32, #tpu.memory_space<hbm>>
    %dma_start3A_258 = tpu.memref_squeeze %dma_start3A_257 : memref<1x128x32xf32, #tpu.memory_space<hbm>> -> memref<128x32xf32, #tpu.memory_space<hbm>>
    %dma_start3A_259 = arith.constant 0 : i32
    %dma_start3A_260 = tpu.memref_slice %arg4[%select_n3A, %select_n3A_252, %dma_start3A_259] : memref<26x4096x128xf32, #tpu.memory_space<hbm>> -> memref<1x128x32xf32, #tpu.memory_space<hbm>>
    %dma_start3A_261 = tpu.memref_squeeze %dma_start3A_260 : memref<1x128x32xf32, #tpu.memory_space<hbm>> -> memref<128x32xf32, #tpu.memory_space<hbm>>
    %dma_start3A_262 = arith.constant 0 : i32
    %dma_start3A_263 = arith.constant 0 : i32
    %dma_start3A_264 = tpu.memref_slice %arg6[%dma_start3A_262, %dma_start3A_263] : memref<3328x32xf32, #tpu.memory_space<vmem>> -> memref<128x32xf32, #tpu.memory_space<vmem>>
    tpu.enqueue_dma source(%dma_start3A_264 : memref<128x32xf32, #tpu.memory_space<vmem>>) target(%dma_start3A_261 : memref<128x32xf32, #tpu.memory_space<hbm>>) target_semaphore(%arg8 : memref<!tpu.dma_semaphore, #tpu.memory_space<semaphore_mem>>)
    %dma_wait3A_265 = arith.constant 128 : i32
    %dma_wait3A_266 = arith.constant 0 : i32
    %dma_wait3A_267 = tpu.memref_slice %arg6[%dma_wait3A_265, %dma_wait3A_266] : memref<3328x32xf32, #tpu.memory_space<vmem>> -> memref<128x32xf32, #tpu.memory_space<vmem>>
    %dma_wait3A_268 = arith.constant 128 : i32
    %dma_wait3A_269 = tpu.memref_slice %arg5[%dma_wait3A_268] : memref<3328xi32, #tpu.memory_space<vmem>> -> memref<128xi32, #tpu.memory_space<vmem>>
    %dma_wait3A_270 = arith.constant 0 : i32
    %dma_wait3A_271 = arith.constant 0 : i32
    %dma_wait3A_272 = tpu.memref_slice %arg3[%dma_wait3A_270, %dma_wait3A_271] : memref<26000x32xf32, #tpu.memory_space<hbm>> -> memref<26000x32xf32, #tpu.memory_space<hbm>>
    tpu.wait_indirect_dma semaphore(%arg7 : memref<!tpu.dma_semaphore, #tpu.memory_space<semaphore_mem>>) src(%dma_wait3A_272 : memref<26000x32xf32, #tpu.memory_space<hbm>>) dst(%dma_wait3A_267 : memref<128x32xf32, #tpu.memory_space<vmem>>)
    %add3A_273 = arith.constant 128 : i32
    %add3A_274 = arith.addi %mul3A_2, %add3A_273 : i32
    %jit3A_275 = arith.constant 4096 : i32
    %div3A_276 = arith.divsi %add3A_274, %jit3A_275 : i32
    %sign3A_277 = arith.constant 0 : i32
    %sign3A_278 = arith.cmpi sgt, %add3A_274, %sign3A_277 : i32
    %sign3A_279 = arith.extui %sign3A_278 : i1 to i32
    %sign3A_280 = arith.constant 0 : i32
    %sign3A_281 = arith.cmpi slt, %add3A_274, %sign3A_280 : i32
    %sign3A_282 = arith.extui %sign3A_281 : i1 to i32
    %sign3A_283 = arith.subi %sign3A_279, %sign3A_282 : i32
    %sign3A_284 = arith.constant 0 : i32
    %sign3A_285 = arith.cmpi sgt, %jit3A_275, %sign3A_284 : i32
    %sign3A_286 = arith.extui %sign3A_285 : i1 to i32
    %sign3A_287 = arith.constant 0 : i32
    %sign3A_288 = arith.cmpi slt, %jit3A_275, %sign3A_287 : i32
    %sign3A_289 = arith.extui %sign3A_288 : i1 to i32
    %sign3A_290 = arith.subi %sign3A_286, %sign3A_289 : i32
    %ne3A_291 = arith.cmpi ne, %sign3A_283, %sign3A_290 : i32
    %rem3A_292 = arith.remsi %add3A_274, %jit3A_275 : i32
    %ne3A_293 = arith.constant 0 : i32
    %ne3A_294 = arith.cmpi ne, %rem3A_292, %ne3A_293 : i32
    %and3A_295 = arith.andi %ne3A_291, %ne3A_294 : i1
    %sub3A_296 = arith.constant 1 : i32
    %sub3A_297 = arith.subi %div3A_276, %sub3A_296 : i32
    %select_n3A_298 = arith.select %and3A_295, %sub3A_297, %div3A_276 : i32
    %jit3A_299 = arith.constant 4096 : i32
    %eq3A_300 = arith.constant 0 : i32
    %eq3A_301 = arith.cmpi eq, %jit3A_299, %eq3A_300 : i32
    %jit3A_302 = arith.constant 1 : i32
    %select_n3A_303 = arith.select %eq3A_301, %jit3A_302, %jit3A_299 : i32
    %rem3A_304 = arith.remsi %add3A_274, %select_n3A_303 : i32
    %ne3A_305 = arith.constant 0 : i32
    %ne3A_306 = arith.cmpi ne, %rem3A_304, %ne3A_305 : i32
    %lt3A_307 = arith.constant 0 : i32
    %lt3A_308 = arith.cmpi slt, %rem3A_304, %lt3A_307 : i32
    %lt3A_309 = arith.constant 0 : i32
    %lt3A_310 = arith.cmpi slt, %select_n3A_303, %lt3A_309 : i32
    %ne3A_311 = arith.xori %lt3A_308, %lt3A_310 : i1
    %and3A_312 = arith.andi %ne3A_311, %ne3A_306 : i1
    %add3A_313 = arith.addi %rem3A_304, %select_n3A_303 : i32
    %select_n3A_314 = arith.select %and3A_312, %add3A_313, %rem3A_304 : i32
    %dma_start3A_315 = arith.constant 128 : i32
    %dma_start3A_316 = arith.constant 0 : i32
    %dma_start3A_317 = tpu.memref_slice %arg6[%dma_start3A_315, %dma_start3A_316] : memref<3328x32xf32, #tpu.memory_space<vmem>> -> memref<128x32xf32, #tpu.memory_space<vmem>>
    %dma_start3A_318 = arith.constant 0 : i32
    %dma_start3A_319 = tpu.memref_slice %arg4[%select_n3A_298, %select_n3A_314, %dma_start3A_318] : memref<26x4096x128xf32, #tpu.memory_space<hbm>> -> memref<1x128x32xf32, #tpu.memory_space<hbm>>
    %dma_start3A_320 = tpu.memref_squeeze %dma_start3A_319 : memref<1x128x32xf32, #tpu.memory_space<hbm>> -> memref<128x32xf32, #tpu.memory_space<hbm>>
    %dma_start3A_321 = arith.constant 0 : i32
    %dma_start3A_322 = tpu.memref_slice %arg4[%select_n3A_298, %select_n3A_314, %dma_start3A_321] : memref<26x4096x128xf32, #tpu.memory_space<hbm>> -> memref<1x128x32xf32, #tpu.memory_space<hbm>>
    %dma_start3A_323 = tpu.memref_squeeze %dma_start3A_322 : memref<1x128x32xf32, #tpu.memory_space<hbm>> -> memref<128x32xf32, #tpu.memory_space<hbm>>
    %dma_start3A_324 = arith.constant 128 : i32
    %dma_start3A_325 = arith.constant 0 : i32
    %dma_start3A_326 = tpu.memref_slice %arg6[%dma_start3A_324, %dma_start3A_325] : memref<3328x32xf32, #tpu.memory_space<vmem>> -> memref<128x32xf32, #tpu.memory_space<vmem>>
    tpu.enqueue_dma source(%dma_start3A_326 : memref<128x32xf32, #tpu.memory_space<vmem>>) target(%dma_start3A_323 : memref<128x32xf32, #tpu.memory_space<hbm>>) target_semaphore(%arg8 : memref<!tpu.dma_semaphore, #tpu.memory_space<semaphore_mem>>)
    %dma_wait3A_327 = arith.constant 256 : i32
    %dma_wait3A_328 = arith.constant 0 : i32
    %dma_wait3A_329 = tpu.memref_slice %arg6[%dma_wait3A_327, %dma_wait3A_328] : memref<3328x32xf32, #tpu.memory_space<vmem>> -> memref<128x32xf32, #tpu.memory_space<vmem>>
    %dma_wait3A_330 = arith.constant 256 : i32
    %dma_wait3A_331 = tpu.memref_slice %arg5[%dma_wait3A_330] : memref<3328xi32, #tpu.memory_space<vmem>> -> memref<128xi32, #tpu.memory_space<vmem>>
    %dma_wait3A_332 = arith.constant 0 : i32
    %dma_wait3A_333 = arith.constant 0 : i32
    %dma_wait3A_334 = tpu.memref_slice %arg3[%dma_wait3A_332, %dma_wait3A_333] : memref<26000x32xf32, #tpu.memory_space<hbm>> -> memref<26000x32xf32, #tpu.memory_space<hbm>>
    tpu.wait_indirect_dma semaphore(%arg7 : memref<!tpu.dma_semaphore, #tpu.memory_space<semaphore_mem>>) src(%dma_wait3A_334 : memref<26000x32xf32, #tpu.memory_space<hbm>>) dst(%dma_wait3A_329 : memref<128x32xf32, #tpu.memory_space<vmem>>)
    %add3A_335 = arith.constant 256 : i32
    %add3A_336 = arith.addi %mul3A_2, %add3A_335 : i32
    %jit3A_337 = arith.constant 4096 : i32
    %div3A_338 = arith.divsi %add3A_336, %jit3A_337 : i32
    %sign3A_339 = arith.constant 0 : i32
    %sign3A_340 = arith.cmpi sgt, %add3A_336, %sign3A_339 : i32
    %sign3A_341 = arith.extui %sign3A_340 : i1 to i32
    %sign3A_342 = arith.constant 0 : i32
    %sign3A_343 = arith.cmpi slt, %add3A_336, %sign3A_342 : i32
    %sign3A_344 = arith.extui %sign3A_343 : i1 to i32
    %sign3A_345 = arith.subi %sign3A_341, %sign3A_344 : i32
    %sign3A_346 = arith.constant 0 : i32
    %sign3A_347 = arith.cmpi sgt, %jit3A_337, %sign3A_346 : i32
    %sign3A_348 = arith.extui %sign3A_347 : i1 to i32
    %sign3A_349 = arith.constant 0 : i32
    %sign3A_350 = arith.cmpi slt, %jit3A_337, %sign3A_349 : i32
    %sign3A_351 = arith.extui %sign3A_350 : i1 to i32
    %sign3A_352 = arith.subi %sign3A_348, %sign3A_351 : i32
    %ne3A_353 = arith.cmpi ne, %sign3A_345, %sign3A_352 : i32
    %rem3A_354 = arith.remsi %add3A_336, %jit3A_337 : i32
    %ne3A_355 = arith.constant 0 : i32
    %ne3A_356 = arith.cmpi ne, %rem3A_354, %ne3A_355 : i32
    %and3A_357 = arith.andi %ne3A_353, %ne3A_356 : i1
    %sub3A_358 = arith.constant 1 : i32
    %sub3A_359 = arith.subi %div3A_338, %sub3A_358 : i32
    %select_n3A_360 = arith.select %and3A_357, %sub3A_359, %div3A_338 : i32
    %jit3A_361 = arith.constant 4096 : i32
    %eq3A_362 = arith.constant 0 : i32
    %eq3A_363 = arith.cmpi eq, %jit3A_361, %eq3A_362 : i32
    %jit3A_364 = arith.constant 1 : i32
    %select_n3A_365 = arith.select %eq3A_363, %jit3A_364, %jit3A_361 : i32
    %rem3A_366 = arith.remsi %add3A_336, %select_n3A_365 : i32
    %ne3A_367 = arith.constant 0 : i32
    %ne3A_368 = arith.cmpi ne, %rem3A_366, %ne3A_367 : i32
    %lt3A_369 = arith.constant 0 : i32
    %lt3A_370 = arith.cmpi slt, %rem3A_366, %lt3A_369 : i32
    %lt3A_371 = arith.constant 0 : i32
    %lt3A_372 = arith.cmpi slt, %select_n3A_365, %lt3A_371 : i32
    %ne3A_373 = arith.xori %lt3A_370, %lt3A_372 : i1
    %and3A_374 = arith.andi %ne3A_373, %ne3A_368 : i1
    %add3A_375 = arith.addi %rem3A_366, %select_n3A_365 : i32
    %select_n3A_376 = arith.select %and3A_374, %add3A_375, %rem3A_366 : i32
    %dma_start3A_377 = arith.constant 256 : i32
    %dma_start3A_378 = arith.constant 0 : i32
    %dma_start3A_379 = tpu.memref_slice %arg6[%dma_start3A_377, %dma_start3A_378] : memref<3328x32xf32, #tpu.memory_space<vmem>> -> memref<128x32xf32, #tpu.memory_space<vmem>>
    %dma_start3A_380 = arith.constant 0 : i32
    %dma_start3A_381 = tpu.memref_slice %arg4[%select_n3A_360, %select_n3A_376, %dma_start3A_380] : memref<26x4096x128xf32, #tpu.memory_space<hbm>> -> memref<1x128x32xf32, #tpu.memory_space<hbm>>
    %dma_start3A_382 = tpu.memref_squeeze %dma_start3A_381 : memref<1x128x32xf32, #tpu.memory_space<hbm>> -> memref<128x32xf32, #tpu.memory_space<hbm>>
    %dma_start3A_383 = arith.constant 0 : i32
    %dma_start3A_384 = tpu.memref_slice %arg4[%select_n3A_360, %select_n3A_376, %dma_start3A_383] : memref<26x4096x128xf32, #tpu.memory_space<hbm>> -> memref<1x128x32xf32, #tpu.memory_space<hbm>>
    %dma_start3A_385 = tpu.memref_squeeze %dma_start3A_384 : memref<1x128x32xf32, #tpu.memory_space<hbm>> -> memref<128x32xf32, #tpu.memory_space<hbm>>
    %dma_start3A_386 = arith.constant 256 : i32
    %dma_start3A_387 = arith.constant 0 : i32
    %dma_start3A_388 = tpu.memref_slice %arg6[%dma_start3A_386, %dma_start3A_387] : memref<3328x32xf32, #tpu.memory_space<vmem>> -> memref<128x32xf32, #tpu.memory_space<vmem>>
    tpu.enqueue_dma source(%dma_start3A_388 : memref<128x32xf32, #tpu.memory_space<vmem>>) target(%dma_start3A_385 : memref<128x32xf32, #tpu.memory_space<hbm>>) target_semaphore(%arg8 : memref<!tpu.dma_semaphore, #tpu.memory_space<semaphore_mem>>)
    %dma_wait3A_389 = arith.constant 384 : i32
    %dma_wait3A_390 = arith.constant 0 : i32
    %dma_wait3A_391 = tpu.memref_slice %arg6[%dma_wait3A_389, %dma_wait3A_390] : memref<3328x32xf32, #tpu.memory_space<vmem>> -> memref<128x32xf32, #tpu.memory_space<vmem>>
    %dma_wait3A_392 = arith.constant 384 : i32
    %dma_wait3A_393 = tpu.memref_slice %arg5[%dma_wait3A_392] : memref<3328xi32, #tpu.memory_space<vmem>> -> memref<128xi32, #tpu.memory_space<vmem>>
    %dma_wait3A_394 = arith.constant 0 : i32
    %dma_wait3A_395 = arith.constant 0 : i32
    %dma_wait3A_396 = tpu.memref_slice %arg3[%dma_wait3A_394, %dma_wait3A_395] : memref<26000x32xf32, #tpu.memory_space<hbm>> -> memref<26000x32xf32, #tpu.memory_space<hbm>>
    tpu.wait_indirect_dma semaphore(%arg7 : memref<!tpu.dma_semaphore, #tpu.memory_space<semaphore_mem>>) src(%dma_wait3A_396 : memref<26000x32xf32, #tpu.memory_space<hbm>>) dst(%dma_wait3A_391 : memref<128x32xf32, #tpu.memory_space<vmem>>)
    %add3A_397 = arith.constant 384 : i32
    %add3A_398 = arith.addi %mul3A_2, %add3A_397 : i32
    %jit3A_399 = arith.constant 4096 : i32
    %div3A_400 = arith.divsi %add3A_398, %jit3A_399 : i32
    %sign3A_401 = arith.constant 0 : i32
    %sign3A_402 = arith.cmpi sgt, %add3A_398, %sign3A_401 : i32
    %sign3A_403 = arith.extui %sign3A_402 : i1 to i32
    %sign3A_404 = arith.constant 0 : i32
    %sign3A_405 = arith.cmpi slt, %add3A_398, %sign3A_404 : i32
    %sign3A_406 = arith.extui %sign3A_405 : i1 to i32
    %sign3A_407 = arith.subi %sign3A_403, %sign3A_406 : i32
    %sign3A_408 = arith.constant 0 : i32
    %sign3A_409 = arith.cmpi sgt, %jit3A_399, %sign3A_408 : i32
    %sign3A_410 = arith.extui %sign3A_409 : i1 to i32
    %sign3A_411 = arith.constant 0 : i32
    %sign3A_412 = arith.cmpi slt, %jit3A_399, %sign3A_411 : i32
    %sign3A_413 = arith.extui %sign3A_412 : i1 to i32
    %sign3A_414 = arith.subi %sign3A_410, %sign3A_413 : i32
    %ne3A_415 = arith.cmpi ne, %sign3A_407, %sign3A_414 : i32
    %rem3A_416 = arith.remsi %add3A_398, %jit3A_399 : i32
    %ne3A_417 = arith.constant 0 : i32
    %ne3A_418 = arith.cmpi ne, %rem3A_416, %ne3A_417 : i32
    %and3A_419 = arith.andi %ne3A_415, %ne3A_418 : i1
    %sub3A_420 = arith.constant 1 : i32
    %sub3A_421 = arith.subi %div3A_400, %sub3A_420 : i32
    %select_n3A_422 = arith.select %and3A_419, %sub3A_421, %div3A_400 : i32
    %jit3A_423 = arith.constant 4096 : i32
    %eq3A_424 = arith.constant 0 : i32
    %eq3A_425 = arith.cmpi eq, %jit3A_423, %eq3A_424 : i32
    %jit3A_426 = arith.constant 1 : i32
    %select_n3A_427 = arith.select %eq3A_425, %jit3A_426, %jit3A_423 : i32
    %rem3A_428 = arith.remsi %add3A_398, %select_n3A_427 : i32
    %ne3A_429 = arith.constant 0 : i32
    %ne3A_430 = arith.cmpi ne, %rem3A_428, %ne3A_429 : i32
    %lt3A_431 = arith.constant 0 : i32
    %lt3A_432 = arith.cmpi slt, %rem3A_428, %lt3A_431 : i32
    %lt3A_433 = arith.constant 0 : i32
    %lt3A_434 = arith.cmpi slt, %select_n3A_427, %lt3A_433 : i32
    %ne3A_435 = arith.xori %lt3A_432, %lt3A_434 : i1
    %and3A_436 = arith.andi %ne3A_435, %ne3A_430 : i1
    %add3A_437 = arith.addi %rem3A_428, %select_n3A_427 : i32
    %select_n3A_438 = arith.select %and3A_436, %add3A_437, %rem3A_428 : i32
    %dma_start3A_439 = arith.constant 384 : i32
    %dma_start3A_440 = arith.constant 0 : i32
    %dma_start3A_441 = tpu.memref_slice %arg6[%dma_start3A_439, %dma_start3A_440] : memref<3328x32xf32, #tpu.memory_space<vmem>> -> memref<128x32xf32, #tpu.memory_space<vmem>>
    %dma_start3A_442 = arith.constant 0 : i32
    %dma_start3A_443 = tpu.memref_slice %arg4[%select_n3A_422, %select_n3A_438, %dma_start3A_442] : memref<26x4096x128xf32, #tpu.memory_space<hbm>> -> memref<1x128x32xf32, #tpu.memory_space<hbm>>
    %dma_start3A_444 = tpu.memref_squeeze %dma_start3A_443 : memref<1x128x32xf32, #tpu.memory_space<hbm>> -> memref<128x32xf32, #tpu.memory_space<hbm>>
    %dma_start3A_445 = arith.constant 0 : i32
    %dma_start3A_446 = tpu.memref_slice %arg4[%select_n3A_422, %select_n3A_438, %dma_start3A_445] : memref<26x4096x128xf32, #tpu.memory_space<hbm>> -> memref<1x128x32xf32, #tpu.memory_space<hbm>>
    %dma_start3A_447 = tpu.memref_squeeze %dma_start3A_446 : memref<1x128x32xf32, #tpu.memory_space<hbm>> -> memref<128x32xf32, #tpu.memory_space<hbm>>
    %dma_start3A_448 = arith.constant 384 : i32
    %dma_start3A_449 = arith.constant 0 : i32
    %dma_start3A_450 = tpu.memref_slice %arg6[%dma_start3A_448, %dma_start3A_449] : memref<3328x32xf32, #tpu.memory_space<vmem>> -> memref<128x32xf32, #tpu.memory_space<vmem>>
    tpu.enqueue_dma source(%dma_start3A_450 : memref<128x32xf32, #tpu.memory_space<vmem>>) target(%dma_start3A_447 : memref<128x32xf32, #tpu.memory_space<hbm>>) target_semaphore(%arg8 : memref<!tpu.dma_semaphore, #tpu.memory_space<semaphore_mem>>)
    %dma_wait3A_451 = arith.constant 512 : i32
    %dma_wait3A_452 = arith.constant 0 : i32
    %dma_wait3A_453 = tpu.memref_slice %arg6[%dma_wait3A_451, %dma_wait3A_452] : memref<3328x32xf32, #tpu.memory_space<vmem>> -> memref<128x32xf32, #tpu.memory_space<vmem>>
    %dma_wait3A_454 = arith.constant 512 : i32
    %dma_wait3A_455 = tpu.memref_slice %arg5[%dma_wait3A_454] : memref<3328xi32, #tpu.memory_space<vmem>> -> memref<128xi32, #tpu.memory_space<vmem>>
    %dma_wait3A_456 = arith.constant 0 : i32
    %dma_wait3A_457 = arith.constant 0 : i32
    %dma_wait3A_458 = tpu.memref_slice %arg3[%dma_wait3A_456, %dma_wait3A_457] : memref<26000x32xf32, #tpu.memory_space<hbm>> -> memref<26000x32xf32, #tpu.memory_space<hbm>>
    tpu.wait_indirect_dma semaphore(%arg7 : memref<!tpu.dma_semaphore, #tpu.memory_space<semaphore_mem>>) src(%dma_wait3A_458 : memref<26000x32xf32, #tpu.memory_space<hbm>>) dst(%dma_wait3A_453 : memref<128x32xf32, #tpu.memory_space<vmem>>)
    %add3A_459 = arith.constant 512 : i32
    %add3A_460 = arith.addi %mul3A_2, %add3A_459 : i32
    %jit3A_461 = arith.constant 4096 : i32
    %div3A_462 = arith.divsi %add3A_460, %jit3A_461 : i32
    %sign3A_463 = arith.constant 0 : i32
    %sign3A_464 = arith.cmpi sgt, %add3A_460, %sign3A_463 : i32
    %sign3A_465 = arith.extui %sign3A_464 : i1 to i32
    %sign3A_466 = arith.constant 0 : i32
    %sign3A_467 = arith.cmpi slt, %add3A_460, %sign3A_466 : i32
    %sign3A_468 = arith.extui %sign3A_467 : i1 to i32
    %sign3A_469 = arith.subi %sign3A_465, %sign3A_468 : i32
    %sign3A_470 = arith.constant 0 : i32
    %sign3A_471 = arith.cmpi sgt, %jit3A_461, %sign3A_470 : i32
    %sign3A_472 = arith.extui %sign3A_471 : i1 to i32
    %sign3A_473 = arith.constant 0 : i32
    %sign3A_474 = arith.cmpi slt, %jit3A_461, %sign3A_473 : i32
    %sign3A_475 = arith.extui %sign3A_474 : i1 to i32
    %sign3A_476 = arith.subi %sign3A_472, %sign3A_475 : i32
    %ne3A_477 = arith.cmpi ne, %sign3A_469, %sign3A_476 : i32
    %rem3A_478 = arith.remsi %add3A_460, %jit3A_461 : i32
    %ne3A_479 = arith.constant 0 : i32
    %ne3A_480 = arith.cmpi ne, %rem3A_478, %ne3A_479 : i32
    %and3A_481 = arith.andi %ne3A_477, %ne3A_480 : i1
    %sub3A_482 = arith.constant 1 : i32
    %sub3A_483 = arith.subi %div3A_462, %sub3A_482 : i32
    %select_n3A_484 = arith.select %and3A_481, %sub3A_483, %div3A_462 : i32
    %jit3A_485 = arith.constant 4096 : i32
    %eq3A_486 = arith.constant 0 : i32
    %eq3A_487 = arith.cmpi eq, %jit3A_485, %eq3A_486 : i32
    %jit3A_488 = arith.constant 1 : i32
    %select_n3A_489 = arith.select %eq3A_487, %jit3A_488, %jit3A_485 : i32
    %rem3A_490 = arith.remsi %add3A_460, %select_n3A_489 : i32
    %ne3A_491 = arith.constant 0 : i32
    %ne3A_492 = arith.cmpi ne, %rem3A_490, %ne3A_491 : i32
    %lt3A_493 = arith.constant 0 : i32
    %lt3A_494 = arith.cmpi slt, %rem3A_490, %lt3A_493 : i32
    %lt3A_495 = arith.constant 0 : i32
    %lt3A_496 = arith.cmpi slt, %select_n3A_489, %lt3A_495 : i32
    %ne3A_497 = arith.xori %lt3A_494, %lt3A_496 : i1
    %and3A_498 = arith.andi %ne3A_497, %ne3A_492 : i1
    %add3A_499 = arith.addi %rem3A_490, %select_n3A_489 : i32
    %select_n3A_500 = arith.select %and3A_498, %add3A_499, %rem3A_490 : i32
    %dma_start3A_501 = arith.constant 512 : i32
    %dma_start3A_502 = arith.constant 0 : i32
    %dma_start3A_503 = tpu.memref_slice %arg6[%dma_start3A_501, %dma_start3A_502] : memref<3328x32xf32, #tpu.memory_space<vmem>> -> memref<128x32xf32, #tpu.memory_space<vmem>>
    %dma_start3A_504 = arith.constant 0 : i32
    %dma_start3A_505 = tpu.memref_slice %arg4[%select_n3A_484, %select_n3A_500, %dma_start3A_504] : memref<26x4096x128xf32, #tpu.memory_space<hbm>> -> memref<1x128x32xf32, #tpu.memory_space<hbm>>
    %dma_start3A_506 = tpu.memref_squeeze %dma_start3A_505 : memref<1x128x32xf32, #tpu.memory_space<hbm>> -> memref<128x32xf32, #tpu.memory_space<hbm>>
    %dma_start3A_507 = arith.constant 0 : i32
    %dma_start3A_508 = tpu.memref_slice %arg4[%select_n3A_484, %select_n3A_500, %dma_start3A_507] : memref<26x4096x128xf32, #tpu.memory_space<hbm>> -> memref<1x128x32xf32, #tpu.memory_space<hbm>>
    %dma_start3A_509 = tpu.memref_squeeze %dma_start3A_508 : memref<1x128x32xf32, #tpu.memory_space<hbm>> -> memref<128x32xf32, #tpu.memory_space<hbm>>
    %dma_start3A_510 = arith.constant 512 : i32
    %dma_start3A_511 = arith.constant 0 : i32
    %dma_start3A_512 = tpu.memref_slice %arg6[%dma_start3A_510, %dma_start3A_511] : memref<3328x32xf32, #tpu.memory_space<vmem>> -> memref<128x32xf32, #tpu.memory_space<vmem>>
    tpu.enqueue_dma source(%dma_start3A_512 : memref<128x32xf32, #tpu.memory_space<vmem>>) target(%dma_start3A_509 : memref<128x32xf32, #tpu.memory_space<hbm>>) target_semaphore(%arg8 : memref<!tpu.dma_semaphore, #tpu.memory_space<semaphore_mem>>)
    %dma_wait3A_513 = arith.constant 640 : i32
    %dma_wait3A_514 = arith.constant 0 : i32
    %dma_wait3A_515 = tpu.memref_slice %arg6[%dma_wait3A_513, %dma_wait3A_514] : memref<3328x32xf32, #tpu.memory_space<vmem>> -> memref<128x32xf32, #tpu.memory_space<vmem>>
    %dma_wait3A_516 = arith.constant 640 : i32
    %dma_wait3A_517 = tpu.memref_slice %arg5[%dma_wait3A_516] : memref<3328xi32, #tpu.memory_space<vmem>> -> memref<128xi32, #tpu.memory_space<vmem>>
    %dma_wait3A_518 = arith.constant 0 : i32
    %dma_wait3A_519 = arith.constant 0 : i32
    %dma_wait3A_520 = tpu.memref_slice %arg3[%dma_wait3A_518, %dma_wait3A_519] : memref<26000x32xf32, #tpu.memory_space<hbm>> -> memref<26000x32xf32, #tpu.memory_space<hbm>>
    tpu.wait_indirect_dma semaphore(%arg7 : memref<!tpu.dma_semaphore, #tpu.memory_space<semaphore_mem>>) src(%dma_wait3A_520 : memref<26000x32xf32, #tpu.memory_space<hbm>>) dst(%dma_wait3A_515 : memref<128x32xf32, #tpu.memory_space<vmem>>)
    %add3A_521 = arith.constant 640 : i32
    %add3A_522 = arith.addi %mul3A_2, %add3A_521 : i32
    %jit3A_523 = arith.constant 4096 : i32
    %div3A_524 = arith.divsi %add3A_522, %jit3A_523 : i32
    %sign3A_525 = arith.constant 0 : i32
    %sign3A_526 = arith.cmpi sgt, %add3A_522, %sign3A_525 : i32
    %sign3A_527 = arith.extui %sign3A_526 : i1 to i32
    %sign3A_528 = arith.constant 0 : i32
    %sign3A_529 = arith.cmpi slt, %add3A_522, %sign3A_528 : i32
    %sign3A_530 = arith.extui %sign3A_529 : i1 to i32
    %sign3A_531 = arith.subi %sign3A_527, %sign3A_530 : i32
    %sign3A_532 = arith.constant 0 : i32
    %sign3A_533 = arith.cmpi sgt, %jit3A_523, %sign3A_532 : i32
    %sign3A_534 = arith.extui %sign3A_533 : i1 to i32
    %sign3A_535 = arith.constant 0 : i32
    %sign3A_536 = arith.cmpi slt, %jit3A_523, %sign3A_535 : i32
    %sign3A_537 = arith.extui %sign3A_536 : i1 to i32
    %sign3A_538 = arith.subi %sign3A_534, %sign3A_537 : i32
    %ne3A_539 = arith.cmpi ne, %sign3A_531, %sign3A_538 : i32
    %rem3A_540 = arith.remsi %add3A_522, %jit3A_523 : i32
    %ne3A_541 = arith.constant 0 : i32
    %ne3A_542 = arith.cmpi ne, %rem3A_540, %ne3A_541 : i32
    %and3A_543 = arith.andi %ne3A_539, %ne3A_542 : i1
    %sub3A_544 = arith.constant 1 : i32
    %sub3A_545 = arith.subi %div3A_524, %sub3A_544 : i32
    %select_n3A_546 = arith.select %and3A_543, %sub3A_545, %div3A_524 : i32
    %jit3A_547 = arith.constant 4096 : i32
    %eq3A_548 = arith.constant 0 : i32
    %eq3A_549 = arith.cmpi eq, %jit3A_547, %eq3A_548 : i32
    %jit3A_550 = arith.constant 1 : i32
    %select_n3A_551 = arith.select %eq3A_549, %jit3A_550, %jit3A_547 : i32
    %rem3A_552 = arith.remsi %add3A_522, %select_n3A_551 : i32
    %ne3A_553 = arith.constant 0 : i32
    %ne3A_554 = arith.cmpi ne, %rem3A_552, %ne3A_553 : i32
    %lt3A_555 = arith.constant 0 : i32
    %lt3A_556 = arith.cmpi slt, %rem3A_552, %lt3A_555 : i32
    %lt3A_557 = arith.constant 0 : i32
    %lt3A_558 = arith.cmpi slt, %select_n3A_551, %lt3A_557 : i32
    %ne3A_559 = arith.xori %lt3A_556, %lt3A_558 : i1
    %and3A_560 = arith.andi %ne3A_559, %ne3A_554 : i1
    %add3A_561 = arith.addi %rem3A_552, %select_n3A_551 : i32
    %select_n3A_562 = arith.select %and3A_560, %add3A_561, %rem3A_552 : i32
    %dma_start3A_563 = arith.constant 640 : i32
    %dma_start3A_564 = arith.constant 0 : i32
    %dma_start3A_565 = tpu.memref_slice %arg6[%dma_start3A_563, %dma_start3A_564] : memref<3328x32xf32, #tpu.memory_space<vmem>> -> memref<128x32xf32, #tpu.memory_space<vmem>>
    %dma_start3A_566 = arith.constant 0 : i32
    %dma_start3A_567 = tpu.memref_slice %arg4[%select_n3A_546, %select_n3A_562, %dma_start3A_566] : memref<26x4096x128xf32, #tpu.memory_space<hbm>> -> memref<1x128x32xf32, #tpu.memory_space<hbm>>
    %dma_start3A_568 = tpu.memref_squeeze %dma_start3A_567 : memref<1x128x32xf32, #tpu.memory_space<hbm>> -> memref<128x32xf32, #tpu.memory_space<hbm>>
    %dma_start3A_569 = arith.constant 0 : i32
    %dma_start3A_570 = tpu.memref_slice %arg4[%select_n3A_546, %select_n3A_562, %dma_start3A_569] : memref<26x4096x128xf32, #tpu.memory_space<hbm>> -> memref<1x128x32xf32, #tpu.memory_space<hbm>>
    %dma_start3A_571 = tpu.memref_squeeze %dma_start3A_570 : memref<1x128x32xf32, #tpu.memory_space<hbm>> -> memref<128x32xf32, #tpu.memory_space<hbm>>
    %dma_start3A_572 = arith.constant 640 : i32
    %dma_start3A_573 = arith.constant 0 : i32
    %dma_start3A_574 = tpu.memref_slice %arg6[%dma_start3A_572, %dma_start3A_573] : memref<3328x32xf32, #tpu.memory_space<vmem>> -> memref<128x32xf32, #tpu.memory_space<vmem>>
    tpu.enqueue_dma source(%dma_start3A_574 : memref<128x32xf32, #tpu.memory_space<vmem>>) target(%dma_start3A_571 : memref<128x32xf32, #tpu.memory_space<hbm>>) target_semaphore(%arg8 : memref<!tpu.dma_semaphore, #tpu.memory_space<semaphore_mem>>)
    %dma_wait3A_575 = arith.constant 768 : i32
    %dma_wait3A_576 = arith.constant 0 : i32
    %dma_wait3A_577 = tpu.memref_slice %arg6[%dma_wait3A_575, %dma_wait3A_576] : memref<3328x32xf32, #tpu.memory_space<vmem>> -> memref<128x32xf32, #tpu.memory_space<vmem>>
    %dma_wait3A_578 = arith.constant 768 : i32
    %dma_wait3A_579 = tpu.memref_slice %arg5[%dma_wait3A_578] : memref<3328xi32, #tpu.memory_space<vmem>> -> memref<128xi32, #tpu.memory_space<vmem>>
    %dma_wait3A_580 = arith.constant 0 : i32
    %dma_wait3A_581 = arith.constant 0 : i32
    %dma_wait3A_582 = tpu.memref_slice %arg3[%dma_wait3A_580, %dma_wait3A_581] : memref<26000x32xf32, #tpu.memory_space<hbm>> -> memref<26000x32xf32, #tpu.memory_space<hbm>>
    tpu.wait_indirect_dma semaphore(%arg7 : memref<!tpu.dma_semaphore, #tpu.memory_space<semaphore_mem>>) src(%dma_wait3A_582 : memref<26000x32xf32, #tpu.memory_space<hbm>>) dst(%dma_wait3A_577 : memref<128x32xf32, #tpu.memory_space<vmem>>)
    %add3A_583 = arith.constant 768 : i32
    %add3A_584 = arith.addi %mul3A_2, %add3A_583 : i32
    %jit3A_585 = arith.constant 4096 : i32
    %div3A_586 = arith.divsi %add3A_584, %jit3A_585 : i32
    %sign3A_587 = arith.constant 0 : i32
    %sign3A_588 = arith.cmpi sgt, %add3A_584, %sign3A_587 : i32
    %sign3A_589 = arith.extui %sign3A_588 : i1 to i32
    %sign3A_590 = arith.constant 0 : i32
    %sign3A_591 = arith.cmpi slt, %add3A_584, %sign3A_590 : i32
    %sign3A_592 = arith.extui %sign3A_591 : i1 to i32
    %sign3A_593 = arith.subi %sign3A_589, %sign3A_592 : i32
    %sign3A_594 = arith.constant 0 : i32
    %sign3A_595 = arith.cmpi sgt, %jit3A_585, %sign3A_594 : i32
    %sign3A_596 = arith.extui %sign3A_595 : i1 to i32
    %sign3A_597 = arith.constant 0 : i32
    %sign3A_598 = arith.cmpi slt, %jit3A_585, %sign3A_597 : i32
    %sign3A_599 = arith.extui %sign3A_598 : i1 to i32
    %sign3A_600 = arith.subi %sign3A_596, %sign3A_599 : i32
    %ne3A_601 = arith.cmpi ne, %sign3A_593, %sign3A_600 : i32
    %rem3A_602 = arith.remsi %add3A_584, %jit3A_585 : i32
    %ne3A_603 = arith.constant 0 : i32
    %ne3A_604 = arith.cmpi ne, %rem3A_602, %ne3A_603 : i32
    %and3A_605 = arith.andi %ne3A_601, %ne3A_604 : i1
    %sub3A_606 = arith.constant 1 : i32
    %sub3A_607 = arith.subi %div3A_586, %sub3A_606 : i32
    %select_n3A_608 = arith.select %and3A_605, %sub3A_607, %div3A_586 : i32
    %jit3A_609 = arith.constant 4096 : i32
    %eq3A_610 = arith.constant 0 : i32
    %eq3A_611 = arith.cmpi eq, %jit3A_609, %eq3A_610 : i32
    %jit3A_612 = arith.constant 1 : i32
    %select_n3A_613 = arith.select %eq3A_611, %jit3A_612, %jit3A_609 : i32
    %rem3A_614 = arith.remsi %add3A_584, %select_n3A_613 : i32
    %ne3A_615 = arith.constant 0 : i32
    %ne3A_616 = arith.cmpi ne, %rem3A_614, %ne3A_615 : i32
    %lt3A_617 = arith.constant 0 : i32
    %lt3A_618 = arith.cmpi slt, %rem3A_614, %lt3A_617 : i32
    %lt3A_619 = arith.constant 0 : i32
    %lt3A_620 = arith.cmpi slt, %select_n3A_613, %lt3A_619 : i32
    %ne3A_621 = arith.xori %lt3A_618, %lt3A_620 : i1
    %and3A_622 = arith.andi %ne3A_621, %ne3A_616 : i1
    %add3A_623 = arith.addi %rem3A_614, %select_n3A_613 : i32
    %select_n3A_624 = arith.select %and3A_622, %add3A_623, %rem3A_614 : i32
    %dma_start3A_625 = arith.constant 768 : i32
    %dma_start3A_626 = arith.constant 0 : i32
    %dma_start3A_627 = tpu.memref_slice %arg6[%dma_start3A_625, %dma_start3A_626] : memref<3328x32xf32, #tpu.memory_space<vmem>> -> memref<128x32xf32, #tpu.memory_space<vmem>>
    %dma_start3A_628 = arith.constant 0 : i32
    %dma_start3A_629 = tpu.memref_slice %arg4[%select_n3A_608, %select_n3A_624, %dma_start3A_628] : memref<26x4096x128xf32, #tpu.memory_space<hbm>> -> memref<1x128x32xf32, #tpu.memory_space<hbm>>
    %dma_start3A_630 = tpu.memref_squeeze %dma_start3A_629 : memref<1x128x32xf32, #tpu.memory_space<hbm>> -> memref<128x32xf32, #tpu.memory_space<hbm>>
    %dma_start3A_631 = arith.constant 0 : i32
    %dma_start3A_632 = tpu.memref_slice %arg4[%select_n3A_608, %select_n3A_624, %dma_start3A_631] : memref<26x4096x128xf32, #tpu.memory_space<hbm>> -> memref<1x128x32xf32, #tpu.memory_space<hbm>>
    %dma_start3A_633 = tpu.memref_squeeze %dma_start3A_632 : memref<1x128x32xf32, #tpu.memory_space<hbm>> -> memref<128x32xf32, #tpu.memory_space<hbm>>
    %dma_start3A_634 = arith.constant 768 : i32
    %dma_start3A_635 = arith.constant 0 : i32
    %dma_start3A_636 = tpu.memref_slice %arg6[%dma_start3A_634, %dma_start3A_635] : memref<3328x32xf32, #tpu.memory_space<vmem>> -> memref<128x32xf32, #tpu.memory_space<vmem>>
    tpu.enqueue_dma source(%dma_start3A_636 : memref<128x32xf32, #tpu.memory_space<vmem>>) target(%dma_start3A_633 : memref<128x32xf32, #tpu.memory_space<hbm>>) target_semaphore(%arg8 : memref<!tpu.dma_semaphore, #tpu.memory_space<semaphore_mem>>)
    %dma_wait3A_637 = arith.constant 896 : i32
    %dma_wait3A_638 = arith.constant 0 : i32
    %dma_wait3A_639 = tpu.memref_slice %arg6[%dma_wait3A_637, %dma_wait3A_638] : memref<3328x32xf32, #tpu.memory_space<vmem>> -> memref<128x32xf32, #tpu.memory_space<vmem>>
    %dma_wait3A_640 = arith.constant 896 : i32
    %dma_wait3A_641 = tpu.memref_slice %arg5[%dma_wait3A_640] : memref<3328xi32, #tpu.memory_space<vmem>> -> memref<128xi32, #tpu.memory_space<vmem>>
    %dma_wait3A_642 = arith.constant 0 : i32
    %dma_wait3A_643 = arith.constant 0 : i32
    %dma_wait3A_644 = tpu.memref_slice %arg3[%dma_wait3A_642, %dma_wait3A_643] : memref<26000x32xf32, #tpu.memory_space<hbm>> -> memref<26000x32xf32, #tpu.memory_space<hbm>>
    tpu.wait_indirect_dma semaphore(%arg7 : memref<!tpu.dma_semaphore, #tpu.memory_space<semaphore_mem>>) src(%dma_wait3A_644 : memref<26000x32xf32, #tpu.memory_space<hbm>>) dst(%dma_wait3A_639 : memref<128x32xf32, #tpu.memory_space<vmem>>)
    %add3A_645 = arith.constant 896 : i32
    %add3A_646 = arith.addi %mul3A_2, %add3A_645 : i32
    %jit3A_647 = arith.constant 4096 : i32
    %div3A_648 = arith.divsi %add3A_646, %jit3A_647 : i32
    %sign3A_649 = arith.constant 0 : i32
    %sign3A_650 = arith.cmpi sgt, %add3A_646, %sign3A_649 : i32
    %sign3A_651 = arith.extui %sign3A_650 : i1 to i32
    %sign3A_652 = arith.constant 0 : i32
    %sign3A_653 = arith.cmpi slt, %add3A_646, %sign3A_652 : i32
    %sign3A_654 = arith.extui %sign3A_653 : i1 to i32
    %sign3A_655 = arith.subi %sign3A_651, %sign3A_654 : i32
    %sign3A_656 = arith.constant 0 : i32
    %sign3A_657 = arith.cmpi sgt, %jit3A_647, %sign3A_656 : i32
    %sign3A_658 = arith.extui %sign3A_657 : i1 to i32
    %sign3A_659 = arith.constant 0 : i32
    %sign3A_660 = arith.cmpi slt, %jit3A_647, %sign3A_659 : i32
    %sign3A_661 = arith.extui %sign3A_660 : i1 to i32
    %sign3A_662 = arith.subi %sign3A_658, %sign3A_661 : i32
    %ne3A_663 = arith.cmpi ne, %sign3A_655, %sign3A_662 : i32
    %rem3A_664 = arith.remsi %add3A_646, %jit3A_647 : i32
    %ne3A_665 = arith.constant 0 : i32
    %ne3A_666 = arith.cmpi ne, %rem3A_664, %ne3A_665 : i32
    %and3A_667 = arith.andi %ne3A_663, %ne3A_666 : i1
    %sub3A_668 = arith.constant 1 : i32
    %sub3A_669 = arith.subi %div3A_648, %sub3A_668 : i32
    %select_n3A_670 = arith.select %and3A_667, %sub3A_669, %div3A_648 : i32
    %jit3A_671 = arith.constant 4096 : i32
    %eq3A_672 = arith.constant 0 : i32
    %eq3A_673 = arith.cmpi eq, %jit3A_671, %eq3A_672 : i32
    %jit3A_674 = arith.constant 1 : i32
    %select_n3A_675 = arith.select %eq3A_673, %jit3A_674, %jit3A_671 : i32
    %rem3A_676 = arith.remsi %add3A_646, %select_n3A_675 : i32
    %ne3A_677 = arith.constant 0 : i32
    %ne3A_678 = arith.cmpi ne, %rem3A_676, %ne3A_677 : i32
    %lt3A_679 = arith.constant 0 : i32
    %lt3A_680 = arith.cmpi slt, %rem3A_676, %lt3A_679 : i32
    %lt3A_681 = arith.constant 0 : i32
    %lt3A_682 = arith.cmpi slt, %select_n3A_675, %lt3A_681 : i32
    %ne3A_683 = arith.xori %lt3A_680, %lt3A_682 : i1
    %and3A_684 = arith.andi %ne3A_683, %ne3A_678 : i1
    %add3A_685 = arith.addi %rem3A_676, %select_n3A_675 : i32
    %select_n3A_686 = arith.select %and3A_684, %add3A_685, %rem3A_676 : i32
    %dma_start3A_687 = arith.constant 896 : i32
    %dma_start3A_688 = arith.constant 0 : i32
    %dma_start3A_689 = tpu.memref_slice %arg6[%dma_start3A_687, %dma_start3A_688] : memref<3328x32xf32, #tpu.memory_space<vmem>> -> memref<128x32xf32, #tpu.memory_space<vmem>>
    %dma_start3A_690 = arith.constant 0 : i32
    %dma_start3A_691 = tpu.memref_slice %arg4[%select_n3A_670, %select_n3A_686, %dma_start3A_690] : memref<26x4096x128xf32, #tpu.memory_space<hbm>> -> memref<1x128x32xf32, #tpu.memory_space<hbm>>
    %dma_start3A_692 = tpu.memref_squeeze %dma_start3A_691 : memref<1x128x32xf32, #tpu.memory_space<hbm>> -> memref<128x32xf32, #tpu.memory_space<hbm>>
    %dma_start3A_693 = arith.constant 0 : i32
    %dma_start3A_694 = tpu.memref_slice %arg4[%select_n3A_670, %select_n3A_686, %dma_start3A_693] : memref<26x4096x128xf32, #tpu.memory_space<hbm>> -> memref<1x128x32xf32, #tpu.memory_space<hbm>>
    %dma_start3A_695 = tpu.memref_squeeze %dma_start3A_694 : memref<1x128x32xf32, #tpu.memory_space<hbm>> -> memref<128x32xf32, #tpu.memory_space<hbm>>
    %dma_start3A_696 = arith.constant 896 : i32
    %dma_start3A_697 = arith.constant 0 : i32
    %dma_start3A_698 = tpu.memref_slice %arg6[%dma_start3A_696, %dma_start3A_697] : memref<3328x32xf32, #tpu.memory_space<vmem>> -> memref<128x32xf32, #tpu.memory_space<vmem>>
    tpu.enqueue_dma source(%dma_start3A_698 : memref<128x32xf32, #tpu.memory_space<vmem>>) target(%dma_start3A_695 : memref<128x32xf32, #tpu.memory_space<hbm>>) target_semaphore(%arg8 : memref<!tpu.dma_semaphore, #tpu.memory_space<semaphore_mem>>)
    %dma_wait3A_699 = arith.constant 1024 : i32
    %dma_wait3A_700 = arith.constant 0 : i32
    %dma_wait3A_701 = tpu.memref_slice %arg6[%dma_wait3A_699, %dma_wait3A_700] : memref<3328x32xf32, #tpu.memory_space<vmem>> -> memref<128x32xf32, #tpu.memory_space<vmem>>
    %dma_wait3A_702 = arith.constant 1024 : i32
    %dma_wait3A_703 = tpu.memref_slice %arg5[%dma_wait3A_702] : memref<3328xi32, #tpu.memory_space<vmem>> -> memref<128xi32, #tpu.memory_space<vmem>>
    %dma_wait3A_704 = arith.constant 0 : i32
    %dma_wait3A_705 = arith.constant 0 : i32
    %dma_wait3A_706 = tpu.memref_slice %arg3[%dma_wait3A_704, %dma_wait3A_705] : memref<26000x32xf32, #tpu.memory_space<hbm>> -> memref<26000x32xf32, #tpu.memory_space<hbm>>
    tpu.wait_indirect_dma semaphore(%arg7 : memref<!tpu.dma_semaphore, #tpu.memory_space<semaphore_mem>>) src(%dma_wait3A_706 : memref<26000x32xf32, #tpu.memory_space<hbm>>) dst(%dma_wait3A_701 : memref<128x32xf32, #tpu.memory_space<vmem>>)
    %add3A_707 = arith.constant 1024 : i32
    %add3A_708 = arith.addi %mul3A_2, %add3A_707 : i32
    %jit3A_709 = arith.constant 4096 : i32
    %div3A_710 = arith.divsi %add3A_708, %jit3A_709 : i32
    %sign3A_711 = arith.constant 0 : i32
    %sign3A_712 = arith.cmpi sgt, %add3A_708, %sign3A_711 : i32
    %sign3A_713 = arith.extui %sign3A_712 : i1 to i32
    %sign3A_714 = arith.constant 0 : i32
    %sign3A_715 = arith.cmpi slt, %add3A_708, %sign3A_714 : i32
    %sign3A_716 = arith.extui %sign3A_715 : i1 to i32
    %sign3A_717 = arith.subi %sign3A_713, %sign3A_716 : i32
    %sign3A_718 = arith.constant 0 : i32
    %sign3A_719 = arith.cmpi sgt, %jit3A_709, %sign3A_718 : i32
    %sign3A_720 = arith.extui %sign3A_719 : i1 to i32
    %sign3A_721 = arith.constant 0 : i32
    %sign3A_722 = arith.cmpi slt, %jit3A_709, %sign3A_721 : i32
    %sign3A_723 = arith.extui %sign3A_722 : i1 to i32
    %sign3A_724 = arith.subi %sign3A_720, %sign3A_723 : i32
    %ne3A_725 = arith.cmpi ne, %sign3A_717, %sign3A_724 : i32
    %rem3A_726 = arith.remsi %add3A_708, %jit3A_709 : i32
    %ne3A_727 = arith.constant 0 : i32
    %ne3A_728 = arith.cmpi ne, %rem3A_726, %ne3A_727 : i32
    %and3A_729 = arith.andi %ne3A_725, %ne3A_728 : i1
    %sub3A_730 = arith.constant 1 : i32
    %sub3A_731 = arith.subi %div3A_710, %sub3A_730 : i32
    %select_n3A_732 = arith.select %and3A_729, %sub3A_731, %div3A_710 : i32
    %jit3A_733 = arith.constant 4096 : i32
    %eq3A_734 = arith.constant 0 : i32
    %eq3A_735 = arith.cmpi eq, %jit3A_733, %eq3A_734 : i32
    %jit3A_736 = arith.constant 1 : i32
    %select_n3A_737 = arith.select %eq3A_735, %jit3A_736, %jit3A_733 : i32
    %rem3A_738 = arith.remsi %add3A_708, %select_n3A_737 : i32
    %ne3A_739 = arith.constant 0 : i32
    %ne3A_740 = arith.cmpi ne, %rem3A_738, %ne3A_739 : i32
    %lt3A_741 = arith.constant 0 : i32
    %lt3A_742 = arith.cmpi slt, %rem3A_738, %lt3A_741 : i32
    %lt3A_743 = arith.constant 0 : i32
    %lt3A_744 = arith.cmpi slt, %select_n3A_737, %lt3A_743 : i32
    %ne3A_745 = arith.xori %lt3A_742, %lt3A_744 : i1
    %and3A_746 = arith.andi %ne3A_745, %ne3A_740 : i1
    %add3A_747 = arith.addi %rem3A_738, %select_n3A_737 : i32
    %select_n3A_748 = arith.select %and3A_746, %add3A_747, %rem3A_738 : i32
    %dma_start3A_749 = arith.constant 1024 : i32
    %dma_start3A_750 = arith.constant 0 : i32
    %dma_start3A_751 = tpu.memref_slice %arg6[%dma_start3A_749, %dma_start3A_750] : memref<3328x32xf32, #tpu.memory_space<vmem>> -> memref<128x32xf32, #tpu.memory_space<vmem>>
    %dma_start3A_752 = arith.constant 0 : i32
    %dma_start3A_753 = tpu.memref_slice %arg4[%select_n3A_732, %select_n3A_748, %dma_start3A_752] : memref<26x4096x128xf32, #tpu.memory_space<hbm>> -> memref<1x128x32xf32, #tpu.memory_space<hbm>>
    %dma_start3A_754 = tpu.memref_squeeze %dma_start3A_753 : memref<1x128x32xf32, #tpu.memory_space<hbm>> -> memref<128x32xf32, #tpu.memory_space<hbm>>
    %dma_start3A_755 = arith.constant 0 : i32
    %dma_start3A_756 = tpu.memref_slice %arg4[%select_n3A_732, %select_n3A_748, %dma_start3A_755] : memref<26x4096x128xf32, #tpu.memory_space<hbm>> -> memref<1x128x32xf32, #tpu.memory_space<hbm>>
    %dma_start3A_757 = tpu.memref_squeeze %dma_start3A_756 : memref<1x128x32xf32, #tpu.memory_space<hbm>> -> memref<128x32xf32, #tpu.memory_space<hbm>>
    %dma_start3A_758 = arith.constant 1024 : i32
    %dma_start3A_759 = arith.constant 0 : i32
    %dma_start3A_760 = tpu.memref_slice %arg6[%dma_start3A_758, %dma_start3A_759] : memref<3328x32xf32, #tpu.memory_space<vmem>> -> memref<128x32xf32, #tpu.memory_space<vmem>>
    tpu.enqueue_dma source(%dma_start3A_760 : memref<128x32xf32, #tpu.memory_space<vmem>>) target(%dma_start3A_757 : memref<128x32xf32, #tpu.memory_space<hbm>>) target_semaphore(%arg8 : memref<!tpu.dma_semaphore, #tpu.memory_space<semaphore_mem>>)
    %dma_wait3A_761 = arith.constant 1152 : i32
    %dma_wait3A_762 = arith.constant 0 : i32
    %dma_wait3A_763 = tpu.memref_slice %arg6[%dma_wait3A_761, %dma_wait3A_762] : memref<3328x32xf32, #tpu.memory_space<vmem>> -> memref<128x32xf32, #tpu.memory_space<vmem>>
    %dma_wait3A_764 = arith.constant 1152 : i32
    %dma_wait3A_765 = tpu.memref_slice %arg5[%dma_wait3A_764] : memref<3328xi32, #tpu.memory_space<vmem>> -> memref<128xi32, #tpu.memory_space<vmem>>
    %dma_wait3A_766 = arith.constant 0 : i32
    %dma_wait3A_767 = arith.constant 0 : i32
    %dma_wait3A_768 = tpu.memref_slice %arg3[%dma_wait3A_766, %dma_wait3A_767] : memref<26000x32xf32, #tpu.memory_space<hbm>> -> memref<26000x32xf32, #tpu.memory_space<hbm>>
    tpu.wait_indirect_dma semaphore(%arg7 : memref<!tpu.dma_semaphore, #tpu.memory_space<semaphore_mem>>) src(%dma_wait3A_768 : memref<26000x32xf32, #tpu.memory_space<hbm>>) dst(%dma_wait3A_763 : memref<128x32xf32, #tpu.memory_space<vmem>>)
    %add3A_769 = arith.constant 1152 : i32
    %add3A_770 = arith.addi %mul3A_2, %add3A_769 : i32
    %jit3A_771 = arith.constant 4096 : i32
    %div3A_772 = arith.divsi %add3A_770, %jit3A_771 : i32
    %sign3A_773 = arith.constant 0 : i32
    %sign3A_774 = arith.cmpi sgt, %add3A_770, %sign3A_773 : i32
    %sign3A_775 = arith.extui %sign3A_774 : i1 to i32
    %sign3A_776 = arith.constant 0 : i32
    %sign3A_777 = arith.cmpi slt, %add3A_770, %sign3A_776 : i32
    %sign3A_778 = arith.extui %sign3A_777 : i1 to i32
    %sign3A_779 = arith.subi %sign3A_775, %sign3A_778 : i32
    %sign3A_780 = arith.constant 0 : i32
    %sign3A_781 = arith.cmpi sgt, %jit3A_771, %sign3A_780 : i32
    %sign3A_782 = arith.extui %sign3A_781 : i1 to i32
    %sign3A_783 = arith.constant 0 : i32
    %sign3A_784 = arith.cmpi slt, %jit3A_771, %sign3A_783 : i32
    %sign3A_785 = arith.extui %sign3A_784 : i1 to i32
    %sign3A_786 = arith.subi %sign3A_782, %sign3A_785 : i32
    %ne3A_787 = arith.cmpi ne, %sign3A_779, %sign3A_786 : i32
    %rem3A_788 = arith.remsi %add3A_770, %jit3A_771 : i32
    %ne3A_789 = arith.constant 0 : i32
    %ne3A_790 = arith.cmpi ne, %rem3A_788, %ne3A_789 : i32
    %and3A_791 = arith.andi %ne3A_787, %ne3A_790 : i1
    %sub3A_792 = arith.constant 1 : i32
    %sub3A_793 = arith.subi %div3A_772, %sub3A_792 : i32
    %select_n3A_794 = arith.select %and3A_791, %sub3A_793, %div3A_772 : i32
    %jit3A_795 = arith.constant 4096 : i32
    %eq3A_796 = arith.constant 0 : i32
    %eq3A_797 = arith.cmpi eq, %jit3A_795, %eq3A_796 : i32
    %jit3A_798 = arith.constant 1 : i32
    %select_n3A_799 = arith.select %eq3A_797, %jit3A_798, %jit3A_795 : i32
    %rem3A_800 = arith.remsi %add3A_770, %select_n3A_799 : i32
    %ne3A_801 = arith.constant 0 : i32
    %ne3A_802 = arith.cmpi ne, %rem3A_800, %ne3A_801 : i32
    %lt3A_803 = arith.constant 0 : i32
    %lt3A_804 = arith.cmpi slt, %rem3A_800, %lt3A_803 : i32
    %lt3A_805 = arith.constant 0 : i32
    %lt3A_806 = arith.cmpi slt, %select_n3A_799, %lt3A_805 : i32
    %ne3A_807 = arith.xori %lt3A_804, %lt3A_806 : i1
    %and3A_808 = arith.andi %ne3A_807, %ne3A_802 : i1
    %add3A_809 = arith.addi %rem3A_800, %select_n3A_799 : i32
    %select_n3A_810 = arith.select %and3A_808, %add3A_809, %rem3A_800 : i32
    %dma_start3A_811 = arith.constant 1152 : i32
    %dma_start3A_812 = arith.constant 0 : i32
    %dma_start3A_813 = tpu.memref_slice %arg6[%dma_start3A_811, %dma_start3A_812] : memref<3328x32xf32, #tpu.memory_space<vmem>> -> memref<128x32xf32, #tpu.memory_space<vmem>>
    %dma_start3A_814 = arith.constant 0 : i32
    %dma_start3A_815 = tpu.memref_slice %arg4[%select_n3A_794, %select_n3A_810, %dma_start3A_814] : memref<26x4096x128xf32, #tpu.memory_space<hbm>> -> memref<1x128x32xf32, #tpu.memory_space<hbm>>
    %dma_start3A_816 = tpu.memref_squeeze %dma_start3A_815 : memref<1x128x32xf32, #tpu.memory_space<hbm>> -> memref<128x32xf32, #tpu.memory_space<hbm>>
    %dma_start3A_817 = arith.constant 0 : i32
    %dma_start3A_818 = tpu.memref_slice %arg4[%select_n3A_794, %select_n3A_810, %dma_start3A_817] : memref<26x4096x128xf32, #tpu.memory_space<hbm>> -> memref<1x128x32xf32, #tpu.memory_space<hbm>>
    %dma_start3A_819 = tpu.memref_squeeze %dma_start3A_818 : memref<1x128x32xf32, #tpu.memory_space<hbm>> -> memref<128x32xf32, #tpu.memory_space<hbm>>
    %dma_start3A_820 = arith.constant 1152 : i32
    %dma_start3A_821 = arith.constant 0 : i32
    %dma_start3A_822 = tpu.memref_slice %arg6[%dma_start3A_820, %dma_start3A_821] : memref<3328x32xf32, #tpu.memory_space<vmem>> -> memref<128x32xf32, #tpu.memory_space<vmem>>
    tpu.enqueue_dma source(%dma_start3A_822 : memref<128x32xf32, #tpu.memory_space<vmem>>) target(%dma_start3A_819 : memref<128x32xf32, #tpu.memory_space<hbm>>) target_semaphore(%arg8 : memref<!tpu.dma_semaphore, #tpu.memory_space<semaphore_mem>>)
    %dma_wait3A_823 = arith.constant 1280 : i32
    %dma_wait3A_824 = arith.constant 0 : i32
    %dma_wait3A_825 = tpu.memref_slice %arg6[%dma_wait3A_823, %dma_wait3A_824] : memref<3328x32xf32, #tpu.memory_space<vmem>> -> memref<128x32xf32, #tpu.memory_space<vmem>>
    %dma_wait3A_826 = arith.constant 1280 : i32
    %dma_wait3A_827 = tpu.memref_slice %arg5[%dma_wait3A_826] : memref<3328xi32, #tpu.memory_space<vmem>> -> memref<128xi32, #tpu.memory_space<vmem>>
    %dma_wait3A_828 = arith.constant 0 : i32
    %dma_wait3A_829 = arith.constant 0 : i32
    %dma_wait3A_830 = tpu.memref_slice %arg3[%dma_wait3A_828, %dma_wait3A_829] : memref<26000x32xf32, #tpu.memory_space<hbm>> -> memref<26000x32xf32, #tpu.memory_space<hbm>>
    tpu.wait_indirect_dma semaphore(%arg7 : memref<!tpu.dma_semaphore, #tpu.memory_space<semaphore_mem>>) src(%dma_wait3A_830 : memref<26000x32xf32, #tpu.memory_space<hbm>>) dst(%dma_wait3A_825 : memref<128x32xf32, #tpu.memory_space<vmem>>)
    %add3A_831 = arith.constant 1280 : i32
    %add3A_832 = arith.addi %mul3A_2, %add3A_831 : i32
    %jit3A_833 = arith.constant 4096 : i32
    %div3A_834 = arith.divsi %add3A_832, %jit3A_833 : i32
    %sign3A_835 = arith.constant 0 : i32
    %sign3A_836 = arith.cmpi sgt, %add3A_832, %sign3A_835 : i32
    %sign3A_837 = arith.extui %sign3A_836 : i1 to i32
    %sign3A_838 = arith.constant 0 : i32
    %sign3A_839 = arith.cmpi slt, %add3A_832, %sign3A_838 : i32
    %sign3A_840 = arith.extui %sign3A_839 : i1 to i32
    %sign3A_841 = arith.subi %sign3A_837, %sign3A_840 : i32
    %sign3A_842 = arith.constant 0 : i32
    %sign3A_843 = arith.cmpi sgt, %jit3A_833, %sign3A_842 : i32
    %sign3A_844 = arith.extui %sign3A_843 : i1 to i32
    %sign3A_845 = arith.constant 0 : i32
    %sign3A_846 = arith.cmpi slt, %jit3A_833, %sign3A_845 : i32
    %sign3A_847 = arith.extui %sign3A_846 : i1 to i32
    %sign3A_848 = arith.subi %sign3A_844, %sign3A_847 : i32
    %ne3A_849 = arith.cmpi ne, %sign3A_841, %sign3A_848 : i32
    %rem3A_850 = arith.remsi %add3A_832, %jit3A_833 : i32
    %ne3A_851 = arith.constant 0 : i32
    %ne3A_852 = arith.cmpi ne, %rem3A_850, %ne3A_851 : i32
    %and3A_853 = arith.andi %ne3A_849, %ne3A_852 : i1
    %sub3A_854 = arith.constant 1 : i32
    %sub3A_855 = arith.subi %div3A_834, %sub3A_854 : i32
    %select_n3A_856 = arith.select %and3A_853, %sub3A_855, %div3A_834 : i32
    %jit3A_857 = arith.constant 4096 : i32
    %eq3A_858 = arith.constant 0 : i32
    %eq3A_859 = arith.cmpi eq, %jit3A_857, %eq3A_858 : i32
    %jit3A_860 = arith.constant 1 : i32
    %select_n3A_861 = arith.select %eq3A_859, %jit3A_860, %jit3A_857 : i32
    %rem3A_862 = arith.remsi %add3A_832, %select_n3A_861 : i32
    %ne3A_863 = arith.constant 0 : i32
    %ne3A_864 = arith.cmpi ne, %rem3A_862, %ne3A_863 : i32
    %lt3A_865 = arith.constant 0 : i32
    %lt3A_866 = arith.cmpi slt, %rem3A_862, %lt3A_865 : i32
    %lt3A_867 = arith.constant 0 : i32
    %lt3A_868 = arith.cmpi slt, %select_n3A_861, %lt3A_867 : i32
    %ne3A_869 = arith.xori %lt3A_866, %lt3A_868 : i1
    %and3A_870 = arith.andi %ne3A_869, %ne3A_864 : i1
    %add3A_871 = arith.addi %rem3A_862, %select_n3A_861 : i32
    %select_n3A_872 = arith.select %and3A_870, %add3A_871, %rem3A_862 : i32
    %dma_start3A_873 = arith.constant 1280 : i32
    %dma_start3A_874 = arith.constant 0 : i32
    %dma_start3A_875 = tpu.memref_slice %arg6[%dma_start3A_873, %dma_start3A_874] : memref<3328x32xf32, #tpu.memory_space<vmem>> -> memref<128x32xf32, #tpu.memory_space<vmem>>
    %dma_start3A_876 = arith.constant 0 : i32
    %dma_start3A_877 = tpu.memref_slice %arg4[%select_n3A_856, %select_n3A_872, %dma_start3A_876] : memref<26x4096x128xf32, #tpu.memory_space<hbm>> -> memref<1x128x32xf32, #tpu.memory_space<hbm>>
    %dma_start3A_878 = tpu.memref_squeeze %dma_start3A_877 : memref<1x128x32xf32, #tpu.memory_space<hbm>> -> memref<128x32xf32, #tpu.memory_space<hbm>>
    %dma_start3A_879 = arith.constant 0 : i32
    %dma_start3A_880 = tpu.memref_slice %arg4[%select_n3A_856, %select_n3A_872, %dma_start3A_879] : memref<26x4096x128xf32, #tpu.memory_space<hbm>> -> memref<1x128x32xf32, #tpu.memory_space<hbm>>
    %dma_start3A_881 = tpu.memref_squeeze %dma_start3A_880 : memref<1x128x32xf32, #tpu.memory_space<hbm>> -> memref<128x32xf32, #tpu.memory_space<hbm>>
    %dma_start3A_882 = arith.constant 1280 : i32
    %dma_start3A_883 = arith.constant 0 : i32
    %dma_start3A_884 = tpu.memref_slice %arg6[%dma_start3A_882, %dma_start3A_883] : memref<3328x32xf32, #tpu.memory_space<vmem>> -> memref<128x32xf32, #tpu.memory_space<vmem>>
    tpu.enqueue_dma source(%dma_start3A_884 : memref<128x32xf32, #tpu.memory_space<vmem>>) target(%dma_start3A_881 : memref<128x32xf32, #tpu.memory_space<hbm>>) target_semaphore(%arg8 : memref<!tpu.dma_semaphore, #tpu.memory_space<semaphore_mem>>)
    %dma_wait3A_885 = arith.constant 1408 : i32
    %dma_wait3A_886 = arith.constant 0 : i32
    %dma_wait3A_887 = tpu.memref_slice %arg6[%dma_wait3A_885, %dma_wait3A_886] : memref<3328x32xf32, #tpu.memory_space<vmem>> -> memref<128x32xf32, #tpu.memory_space<vmem>>
    %dma_wait3A_888 = arith.constant 1408 : i32
    %dma_wait3A_889 = tpu.memref_slice %arg5[%dma_wait3A_888] : memref<3328xi32, #tpu.memory_space<vmem>> -> memref<128xi32, #tpu.memory_space<vmem>>
    %dma_wait3A_890 = arith.constant 0 : i32
    %dma_wait3A_891 = arith.constant 0 : i32
    %dma_wait3A_892 = tpu.memref_slice %arg3[%dma_wait3A_890, %dma_wait3A_891] : memref<26000x32xf32, #tpu.memory_space<hbm>> -> memref<26000x32xf32, #tpu.memory_space<hbm>>
    tpu.wait_indirect_dma semaphore(%arg7 : memref<!tpu.dma_semaphore, #tpu.memory_space<semaphore_mem>>) src(%dma_wait3A_892 : memref<26000x32xf32, #tpu.memory_space<hbm>>) dst(%dma_wait3A_887 : memref<128x32xf32, #tpu.memory_space<vmem>>)
    %add3A_893 = arith.constant 1408 : i32
    %add3A_894 = arith.addi %mul3A_2, %add3A_893 : i32
    %jit3A_895 = arith.constant 4096 : i32
    %div3A_896 = arith.divsi %add3A_894, %jit3A_895 : i32
    %sign3A_897 = arith.constant 0 : i32
    %sign3A_898 = arith.cmpi sgt, %add3A_894, %sign3A_897 : i32
    %sign3A_899 = arith.extui %sign3A_898 : i1 to i32
    %sign3A_900 = arith.constant 0 : i32
    %sign3A_901 = arith.cmpi slt, %add3A_894, %sign3A_900 : i32
    %sign3A_902 = arith.extui %sign3A_901 : i1 to i32
    %sign3A_903 = arith.subi %sign3A_899, %sign3A_902 : i32
    %sign3A_904 = arith.constant 0 : i32
    %sign3A_905 = arith.cmpi sgt, %jit3A_895, %sign3A_904 : i32
    %sign3A_906 = arith.extui %sign3A_905 : i1 to i32
    %sign3A_907 = arith.constant 0 : i32
    %sign3A_908 = arith.cmpi slt, %jit3A_895, %sign3A_907 : i32
    %sign3A_909 = arith.extui %sign3A_908 : i1 to i32
    %sign3A_910 = arith.subi %sign3A_906, %sign3A_909 : i32
    %ne3A_911 = arith.cmpi ne, %sign3A_903, %sign3A_910 : i32
    %rem3A_912 = arith.remsi %add3A_894, %jit3A_895 : i32
    %ne3A_913 = arith.constant 0 : i32
    %ne3A_914 = arith.cmpi ne, %rem3A_912, %ne3A_913 : i32
    %and3A_915 = arith.andi %ne3A_911, %ne3A_914 : i1
    %sub3A_916 = arith.constant 1 : i32
    %sub3A_917 = arith.subi %div3A_896, %sub3A_916 : i32
    %select_n3A_918 = arith.select %and3A_915, %sub3A_917, %div3A_896 : i32
    %jit3A_919 = arith.constant 4096 : i32
    %eq3A_920 = arith.constant 0 : i32
    %eq3A_921 = arith.cmpi eq, %jit3A_919, %eq3A_920 : i32
    %jit3A_922 = arith.constant 1 : i32
    %select_n3A_923 = arith.select %eq3A_921, %jit3A_922, %jit3A_919 : i32
    %rem3A_924 = arith.remsi %add3A_894, %select_n3A_923 : i32
    %ne3A_925 = arith.constant 0 : i32
    %ne3A_926 = arith.cmpi ne, %rem3A_924, %ne3A_925 : i32
    %lt3A_927 = arith.constant 0 : i32
    %lt3A_928 = arith.cmpi slt, %rem3A_924, %lt3A_927 : i32
    %lt3A_929 = arith.constant 0 : i32
    %lt3A_930 = arith.cmpi slt, %select_n3A_923, %lt3A_929 : i32
    %ne3A_931 = arith.xori %lt3A_928, %lt3A_930 : i1
    %and3A_932 = arith.andi %ne3A_931, %ne3A_926 : i1
    %add3A_933 = arith.addi %rem3A_924, %select_n3A_923 : i32
    %select_n3A_934 = arith.select %and3A_932, %add3A_933, %rem3A_924 : i32
    %dma_start3A_935 = arith.constant 1408 : i32
    %dma_start3A_936 = arith.constant 0 : i32
    %dma_start3A_937 = tpu.memref_slice %arg6[%dma_start3A_935, %dma_start3A_936] : memref<3328x32xf32, #tpu.memory_space<vmem>> -> memref<128x32xf32, #tpu.memory_space<vmem>>
    %dma_start3A_938 = arith.constant 0 : i32
    %dma_start3A_939 = tpu.memref_slice %arg4[%select_n3A_918, %select_n3A_934, %dma_start3A_938] : memref<26x4096x128xf32, #tpu.memory_space<hbm>> -> memref<1x128x32xf32, #tpu.memory_space<hbm>>
    %dma_start3A_940 = tpu.memref_squeeze %dma_start3A_939 : memref<1x128x32xf32, #tpu.memory_space<hbm>> -> memref<128x32xf32, #tpu.memory_space<hbm>>
    %dma_start3A_941 = arith.constant 0 : i32
    %dma_start3A_942 = tpu.memref_slice %arg4[%select_n3A_918, %select_n3A_934, %dma_start3A_941] : memref<26x4096x128xf32, #tpu.memory_space<hbm>> -> memref<1x128x32xf32, #tpu.memory_space<hbm>>
    %dma_start3A_943 = tpu.memref_squeeze %dma_start3A_942 : memref<1x128x32xf32, #tpu.memory_space<hbm>> -> memref<128x32xf32, #tpu.memory_space<hbm>>
    %dma_start3A_944 = arith.constant 1408 : i32
    %dma_start3A_945 = arith.constant 0 : i32
    %dma_start3A_946 = tpu.memref_slice %arg6[%dma_start3A_944, %dma_start3A_945] : memref<3328x32xf32, #tpu.memory_space<vmem>> -> memref<128x32xf32, #tpu.memory_space<vmem>>
    tpu.enqueue_dma source(%dma_start3A_946 : memref<128x32xf32, #tpu.memory_space<vmem>>) target(%dma_start3A_943 : memref<128x32xf32, #tpu.memory_space<hbm>>) target_semaphore(%arg8 : memref<!tpu.dma_semaphore, #tpu.memory_space<semaphore_mem>>)
    %dma_wait3A_947 = arith.constant 1536 : i32
    %dma_wait3A_948 = arith.constant 0 : i32
    %dma_wait3A_949 = tpu.memref_slice %arg6[%dma_wait3A_947, %dma_wait3A_948] : memref<3328x32xf32, #tpu.memory_space<vmem>> -> memref<128x32xf32, #tpu.memory_space<vmem>>
    %dma_wait3A_950 = arith.constant 1536 : i32
    %dma_wait3A_951 = tpu.memref_slice %arg5[%dma_wait3A_950] : memref<3328xi32, #tpu.memory_space<vmem>> -> memref<128xi32, #tpu.memory_space<vmem>>
    %dma_wait3A_952 = arith.constant 0 : i32
    %dma_wait3A_953 = arith.constant 0 : i32
    %dma_wait3A_954 = tpu.memref_slice %arg3[%dma_wait3A_952, %dma_wait3A_953] : memref<26000x32xf32, #tpu.memory_space<hbm>> -> memref<26000x32xf32, #tpu.memory_space<hbm>>
    tpu.wait_indirect_dma semaphore(%arg7 : memref<!tpu.dma_semaphore, #tpu.memory_space<semaphore_mem>>) src(%dma_wait3A_954 : memref<26000x32xf32, #tpu.memory_space<hbm>>) dst(%dma_wait3A_949 : memref<128x32xf32, #tpu.memory_space<vmem>>)
    %add3A_955 = arith.constant 1536 : i32
    %add3A_956 = arith.addi %mul3A_2, %add3A_955 : i32
    %jit3A_957 = arith.constant 4096 : i32
    %div3A_958 = arith.divsi %add3A_956, %jit3A_957 : i32
    %sign3A_959 = arith.constant 0 : i32
    %sign3A_960 = arith.cmpi sgt, %add3A_956, %sign3A_959 : i32
    %sign3A_961 = arith.extui %sign3A_960 : i1 to i32
    %sign3A_962 = arith.constant 0 : i32
    %sign3A_963 = arith.cmpi slt, %add3A_956, %sign3A_962 : i32
    %sign3A_964 = arith.extui %sign3A_963 : i1 to i32
    %sign3A_965 = arith.subi %sign3A_961, %sign3A_964 : i32
    %sign3A_966 = arith.constant 0 : i32
    %sign3A_967 = arith.cmpi sgt, %jit3A_957, %sign3A_966 : i32
    %sign3A_968 = arith.extui %sign3A_967 : i1 to i32
    %sign3A_969 = arith.constant 0 : i32
    %sign3A_970 = arith.cmpi slt, %jit3A_957, %sign3A_969 : i32
    %sign3A_971 = arith.extui %sign3A_970 : i1 to i32
    %sign3A_972 = arith.subi %sign3A_968, %sign3A_971 : i32
    %ne3A_973 = arith.cmpi ne, %sign3A_965, %sign3A_972 : i32
    %rem3A_974 = arith.remsi %add3A_956, %jit3A_957 : i32
    %ne3A_975 = arith.constant 0 : i32
    %ne3A_976 = arith.cmpi ne, %rem3A_974, %ne3A_975 : i32
    %and3A_977 = arith.andi %ne3A_973, %ne3A_976 : i1
    %sub3A_978 = arith.constant 1 : i32
    %sub3A_979 = arith.subi %div3A_958, %sub3A_978 : i32
    %select_n3A_980 = arith.select %and3A_977, %sub3A_979, %div3A_958 : i32
    %jit3A_981 = arith.constant 4096 : i32
    %eq3A_982 = arith.constant 0 : i32
    %eq3A_983 = arith.cmpi eq, %jit3A_981, %eq3A_982 : i32
    %jit3A_984 = arith.constant 1 : i32
    %select_n3A_985 = arith.select %eq3A_983, %jit3A_984, %jit3A_981 : i32
    %rem3A_986 = arith.remsi %add3A_956, %select_n3A_985 : i32
    %ne3A_987 = arith.constant 0 : i32
    %ne3A_988 = arith.cmpi ne, %rem3A_986, %ne3A_987 : i32
    %lt3A_989 = arith.constant 0 : i32
    %lt3A_990 = arith.cmpi slt, %rem3A_986, %lt3A_989 : i32
    %lt3A_991 = arith.constant 0 : i32
    %lt3A_992 = arith.cmpi slt, %select_n3A_985, %lt3A_991 : i32
    %ne3A_993 = arith.xori %lt3A_990, %lt3A_992 : i1
    %and3A_994 = arith.andi %ne3A_993, %ne3A_988 : i1
    %add3A_995 = arith.addi %rem3A_986, %select_n3A_985 : i32
    %select_n3A_996 = arith.select %and3A_994, %add3A_995, %rem3A_986 : i32
    %dma_start3A_997 = arith.constant 1536 : i32
    %dma_start3A_998 = arith.constant 0 : i32
    %dma_start3A_999 = tpu.memref_slice %arg6[%dma_start3A_997, %dma_start3A_998] : memref<3328x32xf32, #tpu.memory_space<vmem>> -> memref<128x32xf32, #tpu.memory_space<vmem>>
    %dma_start3A_1000 = arith.constant 0 : i32
    %dma_start3A_1001 = tpu.memref_slice %arg4[%select_n3A_980, %select_n3A_996, %dma_start3A_1000] : memref<26x4096x128xf32, #tpu.memory_space<hbm>> -> memref<1x128x32xf32, #tpu.memory_space<hbm>>
    %dma_start3A_1002 = tpu.memref_squeeze %dma_start3A_1001 : memref<1x128x32xf32, #tpu.memory_space<hbm>> -> memref<128x32xf32, #tpu.memory_space<hbm>>
    %dma_start3A_1003 = arith.constant 0 : i32
    %dma_start3A_1004 = tpu.memref_slice %arg4[%select_n3A_980, %select_n3A_996, %dma_start3A_1003] : memref<26x4096x128xf32, #tpu.memory_space<hbm>> -> memref<1x128x32xf32, #tpu.memory_space<hbm>>
    %dma_start3A_1005 = tpu.memref_squeeze %dma_start3A_1004 : memref<1x128x32xf32, #tpu.memory_space<hbm>> -> memref<128x32xf32, #tpu.memory_space<hbm>>
    %dma_start3A_1006 = arith.constant 1536 : i32
    %dma_start3A_1007 = arith.constant 0 : i32
    %dma_start3A_1008 = tpu.memref_slice %arg6[%dma_start3A_1006, %dma_start3A_1007] : memref<3328x32xf32, #tpu.memory_space<vmem>> -> memref<128x32xf32, #tpu.memory_space<vmem>>
    tpu.enqueue_dma source(%dma_start3A_1008 : memref<128x32xf32, #tpu.memory_space<vmem>>) target(%dma_start3A_1005 : memref<128x32xf32, #tpu.memory_space<hbm>>) target_semaphore(%arg8 : memref<!tpu.dma_semaphore, #tpu.memory_space<semaphore_mem>>)
    %dma_wait3A_1009 = arith.constant 1664 : i32
    %dma_wait3A_1010 = arith.constant 0 : i32
    %dma_wait3A_1011 = tpu.memref_slice %arg6[%dma_wait3A_1009, %dma_wait3A_1010] : memref<3328x32xf32, #tpu.memory_space<vmem>> -> memref<128x32xf32, #tpu.memory_space<vmem>>
    %dma_wait3A_1012 = arith.constant 1664 : i32
    %dma_wait3A_1013 = tpu.memref_slice %arg5[%dma_wait3A_1012] : memref<3328xi32, #tpu.memory_space<vmem>> -> memref<128xi32, #tpu.memory_space<vmem>>
    %dma_wait3A_1014 = arith.constant 0 : i32
    %dma_wait3A_1015 = arith.constant 0 : i32
    %dma_wait3A_1016 = tpu.memref_slice %arg3[%dma_wait3A_1014, %dma_wait3A_1015] : memref<26000x32xf32, #tpu.memory_space<hbm>> -> memref<26000x32xf32, #tpu.memory_space<hbm>>
    tpu.wait_indirect_dma semaphore(%arg7 : memref<!tpu.dma_semaphore, #tpu.memory_space<semaphore_mem>>) src(%dma_wait3A_1016 : memref<26000x32xf32, #tpu.memory_space<hbm>>) dst(%dma_wait3A_1011 : memref<128x32xf32, #tpu.memory_space<vmem>>)
    %add3A_1017 = arith.constant 1664 : i32
    %add3A_1018 = arith.addi %mul3A_2, %add3A_1017 : i32
    %jit3A_1019 = arith.constant 4096 : i32
    %div3A_1020 = arith.divsi %add3A_1018, %jit3A_1019 : i32
    %sign3A_1021 = arith.constant 0 : i32
    %sign3A_1022 = arith.cmpi sgt, %add3A_1018, %sign3A_1021 : i32
    %sign3A_1023 = arith.extui %sign3A_1022 : i1 to i32
    %sign3A_1024 = arith.constant 0 : i32
    %sign3A_1025 = arith.cmpi slt, %add3A_1018, %sign3A_1024 : i32
    %sign3A_1026 = arith.extui %sign3A_1025 : i1 to i32
    %sign3A_1027 = arith.subi %sign3A_1023, %sign3A_1026 : i32
    %sign3A_1028 = arith.constant 0 : i32
    %sign3A_1029 = arith.cmpi sgt, %jit3A_1019, %sign3A_1028 : i32
    %sign3A_1030 = arith.extui %sign3A_1029 : i1 to i32
    %sign3A_1031 = arith.constant 0 : i32
    %sign3A_1032 = arith.cmpi slt, %jit3A_1019, %sign3A_1031 : i32
    %sign3A_1033 = arith.extui %sign3A_1032 : i1 to i32
    %sign3A_1034 = arith.subi %sign3A_1030, %sign3A_1033 : i32
    %ne3A_1035 = arith.cmpi ne, %sign3A_1027, %sign3A_1034 : i32
    %rem3A_1036 = arith.remsi %add3A_1018, %jit3A_1019 : i32
    %ne3A_1037 = arith.constant 0 : i32
    %ne3A_1038 = arith.cmpi ne, %rem3A_1036, %ne3A_1037 : i32
    %and3A_1039 = arith.andi %ne3A_1035, %ne3A_1038 : i1
    %sub3A_1040 = arith.constant 1 : i32
    %sub3A_1041 = arith.subi %div3A_1020, %sub3A_1040 : i32
    %select_n3A_1042 = arith.select %and3A_1039, %sub3A_1041, %div3A_1020 : i32
    %jit3A_1043 = arith.constant 4096 : i32
    %eq3A_1044 = arith.constant 0 : i32
    %eq3A_1045 = arith.cmpi eq, %jit3A_1043, %eq3A_1044 : i32
    %jit3A_1046 = arith.constant 1 : i32
    %select_n3A_1047 = arith.select %eq3A_1045, %jit3A_1046, %jit3A_1043 : i32
    %rem3A_1048 = arith.remsi %add3A_1018, %select_n3A_1047 : i32
    %ne3A_1049 = arith.constant 0 : i32
    %ne3A_1050 = arith.cmpi ne, %rem3A_1048, %ne3A_1049 : i32
    %lt3A_1051 = arith.constant 0 : i32
    %lt3A_1052 = arith.cmpi slt, %rem3A_1048, %lt3A_1051 : i32
    %lt3A_1053 = arith.constant 0 : i32
    %lt3A_1054 = arith.cmpi slt, %select_n3A_1047, %lt3A_1053 : i32
    %ne3A_1055 = arith.xori %lt3A_1052, %lt3A_1054 : i1
    %and3A_1056 = arith.andi %ne3A_1055, %ne3A_1050 : i1
    %add3A_1057 = arith.addi %rem3A_1048, %select_n3A_1047 : i32
    %select_n3A_1058 = arith.select %and3A_1056, %add3A_1057, %rem3A_1048 : i32
    %dma_start3A_1059 = arith.constant 1664 : i32
    %dma_start3A_1060 = arith.constant 0 : i32
    %dma_start3A_1061 = tpu.memref_slice %arg6[%dma_start3A_1059, %dma_start3A_1060] : memref<3328x32xf32, #tpu.memory_space<vmem>> -> memref<128x32xf32, #tpu.memory_space<vmem>>
    %dma_start3A_1062 = arith.constant 0 : i32
    %dma_start3A_1063 = tpu.memref_slice %arg4[%select_n3A_1042, %select_n3A_1058, %dma_start3A_1062] : memref<26x4096x128xf32, #tpu.memory_space<hbm>> -> memref<1x128x32xf32, #tpu.memory_space<hbm>>
    %dma_start3A_1064 = tpu.memref_squeeze %dma_start3A_1063 : memref<1x128x32xf32, #tpu.memory_space<hbm>> -> memref<128x32xf32, #tpu.memory_space<hbm>>
    %dma_start3A_1065 = arith.constant 0 : i32
    %dma_start3A_1066 = tpu.memref_slice %arg4[%select_n3A_1042, %select_n3A_1058, %dma_start3A_1065] : memref<26x4096x128xf32, #tpu.memory_space<hbm>> -> memref<1x128x32xf32, #tpu.memory_space<hbm>>
    %dma_start3A_1067 = tpu.memref_squeeze %dma_start3A_1066 : memref<1x128x32xf32, #tpu.memory_space<hbm>> -> memref<128x32xf32, #tpu.memory_space<hbm>>
    %dma_start3A_1068 = arith.constant 1664 : i32
    %dma_start3A_1069 = arith.constant 0 : i32
    %dma_start3A_1070 = tpu.memref_slice %arg6[%dma_start3A_1068, %dma_start3A_1069] : memref<3328x32xf32, #tpu.memory_space<vmem>> -> memref<128x32xf32, #tpu.memory_space<vmem>>
    tpu.enqueue_dma source(%dma_start3A_1070 : memref<128x32xf32, #tpu.memory_space<vmem>>) target(%dma_start3A_1067 : memref<128x32xf32, #tpu.memory_space<hbm>>) target_semaphore(%arg8 : memref<!tpu.dma_semaphore, #tpu.memory_space<semaphore_mem>>)
    %dma_wait3A_1071 = arith.constant 1792 : i32
    %dma_wait3A_1072 = arith.constant 0 : i32
    %dma_wait3A_1073 = tpu.memref_slice %arg6[%dma_wait3A_1071, %dma_wait3A_1072] : memref<3328x32xf32, #tpu.memory_space<vmem>> -> memref<128x32xf32, #tpu.memory_space<vmem>>
    %dma_wait3A_1074 = arith.constant 1792 : i32
    %dma_wait3A_1075 = tpu.memref_slice %arg5[%dma_wait3A_1074] : memref<3328xi32, #tpu.memory_space<vmem>> -> memref<128xi32, #tpu.memory_space<vmem>>
    %dma_wait3A_1076 = arith.constant 0 : i32
    %dma_wait3A_1077 = arith.constant 0 : i32
    %dma_wait3A_1078 = tpu.memref_slice %arg3[%dma_wait3A_1076, %dma_wait3A_1077] : memref<26000x32xf32, #tpu.memory_space<hbm>> -> memref<26000x32xf32, #tpu.memory_space<hbm>>
    tpu.wait_indirect_dma semaphore(%arg7 : memref<!tpu.dma_semaphore, #tpu.memory_space<semaphore_mem>>) src(%dma_wait3A_1078 : memref<26000x32xf32, #tpu.memory_space<hbm>>) dst(%dma_wait3A_1073 : memref<128x32xf32, #tpu.memory_space<vmem>>)
    %add3A_1079 = arith.constant 1792 : i32
    %add3A_1080 = arith.addi %mul3A_2, %add3A_1079 : i32
    %jit3A_1081 = arith.constant 4096 : i32
    %div3A_1082 = arith.divsi %add3A_1080, %jit3A_1081 : i32
    %sign3A_1083 = arith.constant 0 : i32
    %sign3A_1084 = arith.cmpi sgt, %add3A_1080, %sign3A_1083 : i32
    %sign3A_1085 = arith.extui %sign3A_1084 : i1 to i32
    %sign3A_1086 = arith.constant 0 : i32
    %sign3A_1087 = arith.cmpi slt, %add3A_1080, %sign3A_1086 : i32
    %sign3A_1088 = arith.extui %sign3A_1087 : i1 to i32
    %sign3A_1089 = arith.subi %sign3A_1085, %sign3A_1088 : i32
    %sign3A_1090 = arith.constant 0 : i32
    %sign3A_1091 = arith.cmpi sgt, %jit3A_1081, %sign3A_1090 : i32
    %sign3A_1092 = arith.extui %sign3A_1091 : i1 to i32
    %sign3A_1093 = arith.constant 0 : i32
    %sign3A_1094 = arith.cmpi slt, %jit3A_1081, %sign3A_1093 : i32
    %sign3A_1095 = arith.extui %sign3A_1094 : i1 to i32
    %sign3A_1096 = arith.subi %sign3A_1092, %sign3A_1095 : i32
    %ne3A_1097 = arith.cmpi ne, %sign3A_1089, %sign3A_1096 : i32
    %rem3A_1098 = arith.remsi %add3A_1080, %jit3A_1081 : i32
    %ne3A_1099 = arith.constant 0 : i32
    %ne3A_1100 = arith.cmpi ne, %rem3A_1098, %ne3A_1099 : i32
    %and3A_1101 = arith.andi %ne3A_1097, %ne3A_1100 : i1
    %sub3A_1102 = arith.constant 1 : i32
    %sub3A_1103 = arith.subi %div3A_1082, %sub3A_1102 : i32
    %select_n3A_1104 = arith.select %and3A_1101, %sub3A_1103, %div3A_1082 : i32
    %jit3A_1105 = arith.constant 4096 : i32
    %eq3A_1106 = arith.constant 0 : i32
    %eq3A_1107 = arith.cmpi eq, %jit3A_1105, %eq3A_1106 : i32
    %jit3A_1108 = arith.constant 1 : i32
    %select_n3A_1109 = arith.select %eq3A_1107, %jit3A_1108, %jit3A_1105 : i32
    %rem3A_1110 = arith.remsi %add3A_1080, %select_n3A_1109 : i32
    %ne3A_1111 = arith.constant 0 : i32
    %ne3A_1112 = arith.cmpi ne, %rem3A_1110, %ne3A_1111 : i32
    %lt3A_1113 = arith.constant 0 : i32
    %lt3A_1114 = arith.cmpi slt, %rem3A_1110, %lt3A_1113 : i32
    %lt3A_1115 = arith.constant 0 : i32
    %lt3A_1116 = arith.cmpi slt, %select_n3A_1109, %lt3A_1115 : i32
    %ne3A_1117 = arith.xori %lt3A_1114, %lt3A_1116 : i1
    %and3A_1118 = arith.andi %ne3A_1117, %ne3A_1112 : i1
    %add3A_1119 = arith.addi %rem3A_1110, %select_n3A_1109 : i32
    %select_n3A_1120 = arith.select %and3A_1118, %add3A_1119, %rem3A_1110 : i32
    %dma_start3A_1121 = arith.constant 1792 : i32
    %dma_start3A_1122 = arith.constant 0 : i32
    %dma_start3A_1123 = tpu.memref_slice %arg6[%dma_start3A_1121, %dma_start3A_1122] : memref<3328x32xf32, #tpu.memory_space<vmem>> -> memref<128x32xf32, #tpu.memory_space<vmem>>
    %dma_start3A_1124 = arith.constant 0 : i32
    %dma_start3A_1125 = tpu.memref_slice %arg4[%select_n3A_1104, %select_n3A_1120, %dma_start3A_1124] : memref<26x4096x128xf32, #tpu.memory_space<hbm>> -> memref<1x128x32xf32, #tpu.memory_space<hbm>>
    %dma_start3A_1126 = tpu.memref_squeeze %dma_start3A_1125 : memref<1x128x32xf32, #tpu.memory_space<hbm>> -> memref<128x32xf32, #tpu.memory_space<hbm>>
    %dma_start3A_1127 = arith.constant 0 : i32
    %dma_start3A_1128 = tpu.memref_slice %arg4[%select_n3A_1104, %select_n3A_1120, %dma_start3A_1127] : memref<26x4096x128xf32, #tpu.memory_space<hbm>> -> memref<1x128x32xf32, #tpu.memory_space<hbm>>
    %dma_start3A_1129 = tpu.memref_squeeze %dma_start3A_1128 : memref<1x128x32xf32, #tpu.memory_space<hbm>> -> memref<128x32xf32, #tpu.memory_space<hbm>>
    %dma_start3A_1130 = arith.constant 1792 : i32
    %dma_start3A_1131 = arith.constant 0 : i32
    %dma_start3A_1132 = tpu.memref_slice %arg6[%dma_start3A_1130, %dma_start3A_1131] : memref<3328x32xf32, #tpu.memory_space<vmem>> -> memref<128x32xf32, #tpu.memory_space<vmem>>
    tpu.enqueue_dma source(%dma_start3A_1132 : memref<128x32xf32, #tpu.memory_space<vmem>>) target(%dma_start3A_1129 : memref<128x32xf32, #tpu.memory_space<hbm>>) target_semaphore(%arg8 : memref<!tpu.dma_semaphore, #tpu.memory_space<semaphore_mem>>)
    %dma_wait3A_1133 = arith.constant 1920 : i32
    %dma_wait3A_1134 = arith.constant 0 : i32
    %dma_wait3A_1135 = tpu.memref_slice %arg6[%dma_wait3A_1133, %dma_wait3A_1134] : memref<3328x32xf32, #tpu.memory_space<vmem>> -> memref<128x32xf32, #tpu.memory_space<vmem>>
    %dma_wait3A_1136 = arith.constant 1920 : i32
    %dma_wait3A_1137 = tpu.memref_slice %arg5[%dma_wait3A_1136] : memref<3328xi32, #tpu.memory_space<vmem>> -> memref<128xi32, #tpu.memory_space<vmem>>
    %dma_wait3A_1138 = arith.constant 0 : i32
    %dma_wait3A_1139 = arith.constant 0 : i32
    %dma_wait3A_1140 = tpu.memref_slice %arg3[%dma_wait3A_1138, %dma_wait3A_1139] : memref<26000x32xf32, #tpu.memory_space<hbm>> -> memref<26000x32xf32, #tpu.memory_space<hbm>>
    tpu.wait_indirect_dma semaphore(%arg7 : memref<!tpu.dma_semaphore, #tpu.memory_space<semaphore_mem>>) src(%dma_wait3A_1140 : memref<26000x32xf32, #tpu.memory_space<hbm>>) dst(%dma_wait3A_1135 : memref<128x32xf32, #tpu.memory_space<vmem>>)
    %add3A_1141 = arith.constant 1920 : i32
    %add3A_1142 = arith.addi %mul3A_2, %add3A_1141 : i32
    %jit3A_1143 = arith.constant 4096 : i32
    %div3A_1144 = arith.divsi %add3A_1142, %jit3A_1143 : i32
    %sign3A_1145 = arith.constant 0 : i32
    %sign3A_1146 = arith.cmpi sgt, %add3A_1142, %sign3A_1145 : i32
    %sign3A_1147 = arith.extui %sign3A_1146 : i1 to i32
    %sign3A_1148 = arith.constant 0 : i32
    %sign3A_1149 = arith.cmpi slt, %add3A_1142, %sign3A_1148 : i32
    %sign3A_1150 = arith.extui %sign3A_1149 : i1 to i32
    %sign3A_1151 = arith.subi %sign3A_1147, %sign3A_1150 : i32
    %sign3A_1152 = arith.constant 0 : i32
    %sign3A_1153 = arith.cmpi sgt, %jit3A_1143, %sign3A_1152 : i32
    %sign3A_1154 = arith.extui %sign3A_1153 : i1 to i32
    %sign3A_1155 = arith.constant 0 : i32
    %sign3A_1156 = arith.cmpi slt, %jit3A_1143, %sign3A_1155 : i32
    %sign3A_1157 = arith.extui %sign3A_1156 : i1 to i32
    %sign3A_1158 = arith.subi %sign3A_1154, %sign3A_1157 : i32
    %ne3A_1159 = arith.cmpi ne, %sign3A_1151, %sign3A_1158 : i32
    %rem3A_1160 = arith.remsi %add3A_1142, %jit3A_1143 : i32
    %ne3A_1161 = arith.constant 0 : i32
    %ne3A_1162 = arith.cmpi ne, %rem3A_1160, %ne3A_1161 : i32
    %and3A_1163 = arith.andi %ne3A_1159, %ne3A_1162 : i1
    %sub3A_1164 = arith.constant 1 : i32
    %sub3A_1165 = arith.subi %div3A_1144, %sub3A_1164 : i32
    %select_n3A_1166 = arith.select %and3A_1163, %sub3A_1165, %div3A_1144 : i32
    %jit3A_1167 = arith.constant 4096 : i32
    %eq3A_1168 = arith.constant 0 : i32
    %eq3A_1169 = arith.cmpi eq, %jit3A_1167, %eq3A_1168 : i32
    %jit3A_1170 = arith.constant 1 : i32
    %select_n3A_1171 = arith.select %eq3A_1169, %jit3A_1170, %jit3A_1167 : i32
    %rem3A_1172 = arith.remsi %add3A_1142, %select_n3A_1171 : i32
    %ne3A_1173 = arith.constant 0 : i32
    %ne3A_1174 = arith.cmpi ne, %rem3A_1172, %ne3A_1173 : i32
    %lt3A_1175 = arith.constant 0 : i32
    %lt3A_1176 = arith.cmpi slt, %rem3A_1172, %lt3A_1175 : i32
    %lt3A_1177 = arith.constant 0 : i32
    %lt3A_1178 = arith.cmpi slt, %select_n3A_1171, %lt3A_1177 : i32
    %ne3A_1179 = arith.xori %lt3A_1176, %lt3A_1178 : i1
    %and3A_1180 = arith.andi %ne3A_1179, %ne3A_1174 : i1
    %add3A_1181 = arith.addi %rem3A_1172, %select_n3A_1171 : i32
    %select_n3A_1182 = arith.select %and3A_1180, %add3A_1181, %rem3A_1172 : i32
    %dma_start3A_1183 = arith.constant 1920 : i32
    %dma_start3A_1184 = arith.constant 0 : i32
    %dma_start3A_1185 = tpu.memref_slice %arg6[%dma_start3A_1183, %dma_start3A_1184] : memref<3328x32xf32, #tpu.memory_space<vmem>> -> memref<128x32xf32, #tpu.memory_space<vmem>>
    %dma_start3A_1186 = arith.constant 0 : i32
    %dma_start3A_1187 = tpu.memref_slice %arg4[%select_n3A_1166, %select_n3A_1182, %dma_start3A_1186] : memref<26x4096x128xf32, #tpu.memory_space<hbm>> -> memref<1x128x32xf32, #tpu.memory_space<hbm>>
    %dma_start3A_1188 = tpu.memref_squeeze %dma_start3A_1187 : memref<1x128x32xf32, #tpu.memory_space<hbm>> -> memref<128x32xf32, #tpu.memory_space<hbm>>
    %dma_start3A_1189 = arith.constant 0 : i32
    %dma_start3A_1190 = tpu.memref_slice %arg4[%select_n3A_1166, %select_n3A_1182, %dma_start3A_1189] : memref<26x4096x128xf32, #tpu.memory_space<hbm>> -> memref<1x128x32xf32, #tpu.memory_space<hbm>>
    %dma_start3A_1191 = tpu.memref_squeeze %dma_start3A_1190 : memref<1x128x32xf32, #tpu.memory_space<hbm>> -> memref<128x32xf32, #tpu.memory_space<hbm>>
    %dma_start3A_1192 = arith.constant 1920 : i32
    %dma_start3A_1193 = arith.constant 0 : i32
    %dma_start3A_1194 = tpu.memref_slice %arg6[%dma_start3A_1192, %dma_start3A_1193] : memref<3328x32xf32, #tpu.memory_space<vmem>> -> memref<128x32xf32, #tpu.memory_space<vmem>>
    tpu.enqueue_dma source(%dma_start3A_1194 : memref<128x32xf32, #tpu.memory_space<vmem>>) target(%dma_start3A_1191 : memref<128x32xf32, #tpu.memory_space<hbm>>) target_semaphore(%arg8 : memref<!tpu.dma_semaphore, #tpu.memory_space<semaphore_mem>>)
    %dma_wait3A_1195 = arith.constant 2048 : i32
    %dma_wait3A_1196 = arith.constant 0 : i32
    %dma_wait3A_1197 = tpu.memref_slice %arg6[%dma_wait3A_1195, %dma_wait3A_1196] : memref<3328x32xf32, #tpu.memory_space<vmem>> -> memref<128x32xf32, #tpu.memory_space<vmem>>
    %dma_wait3A_1198 = arith.constant 2048 : i32
    %dma_wait3A_1199 = tpu.memref_slice %arg5[%dma_wait3A_1198] : memref<3328xi32, #tpu.memory_space<vmem>> -> memref<128xi32, #tpu.memory_space<vmem>>
    %dma_wait3A_1200 = arith.constant 0 : i32
    %dma_wait3A_1201 = arith.constant 0 : i32
    %dma_wait3A_1202 = tpu.memref_slice %arg3[%dma_wait3A_1200, %dma_wait3A_1201] : memref<26000x32xf32, #tpu.memory_space<hbm>> -> memref<26000x32xf32, #tpu.memory_space<hbm>>
    tpu.wait_indirect_dma semaphore(%arg7 : memref<!tpu.dma_semaphore, #tpu.memory_space<semaphore_mem>>) src(%dma_wait3A_1202 : memref<26000x32xf32, #tpu.memory_space<hbm>>) dst(%dma_wait3A_1197 : memref<128x32xf32, #tpu.memory_space<vmem>>)
    %add3A_1203 = arith.constant 2048 : i32
    %add3A_1204 = arith.addi %mul3A_2, %add3A_1203 : i32
    %jit3A_1205 = arith.constant 4096 : i32
    %div3A_1206 = arith.divsi %add3A_1204, %jit3A_1205 : i32
    %sign3A_1207 = arith.constant 0 : i32
    %sign3A_1208 = arith.cmpi sgt, %add3A_1204, %sign3A_1207 : i32
    %sign3A_1209 = arith.extui %sign3A_1208 : i1 to i32
    %sign3A_1210 = arith.constant 0 : i32
    %sign3A_1211 = arith.cmpi slt, %add3A_1204, %sign3A_1210 : i32
    %sign3A_1212 = arith.extui %sign3A_1211 : i1 to i32
    %sign3A_1213 = arith.subi %sign3A_1209, %sign3A_1212 : i32
    %sign3A_1214 = arith.constant 0 : i32
    %sign3A_1215 = arith.cmpi sgt, %jit3A_1205, %sign3A_1214 : i32
    %sign3A_1216 = arith.extui %sign3A_1215 : i1 to i32
    %sign3A_1217 = arith.constant 0 : i32
    %sign3A_1218 = arith.cmpi slt, %jit3A_1205, %sign3A_1217 : i32
    %sign3A_1219 = arith.extui %sign3A_1218 : i1 to i32
    %sign3A_1220 = arith.subi %sign3A_1216, %sign3A_1219 : i32
    %ne3A_1221 = arith.cmpi ne, %sign3A_1213, %sign3A_1220 : i32
    %rem3A_1222 = arith.remsi %add3A_1204, %jit3A_1205 : i32
    %ne3A_1223 = arith.constant 0 : i32
    %ne3A_1224 = arith.cmpi ne, %rem3A_1222, %ne3A_1223 : i32
    %and3A_1225 = arith.andi %ne3A_1221, %ne3A_1224 : i1
    %sub3A_1226 = arith.constant 1 : i32
    %sub3A_1227 = arith.subi %div3A_1206, %sub3A_1226 : i32
    %select_n3A_1228 = arith.select %and3A_1225, %sub3A_1227, %div3A_1206 : i32
    %jit3A_1229 = arith.constant 4096 : i32
    %eq3A_1230 = arith.constant 0 : i32
    %eq3A_1231 = arith.cmpi eq, %jit3A_1229, %eq3A_1230 : i32
    %jit3A_1232 = arith.constant 1 : i32
    %select_n3A_1233 = arith.select %eq3A_1231, %jit3A_1232, %jit3A_1229 : i32
    %rem3A_1234 = arith.remsi %add3A_1204, %select_n3A_1233 : i32
    %ne3A_1235 = arith.constant 0 : i32
    %ne3A_1236 = arith.cmpi ne, %rem3A_1234, %ne3A_1235 : i32
    %lt3A_1237 = arith.constant 0 : i32
    %lt3A_1238 = arith.cmpi slt, %rem3A_1234, %lt3A_1237 : i32
    %lt3A_1239 = arith.constant 0 : i32
    %lt3A_1240 = arith.cmpi slt, %select_n3A_1233, %lt3A_1239 : i32
    %ne3A_1241 = arith.xori %lt3A_1238, %lt3A_1240 : i1
    %and3A_1242 = arith.andi %ne3A_1241, %ne3A_1236 : i1
    %add3A_1243 = arith.addi %rem3A_1234, %select_n3A_1233 : i32
    %select_n3A_1244 = arith.select %and3A_1242, %add3A_1243, %rem3A_1234 : i32
    %dma_start3A_1245 = arith.constant 2048 : i32
    %dma_start3A_1246 = arith.constant 0 : i32
    %dma_start3A_1247 = tpu.memref_slice %arg6[%dma_start3A_1245, %dma_start3A_1246] : memref<3328x32xf32, #tpu.memory_space<vmem>> -> memref<128x32xf32, #tpu.memory_space<vmem>>
    %dma_start3A_1248 = arith.constant 0 : i32
    %dma_start3A_1249 = tpu.memref_slice %arg4[%select_n3A_1228, %select_n3A_1244, %dma_start3A_1248] : memref<26x4096x128xf32, #tpu.memory_space<hbm>> -> memref<1x128x32xf32, #tpu.memory_space<hbm>>
    %dma_start3A_1250 = tpu.memref_squeeze %dma_start3A_1249 : memref<1x128x32xf32, #tpu.memory_space<hbm>> -> memref<128x32xf32, #tpu.memory_space<hbm>>
    %dma_start3A_1251 = arith.constant 0 : i32
    %dma_start3A_1252 = tpu.memref_slice %arg4[%select_n3A_1228, %select_n3A_1244, %dma_start3A_1251] : memref<26x4096x128xf32, #tpu.memory_space<hbm>> -> memref<1x128x32xf32, #tpu.memory_space<hbm>>
    %dma_start3A_1253 = tpu.memref_squeeze %dma_start3A_1252 : memref<1x128x32xf32, #tpu.memory_space<hbm>> -> memref<128x32xf32, #tpu.memory_space<hbm>>
    %dma_start3A_1254 = arith.constant 2048 : i32
    %dma_start3A_1255 = arith.constant 0 : i32
    %dma_start3A_1256 = tpu.memref_slice %arg6[%dma_start3A_1254, %dma_start3A_1255] : memref<3328x32xf32, #tpu.memory_space<vmem>> -> memref<128x32xf32, #tpu.memory_space<vmem>>
    tpu.enqueue_dma source(%dma_start3A_1256 : memref<128x32xf32, #tpu.memory_space<vmem>>) target(%dma_start3A_1253 : memref<128x32xf32, #tpu.memory_space<hbm>>) target_semaphore(%arg8 : memref<!tpu.dma_semaphore, #tpu.memory_space<semaphore_mem>>)
    %dma_wait3A_1257 = arith.constant 2176 : i32
    %dma_wait3A_1258 = arith.constant 0 : i32
    %dma_wait3A_1259 = tpu.memref_slice %arg6[%dma_wait3A_1257, %dma_wait3A_1258] : memref<3328x32xf32, #tpu.memory_space<vmem>> -> memref<128x32xf32, #tpu.memory_space<vmem>>
    %dma_wait3A_1260 = arith.constant 2176 : i32
    %dma_wait3A_1261 = tpu.memref_slice %arg5[%dma_wait3A_1260] : memref<3328xi32, #tpu.memory_space<vmem>> -> memref<128xi32, #tpu.memory_space<vmem>>
    %dma_wait3A_1262 = arith.constant 0 : i32
    %dma_wait3A_1263 = arith.constant 0 : i32
    %dma_wait3A_1264 = tpu.memref_slice %arg3[%dma_wait3A_1262, %dma_wait3A_1263] : memref<26000x32xf32, #tpu.memory_space<hbm>> -> memref<26000x32xf32, #tpu.memory_space<hbm>>
    tpu.wait_indirect_dma semaphore(%arg7 : memref<!tpu.dma_semaphore, #tpu.memory_space<semaphore_mem>>) src(%dma_wait3A_1264 : memref<26000x32xf32, #tpu.memory_space<hbm>>) dst(%dma_wait3A_1259 : memref<128x32xf32, #tpu.memory_space<vmem>>)
    %add3A_1265 = arith.constant 2176 : i32
    %add3A_1266 = arith.addi %mul3A_2, %add3A_1265 : i32
    %jit3A_1267 = arith.constant 4096 : i32
    %div3A_1268 = arith.divsi %add3A_1266, %jit3A_1267 : i32
    %sign3A_1269 = arith.constant 0 : i32
    %sign3A_1270 = arith.cmpi sgt, %add3A_1266, %sign3A_1269 : i32
    %sign3A_1271 = arith.extui %sign3A_1270 : i1 to i32
    %sign3A_1272 = arith.constant 0 : i32
    %sign3A_1273 = arith.cmpi slt, %add3A_1266, %sign3A_1272 : i32
    %sign3A_1274 = arith.extui %sign3A_1273 : i1 to i32
    %sign3A_1275 = arith.subi %sign3A_1271, %sign3A_1274 : i32
    %sign3A_1276 = arith.constant 0 : i32
    %sign3A_1277 = arith.cmpi sgt, %jit3A_1267, %sign3A_1276 : i32
    %sign3A_1278 = arith.extui %sign3A_1277 : i1 to i32
    %sign3A_1279 = arith.constant 0 : i32
    %sign3A_1280 = arith.cmpi slt, %jit3A_1267, %sign3A_1279 : i32
    %sign3A_1281 = arith.extui %sign3A_1280 : i1 to i32
    %sign3A_1282 = arith.subi %sign3A_1278, %sign3A_1281 : i32
    %ne3A_1283 = arith.cmpi ne, %sign3A_1275, %sign3A_1282 : i32
    %rem3A_1284 = arith.remsi %add3A_1266, %jit3A_1267 : i32
    %ne3A_1285 = arith.constant 0 : i32
    %ne3A_1286 = arith.cmpi ne, %rem3A_1284, %ne3A_1285 : i32
    %and3A_1287 = arith.andi %ne3A_1283, %ne3A_1286 : i1
    %sub3A_1288 = arith.constant 1 : i32
    %sub3A_1289 = arith.subi %div3A_1268, %sub3A_1288 : i32
    %select_n3A_1290 = arith.select %and3A_1287, %sub3A_1289, %div3A_1268 : i32
    %jit3A_1291 = arith.constant 4096 : i32
    %eq3A_1292 = arith.constant 0 : i32
    %eq3A_1293 = arith.cmpi eq, %jit3A_1291, %eq3A_1292 : i32
    %jit3A_1294 = arith.constant 1 : i32
    %select_n3A_1295 = arith.select %eq3A_1293, %jit3A_1294, %jit3A_1291 : i32
    %rem3A_1296 = arith.remsi %add3A_1266, %select_n3A_1295 : i32
    %ne3A_1297 = arith.constant 0 : i32
    %ne3A_1298 = arith.cmpi ne, %rem3A_1296, %ne3A_1297 : i32
    %lt3A_1299 = arith.constant 0 : i32
    %lt3A_1300 = arith.cmpi slt, %rem3A_1296, %lt3A_1299 : i32
    %lt3A_1301 = arith.constant 0 : i32
    %lt3A_1302 = arith.cmpi slt, %select_n3A_1295, %lt3A_1301 : i32
    %ne3A_1303 = arith.xori %lt3A_1300, %lt3A_1302 : i1
    %and3A_1304 = arith.andi %ne3A_1303, %ne3A_1298 : i1
    %add3A_1305 = arith.addi %rem3A_1296, %select_n3A_1295 : i32
    %select_n3A_1306 = arith.select %and3A_1304, %add3A_1305, %rem3A_1296 : i32
    %dma_start3A_1307 = arith.constant 2176 : i32
    %dma_start3A_1308 = arith.constant 0 : i32
    %dma_start3A_1309 = tpu.memref_slice %arg6[%dma_start3A_1307, %dma_start3A_1308] : memref<3328x32xf32, #tpu.memory_space<vmem>> -> memref<128x32xf32, #tpu.memory_space<vmem>>
    %dma_start3A_1310 = arith.constant 0 : i32
    %dma_start3A_1311 = tpu.memref_slice %arg4[%select_n3A_1290, %select_n3A_1306, %dma_start3A_1310] : memref<26x4096x128xf32, #tpu.memory_space<hbm>> -> memref<1x128x32xf32, #tpu.memory_space<hbm>>
    %dma_start3A_1312 = tpu.memref_squeeze %dma_start3A_1311 : memref<1x128x32xf32, #tpu.memory_space<hbm>> -> memref<128x32xf32, #tpu.memory_space<hbm>>
    %dma_start3A_1313 = arith.constant 0 : i32
    %dma_start3A_1314 = tpu.memref_slice %arg4[%select_n3A_1290, %select_n3A_1306, %dma_start3A_1313] : memref<26x4096x128xf32, #tpu.memory_space<hbm>> -> memref<1x128x32xf32, #tpu.memory_space<hbm>>
    %dma_start3A_1315 = tpu.memref_squeeze %dma_start3A_1314 : memref<1x128x32xf32, #tpu.memory_space<hbm>> -> memref<128x32xf32, #tpu.memory_space<hbm>>
    %dma_start3A_1316 = arith.constant 2176 : i32
    %dma_start3A_1317 = arith.constant 0 : i32
    %dma_start3A_1318 = tpu.memref_slice %arg6[%dma_start3A_1316, %dma_start3A_1317] : memref<3328x32xf32, #tpu.memory_space<vmem>> -> memref<128x32xf32, #tpu.memory_space<vmem>>
    tpu.enqueue_dma source(%dma_start3A_1318 : memref<128x32xf32, #tpu.memory_space<vmem>>) target(%dma_start3A_1315 : memref<128x32xf32, #tpu.memory_space<hbm>>) target_semaphore(%arg8 : memref<!tpu.dma_semaphore, #tpu.memory_space<semaphore_mem>>)
    %dma_wait3A_1319 = arith.constant 2304 : i32
    %dma_wait3A_1320 = arith.constant 0 : i32
    %dma_wait3A_1321 = tpu.memref_slice %arg6[%dma_wait3A_1319, %dma_wait3A_1320] : memref<3328x32xf32, #tpu.memory_space<vmem>> -> memref<128x32xf32, #tpu.memory_space<vmem>>
    %dma_wait3A_1322 = arith.constant 2304 : i32
    %dma_wait3A_1323 = tpu.memref_slice %arg5[%dma_wait3A_1322] : memref<3328xi32, #tpu.memory_space<vmem>> -> memref<128xi32, #tpu.memory_space<vmem>>
    %dma_wait3A_1324 = arith.constant 0 : i32
    %dma_wait3A_1325 = arith.constant 0 : i32
    %dma_wait3A_1326 = tpu.memref_slice %arg3[%dma_wait3A_1324, %dma_wait3A_1325] : memref<26000x32xf32, #tpu.memory_space<hbm>> -> memref<26000x32xf32, #tpu.memory_space<hbm>>
    tpu.wait_indirect_dma semaphore(%arg7 : memref<!tpu.dma_semaphore, #tpu.memory_space<semaphore_mem>>) src(%dma_wait3A_1326 : memref<26000x32xf32, #tpu.memory_space<hbm>>) dst(%dma_wait3A_1321 : memref<128x32xf32, #tpu.memory_space<vmem>>)
    %add3A_1327 = arith.constant 2304 : i32
    %add3A_1328 = arith.addi %mul3A_2, %add3A_1327 : i32
    %jit3A_1329 = arith.constant 4096 : i32
    %div3A_1330 = arith.divsi %add3A_1328, %jit3A_1329 : i32
    %sign3A_1331 = arith.constant 0 : i32
    %sign3A_1332 = arith.cmpi sgt, %add3A_1328, %sign3A_1331 : i32
    %sign3A_1333 = arith.extui %sign3A_1332 : i1 to i32
    %sign3A_1334 = arith.constant 0 : i32
    %sign3A_1335 = arith.cmpi slt, %add3A_1328, %sign3A_1334 : i32
    %sign3A_1336 = arith.extui %sign3A_1335 : i1 to i32
    %sign3A_1337 = arith.subi %sign3A_1333, %sign3A_1336 : i32
    %sign3A_1338 = arith.constant 0 : i32
    %sign3A_1339 = arith.cmpi sgt, %jit3A_1329, %sign3A_1338 : i32
    %sign3A_1340 = arith.extui %sign3A_1339 : i1 to i32
    %sign3A_1341 = arith.constant 0 : i32
    %sign3A_1342 = arith.cmpi slt, %jit3A_1329, %sign3A_1341 : i32
    %sign3A_1343 = arith.extui %sign3A_1342 : i1 to i32
    %sign3A_1344 = arith.subi %sign3A_1340, %sign3A_1343 : i32
    %ne3A_1345 = arith.cmpi ne, %sign3A_1337, %sign3A_1344 : i32
    %rem3A_1346 = arith.remsi %add3A_1328, %jit3A_1329 : i32
    %ne3A_1347 = arith.constant 0 : i32
    %ne3A_1348 = arith.cmpi ne, %rem3A_1346, %ne3A_1347 : i32
    %and3A_1349 = arith.andi %ne3A_1345, %ne3A_1348 : i1
    %sub3A_1350 = arith.constant 1 : i32
    %sub3A_1351 = arith.subi %div3A_1330, %sub3A_1350 : i32
    %select_n3A_1352 = arith.select %and3A_1349, %sub3A_1351, %div3A_1330 : i32
    %jit3A_1353 = arith.constant 4096 : i32
    %eq3A_1354 = arith.constant 0 : i32
    %eq3A_1355 = arith.cmpi eq, %jit3A_1353, %eq3A_1354 : i32
    %jit3A_1356 = arith.constant 1 : i32
    %select_n3A_1357 = arith.select %eq3A_1355, %jit3A_1356, %jit3A_1353 : i32
    %rem3A_1358 = arith.remsi %add3A_1328, %select_n3A_1357 : i32
    %ne3A_1359 = arith.constant 0 : i32
    %ne3A_1360 = arith.cmpi ne, %rem3A_1358, %ne3A_1359 : i32
    %lt3A_1361 = arith.constant 0 : i32
    %lt3A_1362 = arith.cmpi slt, %rem3A_1358, %lt3A_1361 : i32
    %lt3A_1363 = arith.constant 0 : i32
    %lt3A_1364 = arith.cmpi slt, %select_n3A_1357, %lt3A_1363 : i32
    %ne3A_1365 = arith.xori %lt3A_1362, %lt3A_1364 : i1
    %and3A_1366 = arith.andi %ne3A_1365, %ne3A_1360 : i1
    %add3A_1367 = arith.addi %rem3A_1358, %select_n3A_1357 : i32
    %select_n3A_1368 = arith.select %and3A_1366, %add3A_1367, %rem3A_1358 : i32
    %dma_start3A_1369 = arith.constant 2304 : i32
    %dma_start3A_1370 = arith.constant 0 : i32
    %dma_start3A_1371 = tpu.memref_slice %arg6[%dma_start3A_1369, %dma_start3A_1370] : memref<3328x32xf32, #tpu.memory_space<vmem>> -> memref<128x32xf32, #tpu.memory_space<vmem>>
    %dma_start3A_1372 = arith.constant 0 : i32
    %dma_start3A_1373 = tpu.memref_slice %arg4[%select_n3A_1352, %select_n3A_1368, %dma_start3A_1372] : memref<26x4096x128xf32, #tpu.memory_space<hbm>> -> memref<1x128x32xf32, #tpu.memory_space<hbm>>
    %dma_start3A_1374 = tpu.memref_squeeze %dma_start3A_1373 : memref<1x128x32xf32, #tpu.memory_space<hbm>> -> memref<128x32xf32, #tpu.memory_space<hbm>>
    %dma_start3A_1375 = arith.constant 0 : i32
    %dma_start3A_1376 = tpu.memref_slice %arg4[%select_n3A_1352, %select_n3A_1368, %dma_start3A_1375] : memref<26x4096x128xf32, #tpu.memory_space<hbm>> -> memref<1x128x32xf32, #tpu.memory_space<hbm>>
    %dma_start3A_1377 = tpu.memref_squeeze %dma_start3A_1376 : memref<1x128x32xf32, #tpu.memory_space<hbm>> -> memref<128x32xf32, #tpu.memory_space<hbm>>
    %dma_start3A_1378 = arith.constant 2304 : i32
    %dma_start3A_1379 = arith.constant 0 : i32
    %dma_start3A_1380 = tpu.memref_slice %arg6[%dma_start3A_1378, %dma_start3A_1379] : memref<3328x32xf32, #tpu.memory_space<vmem>> -> memref<128x32xf32, #tpu.memory_space<vmem>>
    tpu.enqueue_dma source(%dma_start3A_1380 : memref<128x32xf32, #tpu.memory_space<vmem>>) target(%dma_start3A_1377 : memref<128x32xf32, #tpu.memory_space<hbm>>) target_semaphore(%arg8 : memref<!tpu.dma_semaphore, #tpu.memory_space<semaphore_mem>>)
    %dma_wait3A_1381 = arith.constant 2432 : i32
    %dma_wait3A_1382 = arith.constant 0 : i32
    %dma_wait3A_1383 = tpu.memref_slice %arg6[%dma_wait3A_1381, %dma_wait3A_1382] : memref<3328x32xf32, #tpu.memory_space<vmem>> -> memref<128x32xf32, #tpu.memory_space<vmem>>
    %dma_wait3A_1384 = arith.constant 2432 : i32
    %dma_wait3A_1385 = tpu.memref_slice %arg5[%dma_wait3A_1384] : memref<3328xi32, #tpu.memory_space<vmem>> -> memref<128xi32, #tpu.memory_space<vmem>>
    %dma_wait3A_1386 = arith.constant 0 : i32
    %dma_wait3A_1387 = arith.constant 0 : i32
    %dma_wait3A_1388 = tpu.memref_slice %arg3[%dma_wait3A_1386, %dma_wait3A_1387] : memref<26000x32xf32, #tpu.memory_space<hbm>> -> memref<26000x32xf32, #tpu.memory_space<hbm>>
    tpu.wait_indirect_dma semaphore(%arg7 : memref<!tpu.dma_semaphore, #tpu.memory_space<semaphore_mem>>) src(%dma_wait3A_1388 : memref<26000x32xf32, #tpu.memory_space<hbm>>) dst(%dma_wait3A_1383 : memref<128x32xf32, #tpu.memory_space<vmem>>)
    %add3A_1389 = arith.constant 2432 : i32
    %add3A_1390 = arith.addi %mul3A_2, %add3A_1389 : i32
    %jit3A_1391 = arith.constant 4096 : i32
    %div3A_1392 = arith.divsi %add3A_1390, %jit3A_1391 : i32
    %sign3A_1393 = arith.constant 0 : i32
    %sign3A_1394 = arith.cmpi sgt, %add3A_1390, %sign3A_1393 : i32
    %sign3A_1395 = arith.extui %sign3A_1394 : i1 to i32
    %sign3A_1396 = arith.constant 0 : i32
    %sign3A_1397 = arith.cmpi slt, %add3A_1390, %sign3A_1396 : i32
    %sign3A_1398 = arith.extui %sign3A_1397 : i1 to i32
    %sign3A_1399 = arith.subi %sign3A_1395, %sign3A_1398 : i32
    %sign3A_1400 = arith.constant 0 : i32
    %sign3A_1401 = arith.cmpi sgt, %jit3A_1391, %sign3A_1400 : i32
    %sign3A_1402 = arith.extui %sign3A_1401 : i1 to i32
    %sign3A_1403 = arith.constant 0 : i32
    %sign3A_1404 = arith.cmpi slt, %jit3A_1391, %sign3A_1403 : i32
    %sign3A_1405 = arith.extui %sign3A_1404 : i1 to i32
    %sign3A_1406 = arith.subi %sign3A_1402, %sign3A_1405 : i32
    %ne3A_1407 = arith.cmpi ne, %sign3A_1399, %sign3A_1406 : i32
    %rem3A_1408 = arith.remsi %add3A_1390, %jit3A_1391 : i32
    %ne3A_1409 = arith.constant 0 : i32
    %ne3A_1410 = arith.cmpi ne, %rem3A_1408, %ne3A_1409 : i32
    %and3A_1411 = arith.andi %ne3A_1407, %ne3A_1410 : i1
    %sub3A_1412 = arith.constant 1 : i32
    %sub3A_1413 = arith.subi %div3A_1392, %sub3A_1412 : i32
    %select_n3A_1414 = arith.select %and3A_1411, %sub3A_1413, %div3A_1392 : i32
    %jit3A_1415 = arith.constant 4096 : i32
    %eq3A_1416 = arith.constant 0 : i32
    %eq3A_1417 = arith.cmpi eq, %jit3A_1415, %eq3A_1416 : i32
    %jit3A_1418 = arith.constant 1 : i32
    %select_n3A_1419 = arith.select %eq3A_1417, %jit3A_1418, %jit3A_1415 : i32
    %rem3A_1420 = arith.remsi %add3A_1390, %select_n3A_1419 : i32
    %ne3A_1421 = arith.constant 0 : i32
    %ne3A_1422 = arith.cmpi ne, %rem3A_1420, %ne3A_1421 : i32
    %lt3A_1423 = arith.constant 0 : i32
    %lt3A_1424 = arith.cmpi slt, %rem3A_1420, %lt3A_1423 : i32
    %lt3A_1425 = arith.constant 0 : i32
    %lt3A_1426 = arith.cmpi slt, %select_n3A_1419, %lt3A_1425 : i32
    %ne3A_1427 = arith.xori %lt3A_1424, %lt3A_1426 : i1
    %and3A_1428 = arith.andi %ne3A_1427, %ne3A_1422 : i1
    %add3A_1429 = arith.addi %rem3A_1420, %select_n3A_1419 : i32
    %select_n3A_1430 = arith.select %and3A_1428, %add3A_1429, %rem3A_1420 : i32
    %dma_start3A_1431 = arith.constant 2432 : i32
    %dma_start3A_1432 = arith.constant 0 : i32
    %dma_start3A_1433 = tpu.memref_slice %arg6[%dma_start3A_1431, %dma_start3A_1432] : memref<3328x32xf32, #tpu.memory_space<vmem>> -> memref<128x32xf32, #tpu.memory_space<vmem>>
    %dma_start3A_1434 = arith.constant 0 : i32
    %dma_start3A_1435 = tpu.memref_slice %arg4[%select_n3A_1414, %select_n3A_1430, %dma_start3A_1434] : memref<26x4096x128xf32, #tpu.memory_space<hbm>> -> memref<1x128x32xf32, #tpu.memory_space<hbm>>
    %dma_start3A_1436 = tpu.memref_squeeze %dma_start3A_1435 : memref<1x128x32xf32, #tpu.memory_space<hbm>> -> memref<128x32xf32, #tpu.memory_space<hbm>>
    %dma_start3A_1437 = arith.constant 0 : i32
    %dma_start3A_1438 = tpu.memref_slice %arg4[%select_n3A_1414, %select_n3A_1430, %dma_start3A_1437] : memref<26x4096x128xf32, #tpu.memory_space<hbm>> -> memref<1x128x32xf32, #tpu.memory_space<hbm>>
    %dma_start3A_1439 = tpu.memref_squeeze %dma_start3A_1438 : memref<1x128x32xf32, #tpu.memory_space<hbm>> -> memref<128x32xf32, #tpu.memory_space<hbm>>
    %dma_start3A_1440 = arith.constant 2432 : i32
    %dma_start3A_1441 = arith.constant 0 : i32
    %dma_start3A_1442 = tpu.memref_slice %arg6[%dma_start3A_1440, %dma_start3A_1441] : memref<3328x32xf32, #tpu.memory_space<vmem>> -> memref<128x32xf32, #tpu.memory_space<vmem>>
    tpu.enqueue_dma source(%dma_start3A_1442 : memref<128x32xf32, #tpu.memory_space<vmem>>) target(%dma_start3A_1439 : memref<128x32xf32, #tpu.memory_space<hbm>>) target_semaphore(%arg8 : memref<!tpu.dma_semaphore, #tpu.memory_space<semaphore_mem>>)
    %dma_wait3A_1443 = arith.constant 2560 : i32
    %dma_wait3A_1444 = arith.constant 0 : i32
    %dma_wait3A_1445 = tpu.memref_slice %arg6[%dma_wait3A_1443, %dma_wait3A_1444] : memref<3328x32xf32, #tpu.memory_space<vmem>> -> memref<128x32xf32, #tpu.memory_space<vmem>>
    %dma_wait3A_1446 = arith.constant 2560 : i32
    %dma_wait3A_1447 = tpu.memref_slice %arg5[%dma_wait3A_1446] : memref<3328xi32, #tpu.memory_space<vmem>> -> memref<128xi32, #tpu.memory_space<vmem>>
    %dma_wait3A_1448 = arith.constant 0 : i32
    %dma_wait3A_1449 = arith.constant 0 : i32
    %dma_wait3A_1450 = tpu.memref_slice %arg3[%dma_wait3A_1448, %dma_wait3A_1449] : memref<26000x32xf32, #tpu.memory_space<hbm>> -> memref<26000x32xf32, #tpu.memory_space<hbm>>
    tpu.wait_indirect_dma semaphore(%arg7 : memref<!tpu.dma_semaphore, #tpu.memory_space<semaphore_mem>>) src(%dma_wait3A_1450 : memref<26000x32xf32, #tpu.memory_space<hbm>>) dst(%dma_wait3A_1445 : memref<128x32xf32, #tpu.memory_space<vmem>>)
    %add3A_1451 = arith.constant 2560 : i32
    %add3A_1452 = arith.addi %mul3A_2, %add3A_1451 : i32
    %jit3A_1453 = arith.constant 4096 : i32
    %div3A_1454 = arith.divsi %add3A_1452, %jit3A_1453 : i32
    %sign3A_1455 = arith.constant 0 : i32
    %sign3A_1456 = arith.cmpi sgt, %add3A_1452, %sign3A_1455 : i32
    %sign3A_1457 = arith.extui %sign3A_1456 : i1 to i32
    %sign3A_1458 = arith.constant 0 : i32
    %sign3A_1459 = arith.cmpi slt, %add3A_1452, %sign3A_1458 : i32
    %sign3A_1460 = arith.extui %sign3A_1459 : i1 to i32
    %sign3A_1461 = arith.subi %sign3A_1457, %sign3A_1460 : i32
    %sign3A_1462 = arith.constant 0 : i32
    %sign3A_1463 = arith.cmpi sgt, %jit3A_1453, %sign3A_1462 : i32
    %sign3A_1464 = arith.extui %sign3A_1463 : i1 to i32
    %sign3A_1465 = arith.constant 0 : i32
    %sign3A_1466 = arith.cmpi slt, %jit3A_1453, %sign3A_1465 : i32
    %sign3A_1467 = arith.extui %sign3A_1466 : i1 to i32
    %sign3A_1468 = arith.subi %sign3A_1464, %sign3A_1467 : i32
    %ne3A_1469 = arith.cmpi ne, %sign3A_1461, %sign3A_1468 : i32
    %rem3A_1470 = arith.remsi %add3A_1452, %jit3A_1453 : i32
    %ne3A_1471 = arith.constant 0 : i32
    %ne3A_1472 = arith.cmpi ne, %rem3A_1470, %ne3A_1471 : i32
    %and3A_1473 = arith.andi %ne3A_1469, %ne3A_1472 : i1
    %sub3A_1474 = arith.constant 1 : i32
    %sub3A_1475 = arith.subi %div3A_1454, %sub3A_1474 : i32
    %select_n3A_1476 = arith.select %and3A_1473, %sub3A_1475, %div3A_1454 : i32
    %jit3A_1477 = arith.constant 4096 : i32
    %eq3A_1478 = arith.constant 0 : i32
    %eq3A_1479 = arith.cmpi eq, %jit3A_1477, %eq3A_1478 : i32
    %jit3A_1480 = arith.constant 1 : i32
    %select_n3A_1481 = arith.select %eq3A_1479, %jit3A_1480, %jit3A_1477 : i32
    %rem3A_1482 = arith.remsi %add3A_1452, %select_n3A_1481 : i32
    %ne3A_1483 = arith.constant 0 : i32
    %ne3A_1484 = arith.cmpi ne, %rem3A_1482, %ne3A_1483 : i32
    %lt3A_1485 = arith.constant 0 : i32
    %lt3A_1486 = arith.cmpi slt, %rem3A_1482, %lt3A_1485 : i32
    %lt3A_1487 = arith.constant 0 : i32
    %lt3A_1488 = arith.cmpi slt, %select_n3A_1481, %lt3A_1487 : i32
    %ne3A_1489 = arith.xori %lt3A_1486, %lt3A_1488 : i1
    %and3A_1490 = arith.andi %ne3A_1489, %ne3A_1484 : i1
    %add3A_1491 = arith.addi %rem3A_1482, %select_n3A_1481 : i32
    %select_n3A_1492 = arith.select %and3A_1490, %add3A_1491, %rem3A_1482 : i32
    %dma_start3A_1493 = arith.constant 2560 : i32
    %dma_start3A_1494 = arith.constant 0 : i32
    %dma_start3A_1495 = tpu.memref_slice %arg6[%dma_start3A_1493, %dma_start3A_1494] : memref<3328x32xf32, #tpu.memory_space<vmem>> -> memref<128x32xf32, #tpu.memory_space<vmem>>
    %dma_start3A_1496 = arith.constant 0 : i32
    %dma_start3A_1497 = tpu.memref_slice %arg4[%select_n3A_1476, %select_n3A_1492, %dma_start3A_1496] : memref<26x4096x128xf32, #tpu.memory_space<hbm>> -> memref<1x128x32xf32, #tpu.memory_space<hbm>>
    %dma_start3A_1498 = tpu.memref_squeeze %dma_start3A_1497 : memref<1x128x32xf32, #tpu.memory_space<hbm>> -> memref<128x32xf32, #tpu.memory_space<hbm>>
    %dma_start3A_1499 = arith.constant 0 : i32
    %dma_start3A_1500 = tpu.memref_slice %arg4[%select_n3A_1476, %select_n3A_1492, %dma_start3A_1499] : memref<26x4096x128xf32, #tpu.memory_space<hbm>> -> memref<1x128x32xf32, #tpu.memory_space<hbm>>
    %dma_start3A_1501 = tpu.memref_squeeze %dma_start3A_1500 : memref<1x128x32xf32, #tpu.memory_space<hbm>> -> memref<128x32xf32, #tpu.memory_space<hbm>>
    %dma_start3A_1502 = arith.constant 2560 : i32
    %dma_start3A_1503 = arith.constant 0 : i32
    %dma_start3A_1504 = tpu.memref_slice %arg6[%dma_start3A_1502, %dma_start3A_1503] : memref<3328x32xf32, #tpu.memory_space<vmem>> -> memref<128x32xf32, #tpu.memory_space<vmem>>
    tpu.enqueue_dma source(%dma_start3A_1504 : memref<128x32xf32, #tpu.memory_space<vmem>>) target(%dma_start3A_1501 : memref<128x32xf32, #tpu.memory_space<hbm>>) target_semaphore(%arg8 : memref<!tpu.dma_semaphore, #tpu.memory_space<semaphore_mem>>)
    %dma_wait3A_1505 = arith.constant 2688 : i32
    %dma_wait3A_1506 = arith.constant 0 : i32
    %dma_wait3A_1507 = tpu.memref_slice %arg6[%dma_wait3A_1505, %dma_wait3A_1506] : memref<3328x32xf32, #tpu.memory_space<vmem>> -> memref<128x32xf32, #tpu.memory_space<vmem>>
    %dma_wait3A_1508 = arith.constant 2688 : i32
    %dma_wait3A_1509 = tpu.memref_slice %arg5[%dma_wait3A_1508] : memref<3328xi32, #tpu.memory_space<vmem>> -> memref<128xi32, #tpu.memory_space<vmem>>
    %dma_wait3A_1510 = arith.constant 0 : i32
    %dma_wait3A_1511 = arith.constant 0 : i32
    %dma_wait3A_1512 = tpu.memref_slice %arg3[%dma_wait3A_1510, %dma_wait3A_1511] : memref<26000x32xf32, #tpu.memory_space<hbm>> -> memref<26000x32xf32, #tpu.memory_space<hbm>>
    tpu.wait_indirect_dma semaphore(%arg7 : memref<!tpu.dma_semaphore, #tpu.memory_space<semaphore_mem>>) src(%dma_wait3A_1512 : memref<26000x32xf32, #tpu.memory_space<hbm>>) dst(%dma_wait3A_1507 : memref<128x32xf32, #tpu.memory_space<vmem>>)
    %add3A_1513 = arith.constant 2688 : i32
    %add3A_1514 = arith.addi %mul3A_2, %add3A_1513 : i32
    %jit3A_1515 = arith.constant 4096 : i32
    %div3A_1516 = arith.divsi %add3A_1514, %jit3A_1515 : i32
    %sign3A_1517 = arith.constant 0 : i32
    %sign3A_1518 = arith.cmpi sgt, %add3A_1514, %sign3A_1517 : i32
    %sign3A_1519 = arith.extui %sign3A_1518 : i1 to i32
    %sign3A_1520 = arith.constant 0 : i32
    %sign3A_1521 = arith.cmpi slt, %add3A_1514, %sign3A_1520 : i32
    %sign3A_1522 = arith.extui %sign3A_1521 : i1 to i32
    %sign3A_1523 = arith.subi %sign3A_1519, %sign3A_1522 : i32
    %sign3A_1524 = arith.constant 0 : i32
    %sign3A_1525 = arith.cmpi sgt, %jit3A_1515, %sign3A_1524 : i32
    %sign3A_1526 = arith.extui %sign3A_1525 : i1 to i32
    %sign3A_1527 = arith.constant 0 : i32
    %sign3A_1528 = arith.cmpi slt, %jit3A_1515, %sign3A_1527 : i32
    %sign3A_1529 = arith.extui %sign3A_1528 : i1 to i32
    %sign3A_1530 = arith.subi %sign3A_1526, %sign3A_1529 : i32
    %ne3A_1531 = arith.cmpi ne, %sign3A_1523, %sign3A_1530 : i32
    %rem3A_1532 = arith.remsi %add3A_1514, %jit3A_1515 : i32
    %ne3A_1533 = arith.constant 0 : i32
    %ne3A_1534 = arith.cmpi ne, %rem3A_1532, %ne3A_1533 : i32
    %and3A_1535 = arith.andi %ne3A_1531, %ne3A_1534 : i1
    %sub3A_1536 = arith.constant 1 : i32
    %sub3A_1537 = arith.subi %div3A_1516, %sub3A_1536 : i32
    %select_n3A_1538 = arith.select %and3A_1535, %sub3A_1537, %div3A_1516 : i32
    %jit3A_1539 = arith.constant 4096 : i32
    %eq3A_1540 = arith.constant 0 : i32
    %eq3A_1541 = arith.cmpi eq, %jit3A_1539, %eq3A_1540 : i32
    %jit3A_1542 = arith.constant 1 : i32
    %select_n3A_1543 = arith.select %eq3A_1541, %jit3A_1542, %jit3A_1539 : i32
    %rem3A_1544 = arith.remsi %add3A_1514, %select_n3A_1543 : i32
    %ne3A_1545 = arith.constant 0 : i32
    %ne3A_1546 = arith.cmpi ne, %rem3A_1544, %ne3A_1545 : i32
    %lt3A_1547 = arith.constant 0 : i32
    %lt3A_1548 = arith.cmpi slt, %rem3A_1544, %lt3A_1547 : i32
    %lt3A_1549 = arith.constant 0 : i32
    %lt3A_1550 = arith.cmpi slt, %select_n3A_1543, %lt3A_1549 : i32
    %ne3A_1551 = arith.xori %lt3A_1548, %lt3A_1550 : i1
    %and3A_1552 = arith.andi %ne3A_1551, %ne3A_1546 : i1
    %add3A_1553 = arith.addi %rem3A_1544, %select_n3A_1543 : i32
    %select_n3A_1554 = arith.select %and3A_1552, %add3A_1553, %rem3A_1544 : i32
    %dma_start3A_1555 = arith.constant 2688 : i32
    %dma_start3A_1556 = arith.constant 0 : i32
    %dma_start3A_1557 = tpu.memref_slice %arg6[%dma_start3A_1555, %dma_start3A_1556] : memref<3328x32xf32, #tpu.memory_space<vmem>> -> memref<128x32xf32, #tpu.memory_space<vmem>>
    %dma_start3A_1558 = arith.constant 0 : i32
    %dma_start3A_1559 = tpu.memref_slice %arg4[%select_n3A_1538, %select_n3A_1554, %dma_start3A_1558] : memref<26x4096x128xf32, #tpu.memory_space<hbm>> -> memref<1x128x32xf32, #tpu.memory_space<hbm>>
    %dma_start3A_1560 = tpu.memref_squeeze %dma_start3A_1559 : memref<1x128x32xf32, #tpu.memory_space<hbm>> -> memref<128x32xf32, #tpu.memory_space<hbm>>
    %dma_start3A_1561 = arith.constant 0 : i32
    %dma_start3A_1562 = tpu.memref_slice %arg4[%select_n3A_1538, %select_n3A_1554, %dma_start3A_1561] : memref<26x4096x128xf32, #tpu.memory_space<hbm>> -> memref<1x128x32xf32, #tpu.memory_space<hbm>>
    %dma_start3A_1563 = tpu.memref_squeeze %dma_start3A_1562 : memref<1x128x32xf32, #tpu.memory_space<hbm>> -> memref<128x32xf32, #tpu.memory_space<hbm>>
    %dma_start3A_1564 = arith.constant 2688 : i32
    %dma_start3A_1565 = arith.constant 0 : i32
    %dma_start3A_1566 = tpu.memref_slice %arg6[%dma_start3A_1564, %dma_start3A_1565] : memref<3328x32xf32, #tpu.memory_space<vmem>> -> memref<128x32xf32, #tpu.memory_space<vmem>>
    tpu.enqueue_dma source(%dma_start3A_1566 : memref<128x32xf32, #tpu.memory_space<vmem>>) target(%dma_start3A_1563 : memref<128x32xf32, #tpu.memory_space<hbm>>) target_semaphore(%arg8 : memref<!tpu.dma_semaphore, #tpu.memory_space<semaphore_mem>>)
    %dma_wait3A_1567 = arith.constant 2816 : i32
    %dma_wait3A_1568 = arith.constant 0 : i32
    %dma_wait3A_1569 = tpu.memref_slice %arg6[%dma_wait3A_1567, %dma_wait3A_1568] : memref<3328x32xf32, #tpu.memory_space<vmem>> -> memref<128x32xf32, #tpu.memory_space<vmem>>
    %dma_wait3A_1570 = arith.constant 2816 : i32
    %dma_wait3A_1571 = tpu.memref_slice %arg5[%dma_wait3A_1570] : memref<3328xi32, #tpu.memory_space<vmem>> -> memref<128xi32, #tpu.memory_space<vmem>>
    %dma_wait3A_1572 = arith.constant 0 : i32
    %dma_wait3A_1573 = arith.constant 0 : i32
    %dma_wait3A_1574 = tpu.memref_slice %arg3[%dma_wait3A_1572, %dma_wait3A_1573] : memref<26000x32xf32, #tpu.memory_space<hbm>> -> memref<26000x32xf32, #tpu.memory_space<hbm>>
    tpu.wait_indirect_dma semaphore(%arg7 : memref<!tpu.dma_semaphore, #tpu.memory_space<semaphore_mem>>) src(%dma_wait3A_1574 : memref<26000x32xf32, #tpu.memory_space<hbm>>) dst(%dma_wait3A_1569 : memref<128x32xf32, #tpu.memory_space<vmem>>)
    %add3A_1575 = arith.constant 2816 : i32
    %add3A_1576 = arith.addi %mul3A_2, %add3A_1575 : i32
    %jit3A_1577 = arith.constant 4096 : i32
    %div3A_1578 = arith.divsi %add3A_1576, %jit3A_1577 : i32
    %sign3A_1579 = arith.constant 0 : i32
    %sign3A_1580 = arith.cmpi sgt, %add3A_1576, %sign3A_1579 : i32
    %sign3A_1581 = arith.extui %sign3A_1580 : i1 to i32
    %sign3A_1582 = arith.constant 0 : i32
    %sign3A_1583 = arith.cmpi slt, %add3A_1576, %sign3A_1582 : i32
    %sign3A_1584 = arith.extui %sign3A_1583 : i1 to i32
    %sign3A_1585 = arith.subi %sign3A_1581, %sign3A_1584 : i32
    %sign3A_1586 = arith.constant 0 : i32
    %sign3A_1587 = arith.cmpi sgt, %jit3A_1577, %sign3A_1586 : i32
    %sign3A_1588 = arith.extui %sign3A_1587 : i1 to i32
    %sign3A_1589 = arith.constant 0 : i32
    %sign3A_1590 = arith.cmpi slt, %jit3A_1577, %sign3A_1589 : i32
    %sign3A_1591 = arith.extui %sign3A_1590 : i1 to i32
    %sign3A_1592 = arith.subi %sign3A_1588, %sign3A_1591 : i32
    %ne3A_1593 = arith.cmpi ne, %sign3A_1585, %sign3A_1592 : i32
    %rem3A_1594 = arith.remsi %add3A_1576, %jit3A_1577 : i32
    %ne3A_1595 = arith.constant 0 : i32
    %ne3A_1596 = arith.cmpi ne, %rem3A_1594, %ne3A_1595 : i32
    %and3A_1597 = arith.andi %ne3A_1593, %ne3A_1596 : i1
    %sub3A_1598 = arith.constant 1 : i32
    %sub3A_1599 = arith.subi %div3A_1578, %sub3A_1598 : i32
    %select_n3A_1600 = arith.select %and3A_1597, %sub3A_1599, %div3A_1578 : i32
    %jit3A_1601 = arith.constant 4096 : i32
    %eq3A_1602 = arith.constant 0 : i32
    %eq3A_1603 = arith.cmpi eq, %jit3A_1601, %eq3A_1602 : i32
    %jit3A_1604 = arith.constant 1 : i32
    %select_n3A_1605 = arith.select %eq3A_1603, %jit3A_1604, %jit3A_1601 : i32
    %rem3A_1606 = arith.remsi %add3A_1576, %select_n3A_1605 : i32
    %ne3A_1607 = arith.constant 0 : i32
    %ne3A_1608 = arith.cmpi ne, %rem3A_1606, %ne3A_1607 : i32
    %lt3A_1609 = arith.constant 0 : i32
    %lt3A_1610 = arith.cmpi slt, %rem3A_1606, %lt3A_1609 : i32
    %lt3A_1611 = arith.constant 0 : i32
    %lt3A_1612 = arith.cmpi slt, %select_n3A_1605, %lt3A_1611 : i32
    %ne3A_1613 = arith.xori %lt3A_1610, %lt3A_1612 : i1
    %and3A_1614 = arith.andi %ne3A_1613, %ne3A_1608 : i1
    %add3A_1615 = arith.addi %rem3A_1606, %select_n3A_1605 : i32
    %select_n3A_1616 = arith.select %and3A_1614, %add3A_1615, %rem3A_1606 : i32
    %dma_start3A_1617 = arith.constant 2816 : i32
    %dma_start3A_1618 = arith.constant 0 : i32
    %dma_start3A_1619 = tpu.memref_slice %arg6[%dma_start3A_1617, %dma_start3A_1618] : memref<3328x32xf32, #tpu.memory_space<vmem>> -> memref<128x32xf32, #tpu.memory_space<vmem>>
    %dma_start3A_1620 = arith.constant 0 : i32
    %dma_start3A_1621 = tpu.memref_slice %arg4[%select_n3A_1600, %select_n3A_1616, %dma_start3A_1620] : memref<26x4096x128xf32, #tpu.memory_space<hbm>> -> memref<1x128x32xf32, #tpu.memory_space<hbm>>
    %dma_start3A_1622 = tpu.memref_squeeze %dma_start3A_1621 : memref<1x128x32xf32, #tpu.memory_space<hbm>> -> memref<128x32xf32, #tpu.memory_space<hbm>>
    %dma_start3A_1623 = arith.constant 0 : i32
    %dma_start3A_1624 = tpu.memref_slice %arg4[%select_n3A_1600, %select_n3A_1616, %dma_start3A_1623] : memref<26x4096x128xf32, #tpu.memory_space<hbm>> -> memref<1x128x32xf32, #tpu.memory_space<hbm>>
    %dma_start3A_1625 = tpu.memref_squeeze %dma_start3A_1624 : memref<1x128x32xf32, #tpu.memory_space<hbm>> -> memref<128x32xf32, #tpu.memory_space<hbm>>
    %dma_start3A_1626 = arith.constant 2816 : i32
    %dma_start3A_1627 = arith.constant 0 : i32
    %dma_start3A_1628 = tpu.memref_slice %arg6[%dma_start3A_1626, %dma_start3A_1627] : memref<3328x32xf32, #tpu.memory_space<vmem>> -> memref<128x32xf32, #tpu.memory_space<vmem>>
    tpu.enqueue_dma source(%dma_start3A_1628 : memref<128x32xf32, #tpu.memory_space<vmem>>) target(%dma_start3A_1625 : memref<128x32xf32, #tpu.memory_space<hbm>>) target_semaphore(%arg8 : memref<!tpu.dma_semaphore, #tpu.memory_space<semaphore_mem>>)
    %dma_wait3A_1629 = arith.constant 2944 : i32
    %dma_wait3A_1630 = arith.constant 0 : i32
    %dma_wait3A_1631 = tpu.memref_slice %arg6[%dma_wait3A_1629, %dma_wait3A_1630] : memref<3328x32xf32, #tpu.memory_space<vmem>> -> memref<128x32xf32, #tpu.memory_space<vmem>>
    %dma_wait3A_1632 = arith.constant 2944 : i32
    %dma_wait3A_1633 = tpu.memref_slice %arg5[%dma_wait3A_1632] : memref<3328xi32, #tpu.memory_space<vmem>> -> memref<128xi32, #tpu.memory_space<vmem>>
    %dma_wait3A_1634 = arith.constant 0 : i32
    %dma_wait3A_1635 = arith.constant 0 : i32
    %dma_wait3A_1636 = tpu.memref_slice %arg3[%dma_wait3A_1634, %dma_wait3A_1635] : memref<26000x32xf32, #tpu.memory_space<hbm>> -> memref<26000x32xf32, #tpu.memory_space<hbm>>
    tpu.wait_indirect_dma semaphore(%arg7 : memref<!tpu.dma_semaphore, #tpu.memory_space<semaphore_mem>>) src(%dma_wait3A_1636 : memref<26000x32xf32, #tpu.memory_space<hbm>>) dst(%dma_wait3A_1631 : memref<128x32xf32, #tpu.memory_space<vmem>>)
    %add3A_1637 = arith.constant 2944 : i32
    %add3A_1638 = arith.addi %mul3A_2, %add3A_1637 : i32
    %jit3A_1639 = arith.constant 4096 : i32
    %div3A_1640 = arith.divsi %add3A_1638, %jit3A_1639 : i32
    %sign3A_1641 = arith.constant 0 : i32
    %sign3A_1642 = arith.cmpi sgt, %add3A_1638, %sign3A_1641 : i32
    %sign3A_1643 = arith.extui %sign3A_1642 : i1 to i32
    %sign3A_1644 = arith.constant 0 : i32
    %sign3A_1645 = arith.cmpi slt, %add3A_1638, %sign3A_1644 : i32
    %sign3A_1646 = arith.extui %sign3A_1645 : i1 to i32
    %sign3A_1647 = arith.subi %sign3A_1643, %sign3A_1646 : i32
    %sign3A_1648 = arith.constant 0 : i32
    %sign3A_1649 = arith.cmpi sgt, %jit3A_1639, %sign3A_1648 : i32
    %sign3A_1650 = arith.extui %sign3A_1649 : i1 to i32
    %sign3A_1651 = arith.constant 0 : i32
    %sign3A_1652 = arith.cmpi slt, %jit3A_1639, %sign3A_1651 : i32
    %sign3A_1653 = arith.extui %sign3A_1652 : i1 to i32
    %sign3A_1654 = arith.subi %sign3A_1650, %sign3A_1653 : i32
    %ne3A_1655 = arith.cmpi ne, %sign3A_1647, %sign3A_1654 : i32
    %rem3A_1656 = arith.remsi %add3A_1638, %jit3A_1639 : i32
    %ne3A_1657 = arith.constant 0 : i32
    %ne3A_1658 = arith.cmpi ne, %rem3A_1656, %ne3A_1657 : i32
    %and3A_1659 = arith.andi %ne3A_1655, %ne3A_1658 : i1
    %sub3A_1660 = arith.constant 1 : i32
    %sub3A_1661 = arith.subi %div3A_1640, %sub3A_1660 : i32
    %select_n3A_1662 = arith.select %and3A_1659, %sub3A_1661, %div3A_1640 : i32
    %jit3A_1663 = arith.constant 4096 : i32
    %eq3A_1664 = arith.constant 0 : i32
    %eq3A_1665 = arith.cmpi eq, %jit3A_1663, %eq3A_1664 : i32
    %jit3A_1666 = arith.constant 1 : i32
    %select_n3A_1667 = arith.select %eq3A_1665, %jit3A_1666, %jit3A_1663 : i32
    %rem3A_1668 = arith.remsi %add3A_1638, %select_n3A_1667 : i32
    %ne3A_1669 = arith.constant 0 : i32
    %ne3A_1670 = arith.cmpi ne, %rem3A_1668, %ne3A_1669 : i32
    %lt3A_1671 = arith.constant 0 : i32
    %lt3A_1672 = arith.cmpi slt, %rem3A_1668, %lt3A_1671 : i32
    %lt3A_1673 = arith.constant 0 : i32
    %lt3A_1674 = arith.cmpi slt, %select_n3A_1667, %lt3A_1673 : i32
    %ne3A_1675 = arith.xori %lt3A_1672, %lt3A_1674 : i1
    %and3A_1676 = arith.andi %ne3A_1675, %ne3A_1670 : i1
    %add3A_1677 = arith.addi %rem3A_1668, %select_n3A_1667 : i32
    %select_n3A_1678 = arith.select %and3A_1676, %add3A_1677, %rem3A_1668 : i32
    %dma_start3A_1679 = arith.constant 2944 : i32
    %dma_start3A_1680 = arith.constant 0 : i32
    %dma_start3A_1681 = tpu.memref_slice %arg6[%dma_start3A_1679, %dma_start3A_1680] : memref<3328x32xf32, #tpu.memory_space<vmem>> -> memref<128x32xf32, #tpu.memory_space<vmem>>
    %dma_start3A_1682 = arith.constant 0 : i32
    %dma_start3A_1683 = tpu.memref_slice %arg4[%select_n3A_1662, %select_n3A_1678, %dma_start3A_1682] : memref<26x4096x128xf32, #tpu.memory_space<hbm>> -> memref<1x128x32xf32, #tpu.memory_space<hbm>>
    %dma_start3A_1684 = tpu.memref_squeeze %dma_start3A_1683 : memref<1x128x32xf32, #tpu.memory_space<hbm>> -> memref<128x32xf32, #tpu.memory_space<hbm>>
    %dma_start3A_1685 = arith.constant 0 : i32
    %dma_start3A_1686 = tpu.memref_slice %arg4[%select_n3A_1662, %select_n3A_1678, %dma_start3A_1685] : memref<26x4096x128xf32, #tpu.memory_space<hbm>> -> memref<1x128x32xf32, #tpu.memory_space<hbm>>
    %dma_start3A_1687 = tpu.memref_squeeze %dma_start3A_1686 : memref<1x128x32xf32, #tpu.memory_space<hbm>> -> memref<128x32xf32, #tpu.memory_space<hbm>>
    %dma_start3A_1688 = arith.constant 2944 : i32
    %dma_start3A_1689 = arith.constant 0 : i32
    %dma_start3A_1690 = tpu.memref_slice %arg6[%dma_start3A_1688, %dma_start3A_1689] : memref<3328x32xf32, #tpu.memory_space<vmem>> -> memref<128x32xf32, #tpu.memory_space<vmem>>
    tpu.enqueue_dma source(%dma_start3A_1690 : memref<128x32xf32, #tpu.memory_space<vmem>>) target(%dma_start3A_1687 : memref<128x32xf32, #tpu.memory_space<hbm>>) target_semaphore(%arg8 : memref<!tpu.dma_semaphore, #tpu.memory_space<semaphore_mem>>)
    %dma_wait3A_1691 = arith.constant 3072 : i32
    %dma_wait3A_1692 = arith.constant 0 : i32
    %dma_wait3A_1693 = tpu.memref_slice %arg6[%dma_wait3A_1691, %dma_wait3A_1692] : memref<3328x32xf32, #tpu.memory_space<vmem>> -> memref<128x32xf32, #tpu.memory_space<vmem>>
    %dma_wait3A_1694 = arith.constant 3072 : i32
    %dma_wait3A_1695 = tpu.memref_slice %arg5[%dma_wait3A_1694] : memref<3328xi32, #tpu.memory_space<vmem>> -> memref<128xi32, #tpu.memory_space<vmem>>
    %dma_wait3A_1696 = arith.constant 0 : i32
    %dma_wait3A_1697 = arith.constant 0 : i32
    %dma_wait3A_1698 = tpu.memref_slice %arg3[%dma_wait3A_1696, %dma_wait3A_1697] : memref<26000x32xf32, #tpu.memory_space<hbm>> -> memref<26000x32xf32, #tpu.memory_space<hbm>>
    tpu.wait_indirect_dma semaphore(%arg7 : memref<!tpu.dma_semaphore, #tpu.memory_space<semaphore_mem>>) src(%dma_wait3A_1698 : memref<26000x32xf32, #tpu.memory_space<hbm>>) dst(%dma_wait3A_1693 : memref<128x32xf32, #tpu.memory_space<vmem>>)
    %add3A_1699 = arith.constant 3072 : i32
    %add3A_1700 = arith.addi %mul3A_2, %add3A_1699 : i32
    %jit3A_1701 = arith.constant 4096 : i32
    %div3A_1702 = arith.divsi %add3A_1700, %jit3A_1701 : i32
    %sign3A_1703 = arith.constant 0 : i32
    %sign3A_1704 = arith.cmpi sgt, %add3A_1700, %sign3A_1703 : i32
    %sign3A_1705 = arith.extui %sign3A_1704 : i1 to i32
    %sign3A_1706 = arith.constant 0 : i32
    %sign3A_1707 = arith.cmpi slt, %add3A_1700, %sign3A_1706 : i32
    %sign3A_1708 = arith.extui %sign3A_1707 : i1 to i32
    %sign3A_1709 = arith.subi %sign3A_1705, %sign3A_1708 : i32
    %sign3A_1710 = arith.constant 0 : i32
    %sign3A_1711 = arith.cmpi sgt, %jit3A_1701, %sign3A_1710 : i32
    %sign3A_1712 = arith.extui %sign3A_1711 : i1 to i32
    %sign3A_1713 = arith.constant 0 : i32
    %sign3A_1714 = arith.cmpi slt, %jit3A_1701, %sign3A_1713 : i32
    %sign3A_1715 = arith.extui %sign3A_1714 : i1 to i32
    %sign3A_1716 = arith.subi %sign3A_1712, %sign3A_1715 : i32
    %ne3A_1717 = arith.cmpi ne, %sign3A_1709, %sign3A_1716 : i32
    %rem3A_1718 = arith.remsi %add3A_1700, %jit3A_1701 : i32
    %ne3A_1719 = arith.constant 0 : i32
    %ne3A_1720 = arith.cmpi ne, %rem3A_1718, %ne3A_1719 : i32
    %and3A_1721 = arith.andi %ne3A_1717, %ne3A_1720 : i1
    %sub3A_1722 = arith.constant 1 : i32
    %sub3A_1723 = arith.subi %div3A_1702, %sub3A_1722 : i32
    %select_n3A_1724 = arith.select %and3A_1721, %sub3A_1723, %div3A_1702 : i32
    %jit3A_1725 = arith.constant 4096 : i32
    %eq3A_1726 = arith.constant 0 : i32
    %eq3A_1727 = arith.cmpi eq, %jit3A_1725, %eq3A_1726 : i32
    %jit3A_1728 = arith.constant 1 : i32
    %select_n3A_1729 = arith.select %eq3A_1727, %jit3A_1728, %jit3A_1725 : i32
    %rem3A_1730 = arith.remsi %add3A_1700, %select_n3A_1729 : i32
    %ne3A_1731 = arith.constant 0 : i32
    %ne3A_1732 = arith.cmpi ne, %rem3A_1730, %ne3A_1731 : i32
    %lt3A_1733 = arith.constant 0 : i32
    %lt3A_1734 = arith.cmpi slt, %rem3A_1730, %lt3A_1733 : i32
    %lt3A_1735 = arith.constant 0 : i32
    %lt3A_1736 = arith.cmpi slt, %select_n3A_1729, %lt3A_1735 : i32
    %ne3A_1737 = arith.xori %lt3A_1734, %lt3A_1736 : i1
    %and3A_1738 = arith.andi %ne3A_1737, %ne3A_1732 : i1
    %add3A_1739 = arith.addi %rem3A_1730, %select_n3A_1729 : i32
    %select_n3A_1740 = arith.select %and3A_1738, %add3A_1739, %rem3A_1730 : i32
    %dma_start3A_1741 = arith.constant 3072 : i32
    %dma_start3A_1742 = arith.constant 0 : i32
    %dma_start3A_1743 = tpu.memref_slice %arg6[%dma_start3A_1741, %dma_start3A_1742] : memref<3328x32xf32, #tpu.memory_space<vmem>> -> memref<128x32xf32, #tpu.memory_space<vmem>>
    %dma_start3A_1744 = arith.constant 0 : i32
    %dma_start3A_1745 = tpu.memref_slice %arg4[%select_n3A_1724, %select_n3A_1740, %dma_start3A_1744] : memref<26x4096x128xf32, #tpu.memory_space<hbm>> -> memref<1x128x32xf32, #tpu.memory_space<hbm>>
    %dma_start3A_1746 = tpu.memref_squeeze %dma_start3A_1745 : memref<1x128x32xf32, #tpu.memory_space<hbm>> -> memref<128x32xf32, #tpu.memory_space<hbm>>
    %dma_start3A_1747 = arith.constant 0 : i32
    %dma_start3A_1748 = tpu.memref_slice %arg4[%select_n3A_1724, %select_n3A_1740, %dma_start3A_1747] : memref<26x4096x128xf32, #tpu.memory_space<hbm>> -> memref<1x128x32xf32, #tpu.memory_space<hbm>>
    %dma_start3A_1749 = tpu.memref_squeeze %dma_start3A_1748 : memref<1x128x32xf32, #tpu.memory_space<hbm>> -> memref<128x32xf32, #tpu.memory_space<hbm>>
    %dma_start3A_1750 = arith.constant 3072 : i32
    %dma_start3A_1751 = arith.constant 0 : i32
    %dma_start3A_1752 = tpu.memref_slice %arg6[%dma_start3A_1750, %dma_start3A_1751] : memref<3328x32xf32, #tpu.memory_space<vmem>> -> memref<128x32xf32, #tpu.memory_space<vmem>>
    tpu.enqueue_dma source(%dma_start3A_1752 : memref<128x32xf32, #tpu.memory_space<vmem>>) target(%dma_start3A_1749 : memref<128x32xf32, #tpu.memory_space<hbm>>) target_semaphore(%arg8 : memref<!tpu.dma_semaphore, #tpu.memory_space<semaphore_mem>>)
    %dma_wait3A_1753 = arith.constant 3200 : i32
    %dma_wait3A_1754 = arith.constant 0 : i32
    %dma_wait3A_1755 = tpu.memref_slice %arg6[%dma_wait3A_1753, %dma_wait3A_1754] : memref<3328x32xf32, #tpu.memory_space<vmem>> -> memref<128x32xf32, #tpu.memory_space<vmem>>
    %dma_wait3A_1756 = arith.constant 3200 : i32
    %dma_wait3A_1757 = tpu.memref_slice %arg5[%dma_wait3A_1756] : memref<3328xi32, #tpu.memory_space<vmem>> -> memref<128xi32, #tpu.memory_space<vmem>>
    %dma_wait3A_1758 = arith.constant 0 : i32
    %dma_wait3A_1759 = arith.constant 0 : i32
    %dma_wait3A_1760 = tpu.memref_slice %arg3[%dma_wait3A_1758, %dma_wait3A_1759] : memref<26000x32xf32, #tpu.memory_space<hbm>> -> memref<26000x32xf32, #tpu.memory_space<hbm>>
    tpu.wait_indirect_dma semaphore(%arg7 : memref<!tpu.dma_semaphore, #tpu.memory_space<semaphore_mem>>) src(%dma_wait3A_1760 : memref<26000x32xf32, #tpu.memory_space<hbm>>) dst(%dma_wait3A_1755 : memref<128x32xf32, #tpu.memory_space<vmem>>)
    %add3A_1761 = arith.constant 3200 : i32
    %add3A_1762 = arith.addi %mul3A_2, %add3A_1761 : i32
    %jit3A_1763 = arith.constant 4096 : i32
    %div3A_1764 = arith.divsi %add3A_1762, %jit3A_1763 : i32
    %sign3A_1765 = arith.constant 0 : i32
    %sign3A_1766 = arith.cmpi sgt, %add3A_1762, %sign3A_1765 : i32
    %sign3A_1767 = arith.extui %sign3A_1766 : i1 to i32
    %sign3A_1768 = arith.constant 0 : i32
    %sign3A_1769 = arith.cmpi slt, %add3A_1762, %sign3A_1768 : i32
    %sign3A_1770 = arith.extui %sign3A_1769 : i1 to i32
    %sign3A_1771 = arith.subi %sign3A_1767, %sign3A_1770 : i32
    %sign3A_1772 = arith.constant 0 : i32
    %sign3A_1773 = arith.cmpi sgt, %jit3A_1763, %sign3A_1772 : i32
    %sign3A_1774 = arith.extui %sign3A_1773 : i1 to i32
    %sign3A_1775 = arith.constant 0 : i32
    %sign3A_1776 = arith.cmpi slt, %jit3A_1763, %sign3A_1775 : i32
    %sign3A_1777 = arith.extui %sign3A_1776 : i1 to i32
    %sign3A_1778 = arith.subi %sign3A_1774, %sign3A_1777 : i32
    %ne3A_1779 = arith.cmpi ne, %sign3A_1771, %sign3A_1778 : i32
    %rem3A_1780 = arith.remsi %add3A_1762, %jit3A_1763 : i32
    %ne3A_1781 = arith.constant 0 : i32
    %ne3A_1782 = arith.cmpi ne, %rem3A_1780, %ne3A_1781 : i32
    %and3A_1783 = arith.andi %ne3A_1779, %ne3A_1782 : i1
    %sub3A_1784 = arith.constant 1 : i32
    %sub3A_1785 = arith.subi %div3A_1764, %sub3A_1784 : i32
    %select_n3A_1786 = arith.select %and3A_1783, %sub3A_1785, %div3A_1764 : i32
    %jit3A_1787 = arith.constant 4096 : i32
    %eq3A_1788 = arith.constant 0 : i32
    %eq3A_1789 = arith.cmpi eq, %jit3A_1787, %eq3A_1788 : i32
    %jit3A_1790 = arith.constant 1 : i32
    %select_n3A_1791 = arith.select %eq3A_1789, %jit3A_1790, %jit3A_1787 : i32
    %rem3A_1792 = arith.remsi %add3A_1762, %select_n3A_1791 : i32
    %ne3A_1793 = arith.constant 0 : i32
    %ne3A_1794 = arith.cmpi ne, %rem3A_1792, %ne3A_1793 : i32
    %lt3A_1795 = arith.constant 0 : i32
    %lt3A_1796 = arith.cmpi slt, %rem3A_1792, %lt3A_1795 : i32
    %lt3A_1797 = arith.constant 0 : i32
    %lt3A_1798 = arith.cmpi slt, %select_n3A_1791, %lt3A_1797 : i32
    %ne3A_1799 = arith.xori %lt3A_1796, %lt3A_1798 : i1
    %and3A_1800 = arith.andi %ne3A_1799, %ne3A_1794 : i1
    %add3A_1801 = arith.addi %rem3A_1792, %select_n3A_1791 : i32
    %select_n3A_1802 = arith.select %and3A_1800, %add3A_1801, %rem3A_1792 : i32
    %dma_start3A_1803 = arith.constant 3200 : i32
    %dma_start3A_1804 = arith.constant 0 : i32
    %dma_start3A_1805 = tpu.memref_slice %arg6[%dma_start3A_1803, %dma_start3A_1804] : memref<3328x32xf32, #tpu.memory_space<vmem>> -> memref<128x32xf32, #tpu.memory_space<vmem>>
    %dma_start3A_1806 = arith.constant 0 : i32
    %dma_start3A_1807 = tpu.memref_slice %arg4[%select_n3A_1786, %select_n3A_1802, %dma_start3A_1806] : memref<26x4096x128xf32, #tpu.memory_space<hbm>> -> memref<1x128x32xf32, #tpu.memory_space<hbm>>
    %dma_start3A_1808 = tpu.memref_squeeze %dma_start3A_1807 : memref<1x128x32xf32, #tpu.memory_space<hbm>> -> memref<128x32xf32, #tpu.memory_space<hbm>>
    %dma_start3A_1809 = arith.constant 0 : i32
    %dma_start3A_1810 = tpu.memref_slice %arg4[%select_n3A_1786, %select_n3A_1802, %dma_start3A_1809] : memref<26x4096x128xf32, #tpu.memory_space<hbm>> -> memref<1x128x32xf32, #tpu.memory_space<hbm>>
    %dma_start3A_1811 = tpu.memref_squeeze %dma_start3A_1810 : memref<1x128x32xf32, #tpu.memory_space<hbm>> -> memref<128x32xf32, #tpu.memory_space<hbm>>
    %dma_start3A_1812 = arith.constant 3200 : i32
    %dma_start3A_1813 = arith.constant 0 : i32
    %dma_start3A_1814 = tpu.memref_slice %arg6[%dma_start3A_1812, %dma_start3A_1813] : memref<3328x32xf32, #tpu.memory_space<vmem>> -> memref<128x32xf32, #tpu.memory_space<vmem>>
    tpu.enqueue_dma source(%dma_start3A_1814 : memref<128x32xf32, #tpu.memory_space<vmem>>) target(%dma_start3A_1811 : memref<128x32xf32, #tpu.memory_space<hbm>>) target_semaphore(%arg8 : memref<!tpu.dma_semaphore, #tpu.memory_space<semaphore_mem>>)
    %dma_wait3A_1815 = arith.constant 0 : i32
    %dma_wait3A_1816 = arith.constant 0 : i32
    %dma_wait3A_1817 = tpu.memref_slice %arg6[%dma_wait3A_1815, %dma_wait3A_1816] : memref<3328x32xf32, #tpu.memory_space<vmem>> -> memref<128x32xf32, #tpu.memory_space<vmem>>
    %dma_wait3A_1818 = arith.constant 0 : i32
    %dma_wait3A_1819 = tpu.memref_slice %arg4[%select_n3A, %select_n3A_252, %dma_wait3A_1818] : memref<26x4096x128xf32, #tpu.memory_space<hbm>> -> memref<1x128x32xf32, #tpu.memory_space<hbm>>
    %dma_wait3A_1820 = tpu.memref_squeeze %dma_wait3A_1819 : memref<1x128x32xf32, #tpu.memory_space<hbm>> -> memref<128x32xf32, #tpu.memory_space<hbm>>
    %dma_wait3A_1821 = arith.constant 0 : i32
    %dma_wait3A_1822 = tpu.memref_slice %arg4[%select_n3A, %select_n3A_252, %dma_wait3A_1821] : memref<26x4096x128xf32, #tpu.memory_space<hbm>> -> memref<1x128x32xf32, #tpu.memory_space<hbm>>
    %dma_wait3A_1823 = tpu.memref_squeeze %dma_wait3A_1822 : memref<1x128x32xf32, #tpu.memory_space<hbm>> -> memref<128x32xf32, #tpu.memory_space<hbm>>
    %dma_wait3A_1824 = arith.constant 0 : i32
    %dma_wait3A_1825 = arith.constant 0 : i32
    %dma_wait3A_1826 = tpu.memref_slice %arg6[%dma_wait3A_1824, %dma_wait3A_1825] : memref<3328x32xf32, #tpu.memory_space<vmem>> -> memref<128x32xf32, #tpu.memory_space<vmem>>
    tpu.wait_dma2 semaphore(%arg8 : memref<!tpu.dma_semaphore, #tpu.memory_space<semaphore_mem>>) src(%dma_wait3A_1826 : memref<128x32xf32, #tpu.memory_space<vmem>>) dst(%dma_wait3A_1823 : memref<128x32xf32, #tpu.memory_space<hbm>>)
    %dma_wait3A_1827 = arith.constant 128 : i32
    %dma_wait3A_1828 = arith.constant 0 : i32
    %dma_wait3A_1829 = tpu.memref_slice %arg6[%dma_wait3A_1827, %dma_wait3A_1828] : memref<3328x32xf32, #tpu.memory_space<vmem>> -> memref<128x32xf32, #tpu.memory_space<vmem>>
    %dma_wait3A_1830 = arith.constant 0 : i32
    %dma_wait3A_1831 = tpu.memref_slice %arg4[%select_n3A_298, %select_n3A_314, %dma_wait3A_1830] : memref<26x4096x128xf32, #tpu.memory_space<hbm>> -> memref<1x128x32xf32, #tpu.memory_space<hbm>>
    %dma_wait3A_1832 = tpu.memref_squeeze %dma_wait3A_1831 : memref<1x128x32xf32, #tpu.memory_space<hbm>> -> memref<128x32xf32, #tpu.memory_space<hbm>>
    %dma_wait3A_1833 = arith.constant 0 : i32
    %dma_wait3A_1834 = tpu.memref_slice %arg4[%select_n3A_298, %select_n3A_314, %dma_wait3A_1833] : memref<26x4096x128xf32, #tpu.memory_space<hbm>> -> memref<1x128x32xf32, #tpu.memory_space<hbm>>
    %dma_wait3A_1835 = tpu.memref_squeeze %dma_wait3A_1834 : memref<1x128x32xf32, #tpu.memory_space<hbm>> -> memref<128x32xf32, #tpu.memory_space<hbm>>
    %dma_wait3A_1836 = arith.constant 128 : i32
    %dma_wait3A_1837 = arith.constant 0 : i32
    %dma_wait3A_1838 = tpu.memref_slice %arg6[%dma_wait3A_1836, %dma_wait3A_1837] : memref<3328x32xf32, #tpu.memory_space<vmem>> -> memref<128x32xf32, #tpu.memory_space<vmem>>
    tpu.wait_dma2 semaphore(%arg8 : memref<!tpu.dma_semaphore, #tpu.memory_space<semaphore_mem>>) src(%dma_wait3A_1838 : memref<128x32xf32, #tpu.memory_space<vmem>>) dst(%dma_wait3A_1835 : memref<128x32xf32, #tpu.memory_space<hbm>>)
    %dma_wait3A_1839 = arith.constant 256 : i32
    %dma_wait3A_1840 = arith.constant 0 : i32
    %dma_wait3A_1841 = tpu.memref_slice %arg6[%dma_wait3A_1839, %dma_wait3A_1840] : memref<3328x32xf32, #tpu.memory_space<vmem>> -> memref<128x32xf32, #tpu.memory_space<vmem>>
    %dma_wait3A_1842 = arith.constant 0 : i32
    %dma_wait3A_1843 = tpu.memref_slice %arg4[%select_n3A_360, %select_n3A_376, %dma_wait3A_1842] : memref<26x4096x128xf32, #tpu.memory_space<hbm>> -> memref<1x128x32xf32, #tpu.memory_space<hbm>>
    %dma_wait3A_1844 = tpu.memref_squeeze %dma_wait3A_1843 : memref<1x128x32xf32, #tpu.memory_space<hbm>> -> memref<128x32xf32, #tpu.memory_space<hbm>>
    %dma_wait3A_1845 = arith.constant 0 : i32
    %dma_wait3A_1846 = tpu.memref_slice %arg4[%select_n3A_360, %select_n3A_376, %dma_wait3A_1845] : memref<26x4096x128xf32, #tpu.memory_space<hbm>> -> memref<1x128x32xf32, #tpu.memory_space<hbm>>
    %dma_wait3A_1847 = tpu.memref_squeeze %dma_wait3A_1846 : memref<1x128x32xf32, #tpu.memory_space<hbm>> -> memref<128x32xf32, #tpu.memory_space<hbm>>
    %dma_wait3A_1848 = arith.constant 256 : i32
    %dma_wait3A_1849 = arith.constant 0 : i32
    %dma_wait3A_1850 = tpu.memref_slice %arg6[%dma_wait3A_1848, %dma_wait3A_1849] : memref<3328x32xf32, #tpu.memory_space<vmem>> -> memref<128x32xf32, #tpu.memory_space<vmem>>
    tpu.wait_dma2 semaphore(%arg8 : memref<!tpu.dma_semaphore, #tpu.memory_space<semaphore_mem>>) src(%dma_wait3A_1850 : memref<128x32xf32, #tpu.memory_space<vmem>>) dst(%dma_wait3A_1847 : memref<128x32xf32, #tpu.memory_space<hbm>>)
    %dma_wait3A_1851 = arith.constant 384 : i32
    %dma_wait3A_1852 = arith.constant 0 : i32
    %dma_wait3A_1853 = tpu.memref_slice %arg6[%dma_wait3A_1851, %dma_wait3A_1852] : memref<3328x32xf32, #tpu.memory_space<vmem>> -> memref<128x32xf32, #tpu.memory_space<vmem>>
    %dma_wait3A_1854 = arith.constant 0 : i32
    %dma_wait3A_1855 = tpu.memref_slice %arg4[%select_n3A_422, %select_n3A_438, %dma_wait3A_1854] : memref<26x4096x128xf32, #tpu.memory_space<hbm>> -> memref<1x128x32xf32, #tpu.memory_space<hbm>>
    %dma_wait3A_1856 = tpu.memref_squeeze %dma_wait3A_1855 : memref<1x128x32xf32, #tpu.memory_space<hbm>> -> memref<128x32xf32, #tpu.memory_space<hbm>>
    %dma_wait3A_1857 = arith.constant 0 : i32
    %dma_wait3A_1858 = tpu.memref_slice %arg4[%select_n3A_422, %select_n3A_438, %dma_wait3A_1857] : memref<26x4096x128xf32, #tpu.memory_space<hbm>> -> memref<1x128x32xf32, #tpu.memory_space<hbm>>
    %dma_wait3A_1859 = tpu.memref_squeeze %dma_wait3A_1858 : memref<1x128x32xf32, #tpu.memory_space<hbm>> -> memref<128x32xf32, #tpu.memory_space<hbm>>
    %dma_wait3A_1860 = arith.constant 384 : i32
    %dma_wait3A_1861 = arith.constant 0 : i32
    %dma_wait3A_1862 = tpu.memref_slice %arg6[%dma_wait3A_1860, %dma_wait3A_1861] : memref<3328x32xf32, #tpu.memory_space<vmem>> -> memref<128x32xf32, #tpu.memory_space<vmem>>
    tpu.wait_dma2 semaphore(%arg8 : memref<!tpu.dma_semaphore, #tpu.memory_space<semaphore_mem>>) src(%dma_wait3A_1862 : memref<128x32xf32, #tpu.memory_space<vmem>>) dst(%dma_wait3A_1859 : memref<128x32xf32, #tpu.memory_space<hbm>>)
    %dma_wait3A_1863 = arith.constant 512 : i32
    %dma_wait3A_1864 = arith.constant 0 : i32
    %dma_wait3A_1865 = tpu.memref_slice %arg6[%dma_wait3A_1863, %dma_wait3A_1864] : memref<3328x32xf32, #tpu.memory_space<vmem>> -> memref<128x32xf32, #tpu.memory_space<vmem>>
    %dma_wait3A_1866 = arith.constant 0 : i32
    %dma_wait3A_1867 = tpu.memref_slice %arg4[%select_n3A_484, %select_n3A_500, %dma_wait3A_1866] : memref<26x4096x128xf32, #tpu.memory_space<hbm>> -> memref<1x128x32xf32, #tpu.memory_space<hbm>>
    %dma_wait3A_1868 = tpu.memref_squeeze %dma_wait3A_1867 : memref<1x128x32xf32, #tpu.memory_space<hbm>> -> memref<128x32xf32, #tpu.memory_space<hbm>>
    %dma_wait3A_1869 = arith.constant 0 : i32
    %dma_wait3A_1870 = tpu.memref_slice %arg4[%select_n3A_484, %select_n3A_500, %dma_wait3A_1869] : memref<26x4096x128xf32, #tpu.memory_space<hbm>> -> memref<1x128x32xf32, #tpu.memory_space<hbm>>
    %dma_wait3A_1871 = tpu.memref_squeeze %dma_wait3A_1870 : memref<1x128x32xf32, #tpu.memory_space<hbm>> -> memref<128x32xf32, #tpu.memory_space<hbm>>
    %dma_wait3A_1872 = arith.constant 512 : i32
    %dma_wait3A_1873 = arith.constant 0 : i32
    %dma_wait3A_1874 = tpu.memref_slice %arg6[%dma_wait3A_1872, %dma_wait3A_1873] : memref<3328x32xf32, #tpu.memory_space<vmem>> -> memref<128x32xf32, #tpu.memory_space<vmem>>
    tpu.wait_dma2 semaphore(%arg8 : memref<!tpu.dma_semaphore, #tpu.memory_space<semaphore_mem>>) src(%dma_wait3A_1874 : memref<128x32xf32, #tpu.memory_space<vmem>>) dst(%dma_wait3A_1871 : memref<128x32xf32, #tpu.memory_space<hbm>>)
    %dma_wait3A_1875 = arith.constant 640 : i32
    %dma_wait3A_1876 = arith.constant 0 : i32
    %dma_wait3A_1877 = tpu.memref_slice %arg6[%dma_wait3A_1875, %dma_wait3A_1876] : memref<3328x32xf32, #tpu.memory_space<vmem>> -> memref<128x32xf32, #tpu.memory_space<vmem>>
    %dma_wait3A_1878 = arith.constant 0 : i32
    %dma_wait3A_1879 = tpu.memref_slice %arg4[%select_n3A_546, %select_n3A_562, %dma_wait3A_1878] : memref<26x4096x128xf32, #tpu.memory_space<hbm>> -> memref<1x128x32xf32, #tpu.memory_space<hbm>>
    %dma_wait3A_1880 = tpu.memref_squeeze %dma_wait3A_1879 : memref<1x128x32xf32, #tpu.memory_space<hbm>> -> memref<128x32xf32, #tpu.memory_space<hbm>>
    %dma_wait3A_1881 = arith.constant 0 : i32
    %dma_wait3A_1882 = tpu.memref_slice %arg4[%select_n3A_546, %select_n3A_562, %dma_wait3A_1881] : memref<26x4096x128xf32, #tpu.memory_space<hbm>> -> memref<1x128x32xf32, #tpu.memory_space<hbm>>
    %dma_wait3A_1883 = tpu.memref_squeeze %dma_wait3A_1882 : memref<1x128x32xf32, #tpu.memory_space<hbm>> -> memref<128x32xf32, #tpu.memory_space<hbm>>
    %dma_wait3A_1884 = arith.constant 640 : i32
    %dma_wait3A_1885 = arith.constant 0 : i32
    %dma_wait3A_1886 = tpu.memref_slice %arg6[%dma_wait3A_1884, %dma_wait3A_1885] : memref<3328x32xf32, #tpu.memory_space<vmem>> -> memref<128x32xf32, #tpu.memory_space<vmem>>
    tpu.wait_dma2 semaphore(%arg8 : memref<!tpu.dma_semaphore, #tpu.memory_space<semaphore_mem>>) src(%dma_wait3A_1886 : memref<128x32xf32, #tpu.memory_space<vmem>>) dst(%dma_wait3A_1883 : memref<128x32xf32, #tpu.memory_space<hbm>>)
    %dma_wait3A_1887 = arith.constant 768 : i32
    %dma_wait3A_1888 = arith.constant 0 : i32
    %dma_wait3A_1889 = tpu.memref_slice %arg6[%dma_wait3A_1887, %dma_wait3A_1888] : memref<3328x32xf32, #tpu.memory_space<vmem>> -> memref<128x32xf32, #tpu.memory_space<vmem>>
    %dma_wait3A_1890 = arith.constant 0 : i32
    %dma_wait3A_1891 = tpu.memref_slice %arg4[%select_n3A_608, %select_n3A_624, %dma_wait3A_1890] : memref<26x4096x128xf32, #tpu.memory_space<hbm>> -> memref<1x128x32xf32, #tpu.memory_space<hbm>>
    %dma_wait3A_1892 = tpu.memref_squeeze %dma_wait3A_1891 : memref<1x128x32xf32, #tpu.memory_space<hbm>> -> memref<128x32xf32, #tpu.memory_space<hbm>>
    %dma_wait3A_1893 = arith.constant 0 : i32
    %dma_wait3A_1894 = tpu.memref_slice %arg4[%select_n3A_608, %select_n3A_624, %dma_wait3A_1893] : memref<26x4096x128xf32, #tpu.memory_space<hbm>> -> memref<1x128x32xf32, #tpu.memory_space<hbm>>
    %dma_wait3A_1895 = tpu.memref_squeeze %dma_wait3A_1894 : memref<1x128x32xf32, #tpu.memory_space<hbm>> -> memref<128x32xf32, #tpu.memory_space<hbm>>
    %dma_wait3A_1896 = arith.constant 768 : i32
    %dma_wait3A_1897 = arith.constant 0 : i32
    %dma_wait3A_1898 = tpu.memref_slice %arg6[%dma_wait3A_1896, %dma_wait3A_1897] : memref<3328x32xf32, #tpu.memory_space<vmem>> -> memref<128x32xf32, #tpu.memory_space<vmem>>
    tpu.wait_dma2 semaphore(%arg8 : memref<!tpu.dma_semaphore, #tpu.memory_space<semaphore_mem>>) src(%dma_wait3A_1898 : memref<128x32xf32, #tpu.memory_space<vmem>>) dst(%dma_wait3A_1895 : memref<128x32xf32, #tpu.memory_space<hbm>>)
    %dma_wait3A_1899 = arith.constant 896 : i32
    %dma_wait3A_1900 = arith.constant 0 : i32
    %dma_wait3A_1901 = tpu.memref_slice %arg6[%dma_wait3A_1899, %dma_wait3A_1900] : memref<3328x32xf32, #tpu.memory_space<vmem>> -> memref<128x32xf32, #tpu.memory_space<vmem>>
    %dma_wait3A_1902 = arith.constant 0 : i32
    %dma_wait3A_1903 = tpu.memref_slice %arg4[%select_n3A_670, %select_n3A_686, %dma_wait3A_1902] : memref<26x4096x128xf32, #tpu.memory_space<hbm>> -> memref<1x128x32xf32, #tpu.memory_space<hbm>>
    %dma_wait3A_1904 = tpu.memref_squeeze %dma_wait3A_1903 : memref<1x128x32xf32, #tpu.memory_space<hbm>> -> memref<128x32xf32, #tpu.memory_space<hbm>>
    %dma_wait3A_1905 = arith.constant 0 : i32
    %dma_wait3A_1906 = tpu.memref_slice %arg4[%select_n3A_670, %select_n3A_686, %dma_wait3A_1905] : memref<26x4096x128xf32, #tpu.memory_space<hbm>> -> memref<1x128x32xf32, #tpu.memory_space<hbm>>
    %dma_wait3A_1907 = tpu.memref_squeeze %dma_wait3A_1906 : memref<1x128x32xf32, #tpu.memory_space<hbm>> -> memref<128x32xf32, #tpu.memory_space<hbm>>
    %dma_wait3A_1908 = arith.constant 896 : i32
    %dma_wait3A_1909 = arith.constant 0 : i32
    %dma_wait3A_1910 = tpu.memref_slice %arg6[%dma_wait3A_1908, %dma_wait3A_1909] : memref<3328x32xf32, #tpu.memory_space<vmem>> -> memref<128x32xf32, #tpu.memory_space<vmem>>
    tpu.wait_dma2 semaphore(%arg8 : memref<!tpu.dma_semaphore, #tpu.memory_space<semaphore_mem>>) src(%dma_wait3A_1910 : memref<128x32xf32, #tpu.memory_space<vmem>>) dst(%dma_wait3A_1907 : memref<128x32xf32, #tpu.memory_space<hbm>>)
    %dma_wait3A_1911 = arith.constant 1024 : i32
    %dma_wait3A_1912 = arith.constant 0 : i32
    %dma_wait3A_1913 = tpu.memref_slice %arg6[%dma_wait3A_1911, %dma_wait3A_1912] : memref<3328x32xf32, #tpu.memory_space<vmem>> -> memref<128x32xf32, #tpu.memory_space<vmem>>
    %dma_wait3A_1914 = arith.constant 0 : i32
    %dma_wait3A_1915 = tpu.memref_slice %arg4[%select_n3A_732, %select_n3A_748, %dma_wait3A_1914] : memref<26x4096x128xf32, #tpu.memory_space<hbm>> -> memref<1x128x32xf32, #tpu.memory_space<hbm>>
    %dma_wait3A_1916 = tpu.memref_squeeze %dma_wait3A_1915 : memref<1x128x32xf32, #tpu.memory_space<hbm>> -> memref<128x32xf32, #tpu.memory_space<hbm>>
    %dma_wait3A_1917 = arith.constant 0 : i32
    %dma_wait3A_1918 = tpu.memref_slice %arg4[%select_n3A_732, %select_n3A_748, %dma_wait3A_1917] : memref<26x4096x128xf32, #tpu.memory_space<hbm>> -> memref<1x128x32xf32, #tpu.memory_space<hbm>>
    %dma_wait3A_1919 = tpu.memref_squeeze %dma_wait3A_1918 : memref<1x128x32xf32, #tpu.memory_space<hbm>> -> memref<128x32xf32, #tpu.memory_space<hbm>>
    %dma_wait3A_1920 = arith.constant 1024 : i32
    %dma_wait3A_1921 = arith.constant 0 : i32
    %dma_wait3A_1922 = tpu.memref_slice %arg6[%dma_wait3A_1920, %dma_wait3A_1921] : memref<3328x32xf32, #tpu.memory_space<vmem>> -> memref<128x32xf32, #tpu.memory_space<vmem>>
    tpu.wait_dma2 semaphore(%arg8 : memref<!tpu.dma_semaphore, #tpu.memory_space<semaphore_mem>>) src(%dma_wait3A_1922 : memref<128x32xf32, #tpu.memory_space<vmem>>) dst(%dma_wait3A_1919 : memref<128x32xf32, #tpu.memory_space<hbm>>)
    %dma_wait3A_1923 = arith.constant 1152 : i32
    %dma_wait3A_1924 = arith.constant 0 : i32
    %dma_wait3A_1925 = tpu.memref_slice %arg6[%dma_wait3A_1923, %dma_wait3A_1924] : memref<3328x32xf32, #tpu.memory_space<vmem>> -> memref<128x32xf32, #tpu.memory_space<vmem>>
    %dma_wait3A_1926 = arith.constant 0 : i32
    %dma_wait3A_1927 = tpu.memref_slice %arg4[%select_n3A_794, %select_n3A_810, %dma_wait3A_1926] : memref<26x4096x128xf32, #tpu.memory_space<hbm>> -> memref<1x128x32xf32, #tpu.memory_space<hbm>>
    %dma_wait3A_1928 = tpu.memref_squeeze %dma_wait3A_1927 : memref<1x128x32xf32, #tpu.memory_space<hbm>> -> memref<128x32xf32, #tpu.memory_space<hbm>>
    %dma_wait3A_1929 = arith.constant 0 : i32
    %dma_wait3A_1930 = tpu.memref_slice %arg4[%select_n3A_794, %select_n3A_810, %dma_wait3A_1929] : memref<26x4096x128xf32, #tpu.memory_space<hbm>> -> memref<1x128x32xf32, #tpu.memory_space<hbm>>
    %dma_wait3A_1931 = tpu.memref_squeeze %dma_wait3A_1930 : memref<1x128x32xf32, #tpu.memory_space<hbm>> -> memref<128x32xf32, #tpu.memory_space<hbm>>
    %dma_wait3A_1932 = arith.constant 1152 : i32
    %dma_wait3A_1933 = arith.constant 0 : i32
    %dma_wait3A_1934 = tpu.memref_slice %arg6[%dma_wait3A_1932, %dma_wait3A_1933] : memref<3328x32xf32, #tpu.memory_space<vmem>> -> memref<128x32xf32, #tpu.memory_space<vmem>>
    tpu.wait_dma2 semaphore(%arg8 : memref<!tpu.dma_semaphore, #tpu.memory_space<semaphore_mem>>) src(%dma_wait3A_1934 : memref<128x32xf32, #tpu.memory_space<vmem>>) dst(%dma_wait3A_1931 : memref<128x32xf32, #tpu.memory_space<hbm>>)
    %dma_wait3A_1935 = arith.constant 1280 : i32
    %dma_wait3A_1936 = arith.constant 0 : i32
    %dma_wait3A_1937 = tpu.memref_slice %arg6[%dma_wait3A_1935, %dma_wait3A_1936] : memref<3328x32xf32, #tpu.memory_space<vmem>> -> memref<128x32xf32, #tpu.memory_space<vmem>>
    %dma_wait3A_1938 = arith.constant 0 : i32
    %dma_wait3A_1939 = tpu.memref_slice %arg4[%select_n3A_856, %select_n3A_872, %dma_wait3A_1938] : memref<26x4096x128xf32, #tpu.memory_space<hbm>> -> memref<1x128x32xf32, #tpu.memory_space<hbm>>
    %dma_wait3A_1940 = tpu.memref_squeeze %dma_wait3A_1939 : memref<1x128x32xf32, #tpu.memory_space<hbm>> -> memref<128x32xf32, #tpu.memory_space<hbm>>
    %dma_wait3A_1941 = arith.constant 0 : i32
    %dma_wait3A_1942 = tpu.memref_slice %arg4[%select_n3A_856, %select_n3A_872, %dma_wait3A_1941] : memref<26x4096x128xf32, #tpu.memory_space<hbm>> -> memref<1x128x32xf32, #tpu.memory_space<hbm>>
    %dma_wait3A_1943 = tpu.memref_squeeze %dma_wait3A_1942 : memref<1x128x32xf32, #tpu.memory_space<hbm>> -> memref<128x32xf32, #tpu.memory_space<hbm>>
    %dma_wait3A_1944 = arith.constant 1280 : i32
    %dma_wait3A_1945 = arith.constant 0 : i32
    %dma_wait3A_1946 = tpu.memref_slice %arg6[%dma_wait3A_1944, %dma_wait3A_1945] : memref<3328x32xf32, #tpu.memory_space<vmem>> -> memref<128x32xf32, #tpu.memory_space<vmem>>
    tpu.wait_dma2 semaphore(%arg8 : memref<!tpu.dma_semaphore, #tpu.memory_space<semaphore_mem>>) src(%dma_wait3A_1946 : memref<128x32xf32, #tpu.memory_space<vmem>>) dst(%dma_wait3A_1943 : memref<128x32xf32, #tpu.memory_space<hbm>>)
    %dma_wait3A_1947 = arith.constant 1408 : i32
    %dma_wait3A_1948 = arith.constant 0 : i32
    %dma_wait3A_1949 = tpu.memref_slice %arg6[%dma_wait3A_1947, %dma_wait3A_1948] : memref<3328x32xf32, #tpu.memory_space<vmem>> -> memref<128x32xf32, #tpu.memory_space<vmem>>
    %dma_wait3A_1950 = arith.constant 0 : i32
    %dma_wait3A_1951 = tpu.memref_slice %arg4[%select_n3A_918, %select_n3A_934, %dma_wait3A_1950] : memref<26x4096x128xf32, #tpu.memory_space<hbm>> -> memref<1x128x32xf32, #tpu.memory_space<hbm>>
    %dma_wait3A_1952 = tpu.memref_squeeze %dma_wait3A_1951 : memref<1x128x32xf32, #tpu.memory_space<hbm>> -> memref<128x32xf32, #tpu.memory_space<hbm>>
    %dma_wait3A_1953 = arith.constant 0 : i32
    %dma_wait3A_1954 = tpu.memref_slice %arg4[%select_n3A_918, %select_n3A_934, %dma_wait3A_1953] : memref<26x4096x128xf32, #tpu.memory_space<hbm>> -> memref<1x128x32xf32, #tpu.memory_space<hbm>>
    %dma_wait3A_1955 = tpu.memref_squeeze %dma_wait3A_1954 : memref<1x128x32xf32, #tpu.memory_space<hbm>> -> memref<128x32xf32, #tpu.memory_space<hbm>>
    %dma_wait3A_1956 = arith.constant 1408 : i32
    %dma_wait3A_1957 = arith.constant 0 : i32
    %dma_wait3A_1958 = tpu.memref_slice %arg6[%dma_wait3A_1956, %dma_wait3A_1957] : memref<3328x32xf32, #tpu.memory_space<vmem>> -> memref<128x32xf32, #tpu.memory_space<vmem>>
    tpu.wait_dma2 semaphore(%arg8 : memref<!tpu.dma_semaphore, #tpu.memory_space<semaphore_mem>>) src(%dma_wait3A_1958 : memref<128x32xf32, #tpu.memory_space<vmem>>) dst(%dma_wait3A_1955 : memref<128x32xf32, #tpu.memory_space<hbm>>)
    %dma_wait3A_1959 = arith.constant 1536 : i32
    %dma_wait3A_1960 = arith.constant 0 : i32
    %dma_wait3A_1961 = tpu.memref_slice %arg6[%dma_wait3A_1959, %dma_wait3A_1960] : memref<3328x32xf32, #tpu.memory_space<vmem>> -> memref<128x32xf32, #tpu.memory_space<vmem>>
    %dma_wait3A_1962 = arith.constant 0 : i32
    %dma_wait3A_1963 = tpu.memref_slice %arg4[%select_n3A_980, %select_n3A_996, %dma_wait3A_1962] : memref<26x4096x128xf32, #tpu.memory_space<hbm>> -> memref<1x128x32xf32, #tpu.memory_space<hbm>>
    %dma_wait3A_1964 = tpu.memref_squeeze %dma_wait3A_1963 : memref<1x128x32xf32, #tpu.memory_space<hbm>> -> memref<128x32xf32, #tpu.memory_space<hbm>>
    %dma_wait3A_1965 = arith.constant 0 : i32
    %dma_wait3A_1966 = tpu.memref_slice %arg4[%select_n3A_980, %select_n3A_996, %dma_wait3A_1965] : memref<26x4096x128xf32, #tpu.memory_space<hbm>> -> memref<1x128x32xf32, #tpu.memory_space<hbm>>
    %dma_wait3A_1967 = tpu.memref_squeeze %dma_wait3A_1966 : memref<1x128x32xf32, #tpu.memory_space<hbm>> -> memref<128x32xf32, #tpu.memory_space<hbm>>
    %dma_wait3A_1968 = arith.constant 1536 : i32
    %dma_wait3A_1969 = arith.constant 0 : i32
    %dma_wait3A_1970 = tpu.memref_slice %arg6[%dma_wait3A_1968, %dma_wait3A_1969] : memref<3328x32xf32, #tpu.memory_space<vmem>> -> memref<128x32xf32, #tpu.memory_space<vmem>>
    tpu.wait_dma2 semaphore(%arg8 : memref<!tpu.dma_semaphore, #tpu.memory_space<semaphore_mem>>) src(%dma_wait3A_1970 : memref<128x32xf32, #tpu.memory_space<vmem>>) dst(%dma_wait3A_1967 : memref<128x32xf32, #tpu.memory_space<hbm>>)
    %dma_wait3A_1971 = arith.constant 1664 : i32
    %dma_wait3A_1972 = arith.constant 0 : i32
    %dma_wait3A_1973 = tpu.memref_slice %arg6[%dma_wait3A_1971, %dma_wait3A_1972] : memref<3328x32xf32, #tpu.memory_space<vmem>> -> memref<128x32xf32, #tpu.memory_space<vmem>>
    %dma_wait3A_1974 = arith.constant 0 : i32
    %dma_wait3A_1975 = tpu.memref_slice %arg4[%select_n3A_1042, %select_n3A_1058, %dma_wait3A_1974] : memref<26x4096x128xf32, #tpu.memory_space<hbm>> -> memref<1x128x32xf32, #tpu.memory_space<hbm>>
    %dma_wait3A_1976 = tpu.memref_squeeze %dma_wait3A_1975 : memref<1x128x32xf32, #tpu.memory_space<hbm>> -> memref<128x32xf32, #tpu.memory_space<hbm>>
    %dma_wait3A_1977 = arith.constant 0 : i32
    %dma_wait3A_1978 = tpu.memref_slice %arg4[%select_n3A_1042, %select_n3A_1058, %dma_wait3A_1977] : memref<26x4096x128xf32, #tpu.memory_space<hbm>> -> memref<1x128x32xf32, #tpu.memory_space<hbm>>
    %dma_wait3A_1979 = tpu.memref_squeeze %dma_wait3A_1978 : memref<1x128x32xf32, #tpu.memory_space<hbm>> -> memref<128x32xf32, #tpu.memory_space<hbm>>
    %dma_wait3A_1980 = arith.constant 1664 : i32
    %dma_wait3A_1981 = arith.constant 0 : i32
    %dma_wait3A_1982 = tpu.memref_slice %arg6[%dma_wait3A_1980, %dma_wait3A_1981] : memref<3328x32xf32, #tpu.memory_space<vmem>> -> memref<128x32xf32, #tpu.memory_space<vmem>>
    tpu.wait_dma2 semaphore(%arg8 : memref<!tpu.dma_semaphore, #tpu.memory_space<semaphore_mem>>) src(%dma_wait3A_1982 : memref<128x32xf32, #tpu.memory_space<vmem>>) dst(%dma_wait3A_1979 : memref<128x32xf32, #tpu.memory_space<hbm>>)
    %dma_wait3A_1983 = arith.constant 1792 : i32
    %dma_wait3A_1984 = arith.constant 0 : i32
    %dma_wait3A_1985 = tpu.memref_slice %arg6[%dma_wait3A_1983, %dma_wait3A_1984] : memref<3328x32xf32, #tpu.memory_space<vmem>> -> memref<128x32xf32, #tpu.memory_space<vmem>>
    %dma_wait3A_1986 = arith.constant 0 : i32
    %dma_wait3A_1987 = tpu.memref_slice %arg4[%select_n3A_1104, %select_n3A_1120, %dma_wait3A_1986] : memref<26x4096x128xf32, #tpu.memory_space<hbm>> -> memref<1x128x32xf32, #tpu.memory_space<hbm>>
    %dma_wait3A_1988 = tpu.memref_squeeze %dma_wait3A_1987 : memref<1x128x32xf32, #tpu.memory_space<hbm>> -> memref<128x32xf32, #tpu.memory_space<hbm>>
    %dma_wait3A_1989 = arith.constant 0 : i32
    %dma_wait3A_1990 = tpu.memref_slice %arg4[%select_n3A_1104, %select_n3A_1120, %dma_wait3A_1989] : memref<26x4096x128xf32, #tpu.memory_space<hbm>> -> memref<1x128x32xf32, #tpu.memory_space<hbm>>
    %dma_wait3A_1991 = tpu.memref_squeeze %dma_wait3A_1990 : memref<1x128x32xf32, #tpu.memory_space<hbm>> -> memref<128x32xf32, #tpu.memory_space<hbm>>
    %dma_wait3A_1992 = arith.constant 1792 : i32
    %dma_wait3A_1993 = arith.constant 0 : i32
    %dma_wait3A_1994 = tpu.memref_slice %arg6[%dma_wait3A_1992, %dma_wait3A_1993] : memref<3328x32xf32, #tpu.memory_space<vmem>> -> memref<128x32xf32, #tpu.memory_space<vmem>>
    tpu.wait_dma2 semaphore(%arg8 : memref<!tpu.dma_semaphore, #tpu.memory_space<semaphore_mem>>) src(%dma_wait3A_1994 : memref<128x32xf32, #tpu.memory_space<vmem>>) dst(%dma_wait3A_1991 : memref<128x32xf32, #tpu.memory_space<hbm>>)
    %dma_wait3A_1995 = arith.constant 1920 : i32
    %dma_wait3A_1996 = arith.constant 0 : i32
    %dma_wait3A_1997 = tpu.memref_slice %arg6[%dma_wait3A_1995, %dma_wait3A_1996] : memref<3328x32xf32, #tpu.memory_space<vmem>> -> memref<128x32xf32, #tpu.memory_space<vmem>>
    %dma_wait3A_1998 = arith.constant 0 : i32
    %dma_wait3A_1999 = tpu.memref_slice %arg4[%select_n3A_1166, %select_n3A_1182, %dma_wait3A_1998] : memref<26x4096x128xf32, #tpu.memory_space<hbm>> -> memref<1x128x32xf32, #tpu.memory_space<hbm>>
    %dma_wait3A_2000 = tpu.memref_squeeze %dma_wait3A_1999 : memref<1x128x32xf32, #tpu.memory_space<hbm>> -> memref<128x32xf32, #tpu.memory_space<hbm>>
    %dma_wait3A_2001 = arith.constant 0 : i32
    %dma_wait3A_2002 = tpu.memref_slice %arg4[%select_n3A_1166, %select_n3A_1182, %dma_wait3A_2001] : memref<26x4096x128xf32, #tpu.memory_space<hbm>> -> memref<1x128x32xf32, #tpu.memory_space<hbm>>
    %dma_wait3A_2003 = tpu.memref_squeeze %dma_wait3A_2002 : memref<1x128x32xf32, #tpu.memory_space<hbm>> -> memref<128x32xf32, #tpu.memory_space<hbm>>
    %dma_wait3A_2004 = arith.constant 1920 : i32
    %dma_wait3A_2005 = arith.constant 0 : i32
    %dma_wait3A_2006 = tpu.memref_slice %arg6[%dma_wait3A_2004, %dma_wait3A_2005] : memref<3328x32xf32, #tpu.memory_space<vmem>> -> memref<128x32xf32, #tpu.memory_space<vmem>>
    tpu.wait_dma2 semaphore(%arg8 : memref<!tpu.dma_semaphore, #tpu.memory_space<semaphore_mem>>) src(%dma_wait3A_2006 : memref<128x32xf32, #tpu.memory_space<vmem>>) dst(%dma_wait3A_2003 : memref<128x32xf32, #tpu.memory_space<hbm>>)
    %dma_wait3A_2007 = arith.constant 2048 : i32
    %dma_wait3A_2008 = arith.constant 0 : i32
    %dma_wait3A_2009 = tpu.memref_slice %arg6[%dma_wait3A_2007, %dma_wait3A_2008] : memref<3328x32xf32, #tpu.memory_space<vmem>> -> memref<128x32xf32, #tpu.memory_space<vmem>>
    %dma_wait3A_2010 = arith.constant 0 : i32
    %dma_wait3A_2011 = tpu.memref_slice %arg4[%select_n3A_1228, %select_n3A_1244, %dma_wait3A_2010] : memref<26x4096x128xf32, #tpu.memory_space<hbm>> -> memref<1x128x32xf32, #tpu.memory_space<hbm>>
    %dma_wait3A_2012 = tpu.memref_squeeze %dma_wait3A_2011 : memref<1x128x32xf32, #tpu.memory_space<hbm>> -> memref<128x32xf32, #tpu.memory_space<hbm>>
    %dma_wait3A_2013 = arith.constant 0 : i32
    %dma_wait3A_2014 = tpu.memref_slice %arg4[%select_n3A_1228, %select_n3A_1244, %dma_wait3A_2013] : memref<26x4096x128xf32, #tpu.memory_space<hbm>> -> memref<1x128x32xf32, #tpu.memory_space<hbm>>
    %dma_wait3A_2015 = tpu.memref_squeeze %dma_wait3A_2014 : memref<1x128x32xf32, #tpu.memory_space<hbm>> -> memref<128x32xf32, #tpu.memory_space<hbm>>
    %dma_wait3A_2016 = arith.constant 2048 : i32
    %dma_wait3A_2017 = arith.constant 0 : i32
    %dma_wait3A_2018 = tpu.memref_slice %arg6[%dma_wait3A_2016, %dma_wait3A_2017] : memref<3328x32xf32, #tpu.memory_space<vmem>> -> memref<128x32xf32, #tpu.memory_space<vmem>>
    tpu.wait_dma2 semaphore(%arg8 : memref<!tpu.dma_semaphore, #tpu.memory_space<semaphore_mem>>) src(%dma_wait3A_2018 : memref<128x32xf32, #tpu.memory_space<vmem>>) dst(%dma_wait3A_2015 : memref<128x32xf32, #tpu.memory_space<hbm>>)
    %dma_wait3A_2019 = arith.constant 2176 : i32
    %dma_wait3A_2020 = arith.constant 0 : i32
    %dma_wait3A_2021 = tpu.memref_slice %arg6[%dma_wait3A_2019, %dma_wait3A_2020] : memref<3328x32xf32, #tpu.memory_space<vmem>> -> memref<128x32xf32, #tpu.memory_space<vmem>>
    %dma_wait3A_2022 = arith.constant 0 : i32
    %dma_wait3A_2023 = tpu.memref_slice %arg4[%select_n3A_1290, %select_n3A_1306, %dma_wait3A_2022] : memref<26x4096x128xf32, #tpu.memory_space<hbm>> -> memref<1x128x32xf32, #tpu.memory_space<hbm>>
    %dma_wait3A_2024 = tpu.memref_squeeze %dma_wait3A_2023 : memref<1x128x32xf32, #tpu.memory_space<hbm>> -> memref<128x32xf32, #tpu.memory_space<hbm>>
    %dma_wait3A_2025 = arith.constant 0 : i32
    %dma_wait3A_2026 = tpu.memref_slice %arg4[%select_n3A_1290, %select_n3A_1306, %dma_wait3A_2025] : memref<26x4096x128xf32, #tpu.memory_space<hbm>> -> memref<1x128x32xf32, #tpu.memory_space<hbm>>
    %dma_wait3A_2027 = tpu.memref_squeeze %dma_wait3A_2026 : memref<1x128x32xf32, #tpu.memory_space<hbm>> -> memref<128x32xf32, #tpu.memory_space<hbm>>
    %dma_wait3A_2028 = arith.constant 2176 : i32
    %dma_wait3A_2029 = arith.constant 0 : i32
    %dma_wait3A_2030 = tpu.memref_slice %arg6[%dma_wait3A_2028, %dma_wait3A_2029] : memref<3328x32xf32, #tpu.memory_space<vmem>> -> memref<128x32xf32, #tpu.memory_space<vmem>>
    tpu.wait_dma2 semaphore(%arg8 : memref<!tpu.dma_semaphore, #tpu.memory_space<semaphore_mem>>) src(%dma_wait3A_2030 : memref<128x32xf32, #tpu.memory_space<vmem>>) dst(%dma_wait3A_2027 : memref<128x32xf32, #tpu.memory_space<hbm>>)
    %dma_wait3A_2031 = arith.constant 2304 : i32
    %dma_wait3A_2032 = arith.constant 0 : i32
    %dma_wait3A_2033 = tpu.memref_slice %arg6[%dma_wait3A_2031, %dma_wait3A_2032] : memref<3328x32xf32, #tpu.memory_space<vmem>> -> memref<128x32xf32, #tpu.memory_space<vmem>>
    %dma_wait3A_2034 = arith.constant 0 : i32
    %dma_wait3A_2035 = tpu.memref_slice %arg4[%select_n3A_1352, %select_n3A_1368, %dma_wait3A_2034] : memref<26x4096x128xf32, #tpu.memory_space<hbm>> -> memref<1x128x32xf32, #tpu.memory_space<hbm>>
    %dma_wait3A_2036 = tpu.memref_squeeze %dma_wait3A_2035 : memref<1x128x32xf32, #tpu.memory_space<hbm>> -> memref<128x32xf32, #tpu.memory_space<hbm>>
    %dma_wait3A_2037 = arith.constant 0 : i32
    %dma_wait3A_2038 = tpu.memref_slice %arg4[%select_n3A_1352, %select_n3A_1368, %dma_wait3A_2037] : memref<26x4096x128xf32, #tpu.memory_space<hbm>> -> memref<1x128x32xf32, #tpu.memory_space<hbm>>
    %dma_wait3A_2039 = tpu.memref_squeeze %dma_wait3A_2038 : memref<1x128x32xf32, #tpu.memory_space<hbm>> -> memref<128x32xf32, #tpu.memory_space<hbm>>
    %dma_wait3A_2040 = arith.constant 2304 : i32
    %dma_wait3A_2041 = arith.constant 0 : i32
    %dma_wait3A_2042 = tpu.memref_slice %arg6[%dma_wait3A_2040, %dma_wait3A_2041] : memref<3328x32xf32, #tpu.memory_space<vmem>> -> memref<128x32xf32, #tpu.memory_space<vmem>>
    tpu.wait_dma2 semaphore(%arg8 : memref<!tpu.dma_semaphore, #tpu.memory_space<semaphore_mem>>) src(%dma_wait3A_2042 : memref<128x32xf32, #tpu.memory_space<vmem>>) dst(%dma_wait3A_2039 : memref<128x32xf32, #tpu.memory_space<hbm>>)
    %dma_wait3A_2043 = arith.constant 2432 : i32
    %dma_wait3A_2044 = arith.constant 0 : i32
    %dma_wait3A_2045 = tpu.memref_slice %arg6[%dma_wait3A_2043, %dma_wait3A_2044] : memref<3328x32xf32, #tpu.memory_space<vmem>> -> memref<128x32xf32, #tpu.memory_space<vmem>>
    %dma_wait3A_2046 = arith.constant 0 : i32
    %dma_wait3A_2047 = tpu.memref_slice %arg4[%select_n3A_1414, %select_n3A_1430, %dma_wait3A_2046] : memref<26x4096x128xf32, #tpu.memory_space<hbm>> -> memref<1x128x32xf32, #tpu.memory_space<hbm>>
    %dma_wait3A_2048 = tpu.memref_squeeze %dma_wait3A_2047 : memref<1x128x32xf32, #tpu.memory_space<hbm>> -> memref<128x32xf32, #tpu.memory_space<hbm>>
    %dma_wait3A_2049 = arith.constant 0 : i32
    %dma_wait3A_2050 = tpu.memref_slice %arg4[%select_n3A_1414, %select_n3A_1430, %dma_wait3A_2049] : memref<26x4096x128xf32, #tpu.memory_space<hbm>> -> memref<1x128x32xf32, #tpu.memory_space<hbm>>
    %dma_wait3A_2051 = tpu.memref_squeeze %dma_wait3A_2050 : memref<1x128x32xf32, #tpu.memory_space<hbm>> -> memref<128x32xf32, #tpu.memory_space<hbm>>
    %dma_wait3A_2052 = arith.constant 2432 : i32
    %dma_wait3A_2053 = arith.constant 0 : i32
    %dma_wait3A_2054 = tpu.memref_slice %arg6[%dma_wait3A_2052, %dma_wait3A_2053] : memref<3328x32xf32, #tpu.memory_space<vmem>> -> memref<128x32xf32, #tpu.memory_space<vmem>>
    tpu.wait_dma2 semaphore(%arg8 : memref<!tpu.dma_semaphore, #tpu.memory_space<semaphore_mem>>) src(%dma_wait3A_2054 : memref<128x32xf32, #tpu.memory_space<vmem>>) dst(%dma_wait3A_2051 : memref<128x32xf32, #tpu.memory_space<hbm>>)
    %dma_wait3A_2055 = arith.constant 2560 : i32
    %dma_wait3A_2056 = arith.constant 0 : i32
    %dma_wait3A_2057 = tpu.memref_slice %arg6[%dma_wait3A_2055, %dma_wait3A_2056] : memref<3328x32xf32, #tpu.memory_space<vmem>> -> memref<128x32xf32, #tpu.memory_space<vmem>>
    %dma_wait3A_2058 = arith.constant 0 : i32
    %dma_wait3A_2059 = tpu.memref_slice %arg4[%select_n3A_1476, %select_n3A_1492, %dma_wait3A_2058] : memref<26x4096x128xf32, #tpu.memory_space<hbm>> -> memref<1x128x32xf32, #tpu.memory_space<hbm>>
    %dma_wait3A_2060 = tpu.memref_squeeze %dma_wait3A_2059 : memref<1x128x32xf32, #tpu.memory_space<hbm>> -> memref<128x32xf32, #tpu.memory_space<hbm>>
    %dma_wait3A_2061 = arith.constant 0 : i32
    %dma_wait3A_2062 = tpu.memref_slice %arg4[%select_n3A_1476, %select_n3A_1492, %dma_wait3A_2061] : memref<26x4096x128xf32, #tpu.memory_space<hbm>> -> memref<1x128x32xf32, #tpu.memory_space<hbm>>
    %dma_wait3A_2063 = tpu.memref_squeeze %dma_wait3A_2062 : memref<1x128x32xf32, #tpu.memory_space<hbm>> -> memref<128x32xf32, #tpu.memory_space<hbm>>
    %dma_wait3A_2064 = arith.constant 2560 : i32
    %dma_wait3A_2065 = arith.constant 0 : i32
    %dma_wait3A_2066 = tpu.memref_slice %arg6[%dma_wait3A_2064, %dma_wait3A_2065] : memref<3328x32xf32, #tpu.memory_space<vmem>> -> memref<128x32xf32, #tpu.memory_space<vmem>>
    tpu.wait_dma2 semaphore(%arg8 : memref<!tpu.dma_semaphore, #tpu.memory_space<semaphore_mem>>) src(%dma_wait3A_2066 : memref<128x32xf32, #tpu.memory_space<vmem>>) dst(%dma_wait3A_2063 : memref<128x32xf32, #tpu.memory_space<hbm>>)
    %dma_wait3A_2067 = arith.constant 2688 : i32
    %dma_wait3A_2068 = arith.constant 0 : i32
    %dma_wait3A_2069 = tpu.memref_slice %arg6[%dma_wait3A_2067, %dma_wait3A_2068] : memref<3328x32xf32, #tpu.memory_space<vmem>> -> memref<128x32xf32, #tpu.memory_space<vmem>>
    %dma_wait3A_2070 = arith.constant 0 : i32
    %dma_wait3A_2071 = tpu.memref_slice %arg4[%select_n3A_1538, %select_n3A_1554, %dma_wait3A_2070] : memref<26x4096x128xf32, #tpu.memory_space<hbm>> -> memref<1x128x32xf32, #tpu.memory_space<hbm>>
    %dma_wait3A_2072 = tpu.memref_squeeze %dma_wait3A_2071 : memref<1x128x32xf32, #tpu.memory_space<hbm>> -> memref<128x32xf32, #tpu.memory_space<hbm>>
    %dma_wait3A_2073 = arith.constant 0 : i32
    %dma_wait3A_2074 = tpu.memref_slice %arg4[%select_n3A_1538, %select_n3A_1554, %dma_wait3A_2073] : memref<26x4096x128xf32, #tpu.memory_space<hbm>> -> memref<1x128x32xf32, #tpu.memory_space<hbm>>
    %dma_wait3A_2075 = tpu.memref_squeeze %dma_wait3A_2074 : memref<1x128x32xf32, #tpu.memory_space<hbm>> -> memref<128x32xf32, #tpu.memory_space<hbm>>
    %dma_wait3A_2076 = arith.constant 2688 : i32
    %dma_wait3A_2077 = arith.constant 0 : i32
    %dma_wait3A_2078 = tpu.memref_slice %arg6[%dma_wait3A_2076, %dma_wait3A_2077] : memref<3328x32xf32, #tpu.memory_space<vmem>> -> memref<128x32xf32, #tpu.memory_space<vmem>>
    tpu.wait_dma2 semaphore(%arg8 : memref<!tpu.dma_semaphore, #tpu.memory_space<semaphore_mem>>) src(%dma_wait3A_2078 : memref<128x32xf32, #tpu.memory_space<vmem>>) dst(%dma_wait3A_2075 : memref<128x32xf32, #tpu.memory_space<hbm>>)
    %dma_wait3A_2079 = arith.constant 2816 : i32
    %dma_wait3A_2080 = arith.constant 0 : i32
    %dma_wait3A_2081 = tpu.memref_slice %arg6[%dma_wait3A_2079, %dma_wait3A_2080] : memref<3328x32xf32, #tpu.memory_space<vmem>> -> memref<128x32xf32, #tpu.memory_space<vmem>>
    %dma_wait3A_2082 = arith.constant 0 : i32
    %dma_wait3A_2083 = tpu.memref_slice %arg4[%select_n3A_1600, %select_n3A_1616, %dma_wait3A_2082] : memref<26x4096x128xf32, #tpu.memory_space<hbm>> -> memref<1x128x32xf32, #tpu.memory_space<hbm>>
    %dma_wait3A_2084 = tpu.memref_squeeze %dma_wait3A_2083 : memref<1x128x32xf32, #tpu.memory_space<hbm>> -> memref<128x32xf32, #tpu.memory_space<hbm>>
    %dma_wait3A_2085 = arith.constant 0 : i32
    %dma_wait3A_2086 = tpu.memref_slice %arg4[%select_n3A_1600, %select_n3A_1616, %dma_wait3A_2085] : memref<26x4096x128xf32, #tpu.memory_space<hbm>> -> memref<1x128x32xf32, #tpu.memory_space<hbm>>
    %dma_wait3A_2087 = tpu.memref_squeeze %dma_wait3A_2086 : memref<1x128x32xf32, #tpu.memory_space<hbm>> -> memref<128x32xf32, #tpu.memory_space<hbm>>
    %dma_wait3A_2088 = arith.constant 2816 : i32
    %dma_wait3A_2089 = arith.constant 0 : i32
    %dma_wait3A_2090 = tpu.memref_slice %arg6[%dma_wait3A_2088, %dma_wait3A_2089] : memref<3328x32xf32, #tpu.memory_space<vmem>> -> memref<128x32xf32, #tpu.memory_space<vmem>>
    tpu.wait_dma2 semaphore(%arg8 : memref<!tpu.dma_semaphore, #tpu.memory_space<semaphore_mem>>) src(%dma_wait3A_2090 : memref<128x32xf32, #tpu.memory_space<vmem>>) dst(%dma_wait3A_2087 : memref<128x32xf32, #tpu.memory_space<hbm>>)
    %dma_wait3A_2091 = arith.constant 2944 : i32
    %dma_wait3A_2092 = arith.constant 0 : i32
    %dma_wait3A_2093 = tpu.memref_slice %arg6[%dma_wait3A_2091, %dma_wait3A_2092] : memref<3328x32xf32, #tpu.memory_space<vmem>> -> memref<128x32xf32, #tpu.memory_space<vmem>>
    %dma_wait3A_2094 = arith.constant 0 : i32
    %dma_wait3A_2095 = tpu.memref_slice %arg4[%select_n3A_1662, %select_n3A_1678, %dma_wait3A_2094] : memref<26x4096x128xf32, #tpu.memory_space<hbm>> -> memref<1x128x32xf32, #tpu.memory_space<hbm>>
    %dma_wait3A_2096 = tpu.memref_squeeze %dma_wait3A_2095 : memref<1x128x32xf32, #tpu.memory_space<hbm>> -> memref<128x32xf32, #tpu.memory_space<hbm>>
    %dma_wait3A_2097 = arith.constant 0 : i32
    %dma_wait3A_2098 = tpu.memref_slice %arg4[%select_n3A_1662, %select_n3A_1678, %dma_wait3A_2097] : memref<26x4096x128xf32, #tpu.memory_space<hbm>> -> memref<1x128x32xf32, #tpu.memory_space<hbm>>
    %dma_wait3A_2099 = tpu.memref_squeeze %dma_wait3A_2098 : memref<1x128x32xf32, #tpu.memory_space<hbm>> -> memref<128x32xf32, #tpu.memory_space<hbm>>
    %dma_wait3A_2100 = arith.constant 2944 : i32
    %dma_wait3A_2101 = arith.constant 0 : i32
    %dma_wait3A_2102 = tpu.memref_slice %arg6[%dma_wait3A_2100, %dma_wait3A_2101] : memref<3328x32xf32, #tpu.memory_space<vmem>> -> memref<128x32xf32, #tpu.memory_space<vmem>>
    tpu.wait_dma2 semaphore(%arg8 : memref<!tpu.dma_semaphore, #tpu.memory_space<semaphore_mem>>) src(%dma_wait3A_2102 : memref<128x32xf32, #tpu.memory_space<vmem>>) dst(%dma_wait3A_2099 : memref<128x32xf32, #tpu.memory_space<hbm>>)
    %dma_wait3A_2103 = arith.constant 3072 : i32
    %dma_wait3A_2104 = arith.constant 0 : i32
    %dma_wait3A_2105 = tpu.memref_slice %arg6[%dma_wait3A_2103, %dma_wait3A_2104] : memref<3328x32xf32, #tpu.memory_space<vmem>> -> memref<128x32xf32, #tpu.memory_space<vmem>>
    %dma_wait3A_2106 = arith.constant 0 : i32
    %dma_wait3A_2107 = tpu.memref_slice %arg4[%select_n3A_1724, %select_n3A_1740, %dma_wait3A_2106] : memref<26x4096x128xf32, #tpu.memory_space<hbm>> -> memref<1x128x32xf32, #tpu.memory_space<hbm>>
    %dma_wait3A_2108 = tpu.memref_squeeze %dma_wait3A_2107 : memref<1x128x32xf32, #tpu.memory_space<hbm>> -> memref<128x32xf32, #tpu.memory_space<hbm>>
    %dma_wait3A_2109 = arith.constant 0 : i32
    %dma_wait3A_2110 = tpu.memref_slice %arg4[%select_n3A_1724, %select_n3A_1740, %dma_wait3A_2109] : memref<26x4096x128xf32, #tpu.memory_space<hbm>> -> memref<1x128x32xf32, #tpu.memory_space<hbm>>
    %dma_wait3A_2111 = tpu.memref_squeeze %dma_wait3A_2110 : memref<1x128x32xf32, #tpu.memory_space<hbm>> -> memref<128x32xf32, #tpu.memory_space<hbm>>
    %dma_wait3A_2112 = arith.constant 3072 : i32
    %dma_wait3A_2113 = arith.constant 0 : i32
    %dma_wait3A_2114 = tpu.memref_slice %arg6[%dma_wait3A_2112, %dma_wait3A_2113] : memref<3328x32xf32, #tpu.memory_space<vmem>> -> memref<128x32xf32, #tpu.memory_space<vmem>>
    tpu.wait_dma2 semaphore(%arg8 : memref<!tpu.dma_semaphore, #tpu.memory_space<semaphore_mem>>) src(%dma_wait3A_2114 : memref<128x32xf32, #tpu.memory_space<vmem>>) dst(%dma_wait3A_2111 : memref<128x32xf32, #tpu.memory_space<hbm>>)
    %dma_wait3A_2115 = arith.constant 3200 : i32
    %dma_wait3A_2116 = arith.constant 0 : i32
    %dma_wait3A_2117 = tpu.memref_slice %arg6[%dma_wait3A_2115, %dma_wait3A_2116] : memref<3328x32xf32, #tpu.memory_space<vmem>> -> memref<128x32xf32, #tpu.memory_space<vmem>>
    %dma_wait3A_2118 = arith.constant 0 : i32
    %dma_wait3A_2119 = tpu.memref_slice %arg4[%select_n3A_1786, %select_n3A_1802, %dma_wait3A_2118] : memref<26x4096x128xf32, #tpu.memory_space<hbm>> -> memref<1x128x32xf32, #tpu.memory_space<hbm>>
    %dma_wait3A_2120 = tpu.memref_squeeze %dma_wait3A_2119 : memref<1x128x32xf32, #tpu.memory_space<hbm>> -> memref<128x32xf32, #tpu.memory_space<hbm>>
    %dma_wait3A_2121 = arith.constant 0 : i32
    %dma_wait3A_2122 = tpu.memref_slice %arg4[%select_n3A_1786, %select_n3A_1802, %dma_wait3A_2121] : memref<26x4096x128xf32, #tpu.memory_space<hbm>> -> memref<1x128x32xf32, #tpu.memory_space<hbm>>
    %dma_wait3A_2123 = tpu.memref_squeeze %dma_wait3A_2122 : memref<1x128x32xf32, #tpu.memory_space<hbm>> -> memref<128x32xf32, #tpu.memory_space<hbm>>
    %dma_wait3A_2124 = arith.constant 3200 : i32
    %dma_wait3A_2125 = arith.constant 0 : i32
    %dma_wait3A_2126 = tpu.memref_slice %arg6[%dma_wait3A_2124, %dma_wait3A_2125] : memref<3328x32xf32, #tpu.memory_space<vmem>> -> memref<128x32xf32, #tpu.memory_space<vmem>>
    tpu.wait_dma2 semaphore(%arg8 : memref<!tpu.dma_semaphore, #tpu.memory_space<semaphore_mem>>) src(%dma_wait3A_2126 : memref<128x32xf32, #tpu.memory_space<vmem>>) dst(%dma_wait3A_2123 : memref<128x32xf32, #tpu.memory_space<hbm>>)
    return
  }
}

</mosaic_0001>

<sc_bundles>
// kernel: kernel.3.cloned.1.call-start
scs
__scs_entry_jumppad:
0x0: {  	(pc) =	sbr.rel $0x88, $3  }
0x1: {  	(tag) =	ssettag $0x0;
	lr =	simm.s32 $0x1  }
0x2: {  	[smem:$0x3F9F] =	sst lr;
	_ =	strace $0xD0000000  }
0x3: {  	_ = 	snop  }
0x4: {  	_ = 	snop  }
0x5: {  	_ = 	snop  }
0x6: {  	_ = 	snop  }
0x7: {  	_ = 	snop  }
__scs_overlays_trampoline_lowered:
0x8: {  	[smem:$0x3FAE] =	sst s0  }
0x9: {  	[smem:$0x3FAF] =	sst s1  }
0xa: {  	[smem:$0x3FB0] =	sst s2  }
0xb: {  	[smem:$0x3FB1] =	sst s3  }
0xc: {  	[smem:$0x3FB2] =	sst s4  }
0xd: {  	[smem:$0x3FB3] =	sst s5  }
0xe: {  	[smem:$0x3FB4] =	sst s6  }
0xf: {  	[smem:$0x3FB5] =	sst s7  }
0x10: {  	[smem:$0x3FB6] =	sst s8  }
0x11: {  	[smem:$0x3FB7] =	sst s9;
	s0 =	simm.s32 @!p0 $0x0  }
0x12: {  	s1 =	sld [smem:$0x3F9D];
	s0 =	simm.s32 @p0 $0x1  }
0x13: {  	[smem:$0x3FB8] =	sst s0;
	s0 =	simm.s32 @!p1 $0x0  }
0x14: {  	s2 =	sld [smem:$0x3F9C];
	s0 =	simm.s32 @p1 $0x1  }
0x15: {  	[smem:$0x3FB9] =	sst s0;
	s0 =	simm.s32 @!p2 $0x0  }
0x16: {  	s3 =	sld [smem:$0x3FDB];
	s0 =	simm.s32 @p2 $0x1  }
0x17: {  	s4 =	simm.s32 $0x1BF5;
	[smem:$0x3FBB] =	sst s0  }
0x18: {  	s0 =	sld [smem:$0x3F9E];
	_ =	swait.ge [sflag:s4], $0x0  }
0x19: {  	s7 =	sld [smem:$0x3F9F]  }
0x1a: {  	s8 =	sadd.s32 $0xFFFFE003, lr  }
0x1b: {  	s9 =	sadd.s32 $0xFFFFFEF7, lr;
	s5 =	simm.s32 $0xFFFFFFFF;
	p2 =	slt.u32 s8, $0xFFFFF086  }
0x1c: {  	p1 =	slt.u32 s9, $0xF7A;
	s5 =	simm.s32 @!p2 $0x0  }
0x1d: {  	s5 =	simm.s32 @p1 $0x1;
	p0 =	seq.s32 s7, s2  }
0x1e: {  	s7 =	smul.u32 @!p0 $0xF7A, s2;
	p2 =	seq.s32 @!p0 s5, $0x0  }
0x1f: {  	s9 =	smul.u32 $0xF7A, s1;
	s8 =	simm.s32 @!p0 $0x1BF5;
	p2 =	por !p2, p0  }
0x20: {  	[sflag:s8] =	ssyncset.s32 @!p0 $0xFFFFF086;
	s6 =	sadd.s32 @!p0 s3, s7;
	s7 =	simm.s32 @!p0 $0x108  }
0x21: {  	s3 =	sadd.s32 s3, s9;
	s6 =	sadd.s32 @!p0 $0x88, s6;
	s7 =	simm.s32 @p2 $0x1082  }
0x22: {  	[simem:s7], [sflag:s8] =	dma.local @!p0 [hbm:s6], $0xF7A  }
0x23: {  	s9 =	sor.u32 $0xD0000000, s2;
	s6 =	simm.s32 $0x108;
	_ =	swait.ge @!p0 [sflag:s8], $0x0  }
0x24: {  	s3 =	sadd.s32 $0x88, s3;
	s6 =	simm.s32 @!p1 $0x1082;
	[sflag:s4] =	ssyncset.s32 $0xFFFFF086  }
0x25: {  	[simem:s6], [sflag:s4] =	dma.local [hbm:s3], $0xF7A  }
0x26: {  	[smem:$0x3F9F] =	sst s1;
	(tag) =	ssettag s2;
	_ =	strace s9  }
0x27: {  	s1 =	sld [smem:$0x3FAF]  }
0x28: {  	s2 =	sld [smem:$0x3FB0]  }
0x29: {  	s4 =	sld [smem:$0x3FB2]  }
0x2a: {  	p0 =	seq.s32 s5, $0x0;
	s5 =	sld [smem:$0x3FB3]  }
0x2b: {  	s6 =	sld [smem:$0x3FB4]  }
0x2c: {  	s7 =	sld [smem:$0x3FB5]  }
0x2d: {  	s3 =	simm.s32 $0x108;
	s8 =	sld [smem:$0x3FB6]  }
0x2e: {  	s3 =	simm.s32 @!p0 $0x1082;
	s9 =	sld [smem:$0x3FB7]  }
0x2f: {  	lr =	sadd.s32 s0, s3;
	s0 =	sld [smem:$0x3FAE]  }
0x30: {  	s3 =	sld [smem:$0x3FB1]  }
0x31: {  	[smem:$0x3FBA] =	sst s10  }
0x32: {  	s10 =	sld [smem:$0x3FB8];
	_ =	sdelay $0x3  }
0x33: {  	p0 =	seq.s32 s10, $0x1;
	s10 =	sld [smem:$0x3FBA];
	_ =	sdelay $0x3  }
0x34: {  	[smem:$0x3FBA] =	sst s10  }
0x35: {  	s10 =	sld [smem:$0x3FB9];
	_ =	sdelay $0x3  }
0x36: {  	p1 =	seq.s32 s10, $0x1;
	s10 =	sld [smem:$0x3FBA];
	_ =	sdelay $0x3  }
0x37: {  	[smem:$0x3FBA] =	sst s10  }
0x38: {  	s10 =	sld [smem:$0x3FBB]  }
0x39: {  	_ = 	snop;
	(pc) =	sbr.ind lr, $3  }
0x3a: {  	_ = 	snop  }
0x3b: {  	_ = 	snop  }
0x3c: {  	p2 =	seq.s32 s10, $0x1;
	s10 =	sld [smem:$0x3FBA]  }
0x3d: {  	_ =	shalt  }
0x3e: {  	_ =	shalt  }
0x3f: {  	_ =	shalt  }
0x40: {  	_ =	shalt  }
0x41: {  	_ =	shalt  }
0x42: {  	_ =	shalt  }
0x43: {  	_ =	shalt  }
0x44: {  	_ =	shalt  }
0x45: {  	_ =	shalt  }
0x46: {  	_ =	shalt  }
0x47: {  	_ =	shalt  }
0x48: {  	_ =	shalt  }
0x49: {  	_ =	shalt  }
0x4a: {  	_ =	shalt  }
0x4b: {  	_ =	shalt  }
0x4c: {  	_ =	shalt  }
0x4d: {  	_ =	shalt  }
0x4e: {  	_ =	shalt  }
0x4f: {  	_ =	shalt  }
0x50: {  	_ =	shalt  }
0x51: {  	_ =	shalt  }
0x52: {  	_ =	shalt  }
0x53: {  	_ =	shalt  }
0x54: {  	_ =	shalt  }
0x55: {  	_ =	shalt  }
0x56: {  	_ =	shalt  }
0x57: {  	_ =	shalt  }
0x58: {  	_ =	shalt  }
0x59: {  	_ =	shalt  }
0x5a: {  	_ =	shalt  }
0x5b: {  	_ =	shalt  }
0x5c: {  	_ =	shalt  }
0x5d: {  	_ =	shalt  }
0x5e: {  	_ =	shalt  }
0x5f: {  	_ =	shalt  }
0x60: {  	_ =	shalt  }
0x61: {  	_ =	shalt  }
0x62: {  	_ =	shalt  }
0x63: {  	_ =	shalt  }
0x64: {  	_ =	shalt  }
0x65: {  	_ =	shalt  }
0x66: {  	_ =	shalt  }
0x67: {  	_ =	shalt  }
0x68: {  	_ =	shalt  }
0x69: {  	_ =	shalt  }
0x6a: {  	_ =	shalt  }
0x6b: {  	_ =	shalt  }
0x6c: {  	_ =	shalt  }
0x6d: {  	_ =	shalt  }
0x6e: {  	_ =	shalt  }
0x6f: {  	_ =	shalt  }
0x70: {  	_ =	shalt  }
0x71: {  	_ =	shalt  }
0x72: {  	_ =	shalt  }
0x73: {  	_ =	shalt  }
0x74: {  	_ =	shalt  }
0x75: {  	_ =	shalt  }
0x76: {  	_ =	shalt  }
0x77: {  	_ =	shalt  }
0x78: {  	_ =	shalt  }
0x79: {  	_ =	shalt  }
0x7a: {  	_ =	shalt  }
0x7b: {  	_ =	shalt  }
0x7c: {  	_ =	shalt  }
0x7d: {  	_ =	shalt  }
0x7e: {  	_ =	shalt  }
0x7f: {  	_ =	shalt  }
0x80: {  	_ =	shalt  }
0x81: {  	_ =	shalt  }
0x82: {  	_ =	shalt  }
0x83: {  	_ =	shalt  }
0x84: {  	_ =	shalt  }
0x85: {  	_ =	shalt  }
0x86: {  	_ =	shalt  }
0x87: {  	_ =	shalt  }
.Lfunc_end0:
.L_simem_size_0:
called_computation_lowered:
.L_overlay_start_0:
0x88: {  	s2 =	sld [smem:$0x3FD9]  }
0x89: {  	s3 =	sld [smem:$0x3FFE];
	_ =	sdelay $0x1  }
0x8a: {  	s1 =	srdreg.scid  }
0x8b: {  	s0 =	sand.u32 $0x1, s1  }
0x8c: {  	s17 =	sshll.u32 s0, $0xA;
	s2 =	sadd.s32 s3, s2  }
0x8d: {  	s2 =	sadd.s32 s2, s17  }
0x8e: {  	[smem:$0x3FC6] =	sst s2  }
0x8f: {  	_ = 	snop  }
0x90: {  	s2 =	sld [smem:$0x3FD0];
	(tm) =	ssettm $0x1  }
0x91: {  	s18 =	sld [smem:$0x3FFB];
	_ =	sdelay $0x3  }
0x92: {  	_ =	strace s18  }
0x93: {  	s3 =	sld [smem:$0x3FFC];
	_ =	sdelay $0x3  }
0x94: {  	_ =	strace s3  }
0x95: {  	s3 =	sld [smem:$0x3FFD];
	_ =	sdelay $0x3  }
0x96: {  	_ =	strace s3  }
0x97: {  	_ =	strace $0x8FFFFFFF  }
0x98: {  	s19 =	sld [smem:$0x3FDB];
	_ =	sdelay $0x1  }
0x99: {  	s4 =	simm.s32 $_scs_section_size  }
0x9a: {  	s5 =	simm.s32 $_size__tile_overlayer_lowered;
	s6 =	simm.s32 $_tile_overlayer_lowered  }
0x9b: {  	s22 =	simm.s32 $0x1BFF;
	s21 =	sshll.u32 s6, $0x1;
	s3 =	sadd.s32 s4, s19  }
0x9c: {  	s7 =	simm.s32 $0x0;
	s20 =	sshll.u32 s5, $0x1;
	s5 =	sadd.s32 s21, s3  }
0x9d: {  	[timem:s7], [sflag:s22] =	dma.local [hbm:s5], s20  }
0x9e: {  	_ =	swait.ge [sflag:s22], s20  }
0x9f: {  	s4 =	ssub.s32 $0x0, s20;
	[sflag:s22] =	ssyncset.done $0x0  }
0xa0: {  	[sflag:s22] =	ssyncadd.s32 s4;
	_ =	sdelay $0x1  }
0xa1: {  	s23 =	simm.s32 $0x1B8B  }
0xa2: {  	_ =	swait.ge [sflag:s23], $0x1  }
0xa3: {  	[sflag:s23] =	ssyncset.done $0x0  }
0xa4: {  	s25 =	simm.s32 $0x1B8E;
	s24 =	sld [smem:$0x3FFE];
	[sflag:s23] =	ssyncadd.s32 $0xFFFFFFFF  }
0xa5: {  	s26 =	simm.s32 $execute0_lowered;
	[smem:$0x3FD2] =	sst s25  }
0xa6: {  	s5 =	sshll.u32 s26, $0x1;
	_ =	strace $0x80000046;
	[dreg:$0x1] =	wrdreg $0xFFFFFFFF  }
0xa7: {  	s28 =	simm.s32 $_size_execute0_lowered;
	s3 =	sadd.s32 s3, s5;
	[dreg:$0x0] =	wrdreg $0x0  }
0xa8: {  	s5 =	sshll.u32 s28, $0x1;
	[dreg:$0x2] =	wrdreg s3  }
0xa9: {  	[dreg:$0x3] =	wrdreg s5  }
0xaa: {  	[dreg:$0x4] =	wrdreg $0xC0  }
0xab: {  	_ =	task [dreg:s7], $0x5FFFF  }
0xac: {  	[dreg:$0x1] =	wrdreg $0xFFFFFFFF  }
0xad: {  	[dreg:$0x0] =	wrdreg $0x60  }
0xae: {  	[dreg:$0x2] =	wrdreg s24  }
0xaf: {  	[dreg:$0x3] =	wrdreg s2  }
0xb0: {  	[dreg:$0x4] =	wrdreg $0x9  }
0xb1: {  	_ =	task.clear_ibuf [dreg:s7], $0x5FFFF;
	_ =	strace $0x90000046  }
0xb2: {  	s29 =	simm.s32 $0x9;
	_ =	strace $0x80000048  }
0xb3: {  	_ =	swait.ge [sflag:s29], $0x1  }
0xb4: {  	[sflag:s29] =	ssyncadd.s32 $0xFFFFFFFF  }
0xb5: {  	_ =	strace $0x90000048  }
0xb6: {  	_ =	sfence  }
0xb7: {  	s30 =	sld [smem:$0x0];
	_ =	sdelay $0x2  }
0xb8: {  	s31 =	sshll.u32 s1, $0xD;
	s1 =	sshrl.u32 s1, $0x2  }
0xb9: {  	s3 =	sand.u32 $0x4000, s31;
	s1 =	sadd.s32 s1, s30  }
0xba: {  	s0 =	sor.u32 s3, s0;
	s1 =	sshll.u32 s1, $0x11  }
0xbb: {  	s0 =	sor.u32 s1, s0  }
0xbc: {  	s0 =	sadd.s32 $0x8F2B, s0  }
0xbd: {  	[sflag:s0] =	ssyncadd.remote.s32 $0x1  }
0xbe: {  	_ =	sfence.sel $0xFFFF  }
0xbf: {  	[dreg:$0x0] =	wrdreg $0xFFFFFFFF;
	(pc) =	sbr.abs _section_cstart, $3  }
0xc0: {  	[dreg:$0x1] =	wrdreg $0xFFFFFFFF  }
0xc1: {  	_ =	task.clear_ibuf [dreg:s7], $0x2FFFF;
	_ =	strace $0x9FFFFFFF  }
0xc2: {  	(tm) =	ssettm $0x7FFFFFFF  }
0xc3: {  	_ =	shalt  }
tec
execute0_lowered:
.L_overlay_start_1:
0x0: {  	(tag) =	ssettag $0x1  }
0x1: {  	s0 =	srdreg.scid;
	s7 =	stileid.u32  }
0x2: {  	s0 =	sand.u32 $0x1, s0;
	s3 =	sshll.u32 s7, $0x1;
	s9 =	smul.u32 $0x1A00, s7  }
0x3: {  	s3 =	sor.u32 s0, s3;
	s5 =	ssub.s32 $0x2, s0;
	s0 =	smul.u32 $0xD00, s0  }
0x4: {  	s1 =	rddreg [dreg:$0x0];
	s8 =	simm.s32 $0x0;
	s4 =	smul.u32 $0xD00, s3  }
0x5: {  	[smem:$0x7FF] =	sst s8;
	s3 =	smul.u32 $0x68000, s3  }
0x6: {  	s2 =	rddreg [dreg:$0x1];
	_ =	strace $0x80000047;
	s4 =	sshrl.u32 s4, $0x3  }
0x7: {  	s0 =	sadd.s32 s0, s9;
	s3 =	sshrl.u32 s3, $0x3;
	s4 =	sadd.s32 s4, s1  }
0x8: {  	[dreg:$0x1f] =	wrdreg s0;
	s1 =	sadd.s32 s3, s1;
	s4 =	sadd.s32 $0x800, s4  }
0x9: {  	s19 =	sadd.s32 $0x3C00, s1;
	[dreg:$0x3] =	wrdreg s4  }
0xa: {  	s20 =	sadd.s32 $0x4400, s1;
	[dreg:$0x4] =	wrdreg s19  }
0xb: {  	s21 =	sadd.s32 $0x4C00, s1;
	[dreg:$0x5] =	wrdreg s20  }
0xc: {  	s22 =	sadd.s32 $0x5400, s1;
	[dreg:$0x6] =	wrdreg s21  }
0xd: {  	s23 =	sadd.s32 $0x5C00, s1;
	[dreg:$0x7] =	wrdreg s22  }
0xe: {  	s24 =	sadd.s32 $0x6400, s1;
	[dreg:$0x8] =	wrdreg s23  }
0xf: {  	s25 =	sadd.s32 $0x6C00, s1;
	[dreg:$0x9] =	wrdreg s24  }
0x10: {  	s6 =	sshrl.u32 s5, $0x1;
	s26 =	sadd.s32 $0x7400, s1;
	[dreg:$0xa] =	wrdreg s25  }
0x11: {  	s3 =	ssub.s32 s5, s6;
	s5 =	sadd.s32 $0x7C00, s1;
	[dreg:$0xb] =	wrdreg s26  }
0x12: {  	s6 =	sadd.s32 $0x8400, s1;
	[dreg:$0xc] =	wrdreg s5  }
0x13: {  	s10 =	sadd.s32 $0x8C00, s1;
	[dreg:$0xd] =	wrdreg s6  }
0x14: {  	s11 =	sadd.s32 $0x9400, s1;
	[dreg:$0xe] =	wrdreg s10  }
0x15: {  	s12 =	sadd.s32 $0x9C00, s1;
	[dreg:$0xf] =	wrdreg s11  }
0x16: {  	s28 =	simm.s32 $0x10D00;
	s13 =	sadd.s32 $0xA400, s1;
	[dreg:$0x10] =	wrdreg s12  }
0x17: {  	s29 =	simm.s32 $0x11D00;
	s14 =	sadd.s32 $0xAC00, s1;
	[dreg:$0x11] =	wrdreg s13  }
0x18: {  	s30 =	simm.s32 $0x12D00;
	s15 =	sadd.s32 $0xB400, s1;
	[dreg:$0x12] =	wrdreg s14  }
0x19: {  	s31 =	simm.s32 $0x14D00;
	s16 =	sadd.s32 $0xBC00, s1;
	[dreg:$0x13] =	wrdreg s15  }
0x1a: {  	s7 =	simm.s32 $0x0;
	s17 =	sadd.s32 $0xC400, s1;
	[dreg:$0x14] =	wrdreg s16  }
0x1b: {  	s0 =	simm.s32 $0x2;
	s18 =	sadd.s32 $0xCC00, s1;
	[dreg:$0x15] =	wrdreg s17  }
0x1c: {  	[dreg:$0x16] =	wrdreg s18;
	s19 =	sadd.s32 $0xD400, s1;
	s20 =	sadd.s32 $0xDC00, s1  }
0x1d: {  	s21 =	sadd.s32 $0xE400, s1;
	s22 =	sadd.s32 $0xEC00, s1;
	s23 =	sadd.s32 $0xF400, s1  }
0x1e: {  	s24 =	sadd.s32 $0xFC00, s1;
	s25 =	sadd.s32 $0x10400, s1;
	[dreg:$0x17] =	wrdreg s19  }
0x1f: {  	s26 =	smax.u32 s3, $0x1;
	s4 =	simm.s32 $0x80;
	[dreg:$0x18] =	wrdreg s20  }
0x20: {  	s6 =	simm.s32 $0x1;
	s1 =	simm.s32 $0x20;
	[dreg:$0x19] =	wrdreg s21  }
0x21: {  	s11 =	simm.s32 $0x1D00;
	s12 =	simm.s32 $0x2D00;
	[dreg:$0x1a] =	wrdreg s22  }
0x22: {  	s13 =	simm.s32 $0x3D00;
	s14 =	simm.s32 $0x4D00;
	[dreg:$0x1b] =	wrdreg s23  }
0x23: {  	s15 =	simm.s32 $0x5D00;
	s16 =	simm.s32 $0x6D00;
	[dreg:$0x1c] =	wrdreg s24  }
0x24: {  	s17 =	simm.s32 $0x7D00;
	s18 =	simm.s32 $0x8D00;
	[dreg:$0x1d] =	wrdreg s25  }
0x25: {  	s5 =	simm.s32 $0x13D00;
	[dreg:$0x1e] =	wrdreg s26;
	s19 =	simm.s32 $0x9D00  }
0x26: {  	s20 =	simm.s32 $0xAD00;
	s21 =	simm.s32 $0xBD00;
	s23 =	simm.s32 $0xCD00  }
0x27: {  	s24 =	simm.s32 $0xDD00;
	s25 =	simm.s32 $0xED00;
	s26 =	simm.s32 $0xFD00  }
.LBB2_1:
0x28: {  	s9 =	rddreg [dreg:$0x3];
	s3 =	simm.s32 $0x3  }
0x29: {  	[tilespmem:s8], [sflag:$0x3] =	stream.linear.gather [hbm4b:s9+s8], $0xD00, $0x38;
	[tilespmem:$0x1AD00] =	vst v63  }
0x2a: {  	_ =	swait.ge [sflag:s3], $0xD00  }
0x2b: {  	[sflag:s3] =	ssyncset.done $0x0;
	s22 =	rddreg [dreg:$0x1f]  }
0x2c: {  	s8 =	simm.s32 $0x0;
	s9 =	simm.s32 $0x40;
	[sflag:s3] =	ssyncadd.s32 $0xFFFFF300;
	v0 =	vmov s22  }
.LBB2_2:
0x2d: {  	p0 =	sne.s32 s9, $0x33C0;
	v0 =	vshrl.u32 v0, $0xC;
	v1 =	vld [tilespmem:s8+$0x0]  }
0x2e: {  	v0 =	vmul.u32 $0x3E8, v0  }
.Ltmp0:
0x2f: {  	(pc) =	sbr.rel @p0 .LBB2_2-.Ltmp0, $3  }
0x30: {  	v0 =	vbroadcast v0, $0x0;
	_ =	sdelay $0x1  }
0x31: {  	s22 =	sadd.s32 $0x10, s22;
	v1 =	vadd.s32 v0, v1  }
0x32: {  	v0 =	vmov s22;
	[tilespmem:s8+$0x0] =	vst v1;
	s8 =	sshra.s32 s9, $0x2;
	s9 =	sadd.s32 $0x40, s9  }
0x33: {  	v0 =	vshrl.u32 v0, $0xC;
	v1 =	vld [tilespmem:s8+$0x0]  }
0x34: {  	v0 =	vmul.u32 $0x3E8, v0;
	_ =	sdelay $0x1  }
0x35: {  	v0 =	vbroadcast v0, $0x0;
	_ =	sdelay $0x1  }
0x36: {  	v0 =	vadd.s32 v0, v1  }
0x37: {  	s22 =	simm.s32 $0xD00;
	[tilespmem:s8+$0x0] =	vst v0;
	s8 =	simm.s32 $0x0  }
0x38: {  	[tilespmem:s22], [sflag:$0x1] =	stream.indirect.gather [hbm4b:s2+s4], $0x20, s8, s4, $0xb8;
	[tilespmem:$0x1AD00] =	vst v63  }
0x39: {  	_ = 	snop  }
0x3a: {  	[tilespmem:s11], [sflag:$0x1] =	stream.indirect.gather [hbm4b:s2+s4], $0x20, s4, s4, $0xb8;
	[tilespmem:$0x1AD00] =	vst v63  }
0x3b: {  	s9 =	simm.s32 $0x100  }
0x3c: {  	[tilespmem:s12], [sflag:$0x1] =	stream.indirect.gather [hbm4b:s2+s4], $0x20, s9, s4, $0xb8;
	[tilespmem:$0x1AD00] =	vst v63  }
0x3d: {  	s10 =	simm.s32 $0x180  }
0x3e: {  	[tilespmem:s13], [sflag:$0x1] =	stream.indirect.gather [hbm4b:s2+s4], $0x20, s10, s4, $0xb8;
	[tilespmem:$0x1AD00] =	vst v63  }
0x3f: {  	s3 =	simm.s32 $0x200  }
0x40: {  	[tilespmem:s14], [sflag:$0x1] =	stream.indirect.gather [hbm4b:s2+s4], $0x20, s3, s4, $0xb8;
	[tilespmem:$0x1AD00] =	vst v63  }
0x41: {  	s10 =	simm.s32 $0x280  }
0x42: {  	[tilespmem:s15], [sflag:$0x1] =	stream.indirect.gather [hbm4b:s2+s4], $0x20, s10, s4, $0xb8;
	[tilespmem:$0x1AD00] =	vst v63  }
0x43: {  	s3 =	simm.s32 $0x300  }
0x44: {  	[tilespmem:s16], [sflag:$0x1] =	stream.indirect.gather [hbm4b:s2+s4], $0x20, s3, s4, $0xb8;
	[tilespmem:$0x1AD00] =	vst v63  }
0x45: {  	s10 =	simm.s32 $0x380  }
0x46: {  	[tilespmem:s17], [sflag:$0x1] =	stream.indirect.gather [hbm4b:s2+s4], $0x20, s10, s4, $0xb8;
	[tilespmem:$0x1AD00] =	vst v63  }
0x47: {  	s3 =	simm.s32 $0x400  }
0x48: {  	[tilespmem:s18], [sflag:$0x1] =	stream.indirect.gather [hbm4b:s2+s4], $0x20, s3, s4, $0xb8;
	[tilespmem:$0x1AD00] =	vst v63  }
0x49: {  	s10 =	simm.s32 $0x480  }
0x4a: {  	[tilespmem:s19], [sflag:$0x1] =	stream.indirect.gather [hbm4b:s2+s4], $0x20, s10, s4, $0xb8;
	[tilespmem:$0x1AD00] =	vst v63  }
0x4b: {  	s3 =	simm.s32 $0x500  }
0x4c: {  	[tilespmem:s20], [sflag:$0x1] =	stream.indirect.gather [hbm4b:s2+s4], $0x20, s3, s4, $0xb8;
	[tilespmem:$0x1AD00] =	vst v63  }
0x4d: {  	s10 =	simm.s32 $0x580  }
0x4e: {  	[tilespmem:s21], [sflag:$0x1] =	stream.indirect.gather [hbm4b:s2+s4], $0x20, s10, s4, $0xb8;
	[tilespmem:$0x1AD00] =	vst v63  }
0x4f: {  	s3 =	simm.s32 $0x600  }
0x50: {  	[tilespmem:s23], [sflag:$0x1] =	stream.indirect.gather [hbm4b:s2+s4], $0x20, s3, s4, $0xb8;
	[tilespmem:$0x1AD00] =	vst v63  }
0x51: {  	s10 =	simm.s32 $0x680  }
0x52: {  	[tilespmem:s24], [sflag:$0x1] =	stream.indirect.gather [hbm4b:s2+s4], $0x20, s10, s4, $0xb8;
	[tilespmem:$0x1AD00] =	vst v63  }
0x53: {  	s3 =	simm.s32 $0x700  }
0x54: {  	[tilespmem:s25], [sflag:$0x1] =	stream.indirect.gather [hbm4b:s2+s4], $0x20, s3, s4, $0xb8;
	[tilespmem:$0x1AD00] =	vst v63  }
0x55: {  	s10 =	simm.s32 $0x780  }
0x56: {  	[tilespmem:s26], [sflag:$0x1] =	stream.indirect.gather [hbm4b:s2+s4], $0x20, s10, s4, $0xb8;
	[tilespmem:$0x1AD00] =	vst v63  }
0x57: {  	s3 =	simm.s32 $0x800  }
0x58: {  	[tilespmem:s28], [sflag:$0x1] =	stream.indirect.gather [hbm4b:s2+s4], $0x20, s3, s4, $0xb8;
	[tilespmem:$0x1AD00] =	vst v63  }
0x59: {  	s10 =	simm.s32 $0x880  }
0x5a: {  	[tilespmem:s29], [sflag:$0x1] =	stream.indirect.gather [hbm4b:s2+s4], $0x20, s10, s4, $0xb8;
	[tilespmem:$0x1AD00] =	vst v63  }
0x5b: {  	s3 =	simm.s32 $0x900  }
0x5c: {  	[tilespmem:s30], [sflag:$0x1] =	stream.indirect.gather [hbm4b:s2+s4], $0x20, s3, s4, $0xb8;
	[tilespmem:$0x1AD00] =	vst v63  }
0x5d: {  	s10 =	simm.s32 $0x980  }
0x5e: {  	[tilespmem:s5], [sflag:$0x1] =	stream.indirect.gather [hbm4b:s2+s4], $0x20, s10, s4, $0xb8;
	[tilespmem:$0x1AD00] =	vst v63  }
0x5f: {  	s3 =	simm.s32 $0xA00  }
0x60: {  	[tilespmem:s31], [sflag:$0x1] =	stream.indirect.gather [hbm4b:s2+s4], $0x20, s3, s4, $0xb8;
	[tilespmem:$0x1AD00] =	vst v63  }
0x61: {  	s10 =	simm.s32 $0xA80;
	s3 =	simm.s32 $0x15D00  }
0x62: {  	[tilespmem:s3], [sflag:$0x1] =	stream.indirect.gather [hbm4b:s2+s4], $0x20, s10, s4, $0xb8;
	[tilespmem:$0x1AD00] =	vst v63  }
0x63: {  	s9 =	simm.s32 $0xB00;
	s10 =	simm.s32 $0x16D00  }
0x64: {  	[tilespmem:s10], [sflag:$0x1] =	stream.indirect.gather [hbm4b:s2+s4], $0x20, s9, s4, $0xb8;
	[tilespmem:$0x1AD00] =	vst v63  }
0x65: {  	s9 =	simm.s32 $0xB80;
	s10 =	simm.s32 $0x17D00  }
0x66: {  	[tilespmem:s10], [sflag:$0x1] =	stream.indirect.gather [hbm4b:s2+s4], $0x20, s9, s4, $0xb8;
	[tilespmem:$0x1AD00] =	vst v63  }
0x67: {  	s9 =	simm.s32 $0xC00;
	s10 =	simm.s32 $0x18D00  }
0x68: {  	[tilespmem:s10], [sflag:$0x1] =	stream.indirect.gather [hbm4b:s2+s4], $0x20, s9, s4, $0xb8;
	[tilespmem:$0x1AD00] =	vst v63  }
0x69: {  	s9 =	simm.s32 $0xC80;
	s10 =	simm.s32 $0x19D00  }
0x6a: {  	[tilespmem:s10], [sflag:$0x1] =	stream.indirect.gather [hbm4b:s2+s4], $0x20, s9, s4, $0xb8;
	[tilespmem:$0x1AD00] =	vst v63  }
0x6b: {  	_ =	swait.ge [sflag:s6], $0x1000  }
0x6c: {  	[sflag:s6] =	ssyncset.done $0x0  }
0x6d: {  	s9 =	rddreg [dreg:$0x4];
	[sflag:s6] =	ssyncadd.s32 $0xFFFFF000  }
0x6e: {  	[hbm4b:s9+s1] =	stream.strided.scatter [tilespmem:s22], [sflag:$0x2], $0x1000, s4, s1, $0x38;
	[tilespmem:$0x1AD00] =	vst v63  }
0x6f: {  	_ =	swait.ge [sflag:s6], $0x1000  }
0x70: {  	[sflag:s6] =	ssyncset.done $0x0  }
0x71: {  	s22 =	rddreg [dreg:$0x5];
	[sflag:s6] =	ssyncadd.s32 $0xFFFFF000  }
0x72: {  	[hbm4b:s22+s1] =	stream.strided.scatter [tilespmem:s11], [sflag:$0x2], $0x1000, s4, s1, $0x38;
	[tilespmem:$0x1AD00] =	vst v63  }
0x73: {  	_ =	swait.ge [sflag:s6], $0x1000  }
0x74: {  	[sflag:s6] =	ssyncset.done $0x0  }
0x75: {  	s22 =	rddreg [dreg:$0x6];
	[sflag:s6] =	ssyncadd.s32 $0xFFFFF000  }
0x76: {  	[hbm4b:s22+s1] =	stream.strided.scatter [tilespmem:s12], [sflag:$0x2], $0x1000, s4, s1, $0x38;
	[tilespmem:$0x1AD00] =	vst v63  }
0x77: {  	_ =	swait.ge [sflag:s6], $0x1000  }
0x78: {  	[sflag:s6] =	ssyncset.done $0x0  }
0x79: {  	s22 =	rddreg [dreg:$0x7];
	[sflag:s6] =	ssyncadd.s32 $0xFFFFF000  }
0x7a: {  	[hbm4b:s22+s1] =	stream.strided.scatter [tilespmem:s13], [sflag:$0x2], $0x1000, s4, s1, $0x38;
	[tilespmem:$0x1AD00] =	vst v63  }
0x7b: {  	_ =	swait.ge [sflag:s6], $0x1000  }
0x7c: {  	[sflag:s6] =	ssyncset.done $0x0  }
0x7d: {  	s22 =	rddreg [dreg:$0x8];
	[sflag:s6] =	ssyncadd.s32 $0xFFFFF000  }
0x7e: {  	[hbm4b:s22+s1] =	stream.strided.scatter [tilespmem:s14], [sflag:$0x2], $0x1000, s4, s1, $0x38;
	[tilespmem:$0x1AD00] =	vst v63  }
0x7f: {  	_ =	swait.ge [sflag:s6], $0x1000  }
0x80: {  	[sflag:s6] =	ssyncset.done $0x0  }
0x81: {  	s22 =	rddreg [dreg:$0x9];
	[sflag:s6] =	ssyncadd.s32 $0xFFFFF000  }
0x82: {  	[hbm4b:s22+s1] =	stream.strided.scatter [tilespmem:s15], [sflag:$0x2], $0x1000, s4, s1, $0x38;
	[tilespmem:$0x1AD00] =	vst v63  }
0x83: {  	_ =	swait.ge [sflag:s6], $0x1000  }
0x84: {  	[sflag:s6] =	ssyncset.done $0x0  }
0x85: {  	s22 =	rddreg [dreg:$0xa];
	[sflag:s6] =	ssyncadd.s32 $0xFFFFF000  }
0x86: {  	[hbm4b:s22+s1] =	stream.strided.scatter [tilespmem:s16], [sflag:$0x2], $0x1000, s4, s1, $0x38;
	[tilespmem:$0x1AD00] =	vst v63  }
0x87: {  	_ =	swait.ge [sflag:s6], $0x1000  }
0x88: {  	[sflag:s6] =	ssyncset.done $0x0  }
0x89: {  	s22 =	rddreg [dreg:$0xb];
	[sflag:s6] =	ssyncadd.s32 $0xFFFFF000  }
0x8a: {  	[hbm4b:s22+s1] =	stream.strided.scatter [tilespmem:s17], [sflag:$0x2], $0x1000, s4, s1, $0x38;
	[tilespmem:$0x1AD00] =	vst v63  }
0x8b: {  	_ =	swait.ge [sflag:s6], $0x1000  }
0x8c: {  	[sflag:s6] =	ssyncset.done $0x0  }
0x8d: {  	s22 =	rddreg [dreg:$0xc];
	[sflag:s6] =	ssyncadd.s32 $0xFFFFF000  }
0x8e: {  	[hbm4b:s22+s1] =	stream.strided.scatter [tilespmem:s18], [sflag:$0x2], $0x1000, s4, s1, $0x38;
	[tilespmem:$0x1AD00] =	vst v63  }
0x8f: {  	_ =	swait.ge [sflag:s6], $0x1000  }
0x90: {  	[sflag:s6] =	ssyncset.done $0x0  }
0x91: {  	s22 =	rddreg [dreg:$0xd];
	[sflag:s6] =	ssyncadd.s32 $0xFFFFF000  }
0x92: {  	[hbm4b:s22+s1] =	stream.strided.scatter [tilespmem:s19], [sflag:$0x2], $0x1000, s4, s1, $0x38;
	[tilespmem:$0x1AD00] =	vst v63  }
0x93: {  	_ =	swait.ge [sflag:s6], $0x1000  }
0x94: {  	[sflag:s6] =	ssyncset.done $0x0  }
0x95: {  	s22 =	rddreg [dreg:$0xe];
	[sflag:s6] =	ssyncadd.s32 $0xFFFFF000  }
0x96: {  	[hbm4b:s22+s1] =	stream.strided.scatter [tilespmem:s20], [sflag:$0x2], $0x1000, s4, s1, $0x38;
	[tilespmem:$0x1AD00] =	vst v63  }
0x97: {  	_ =	swait.ge [sflag:s6], $0x1000  }
0x98: {  	[sflag:s6] =	ssyncset.done $0x0  }
0x99: {  	s22 =	rddreg [dreg:$0xf];
	[sflag:s6] =	ssyncadd.s32 $0xFFFFF000  }
0x9a: {  	[hbm4b:s22+s1] =	stream.strided.scatter [tilespmem:s21], [sflag:$0x2], $0x1000, s4, s1, $0x38;
	[tilespmem:$0x1AD00] =	vst v63  }
0x9b: {  	_ =	swait.ge [sflag:s6], $0x1000  }
0x9c: {  	[sflag:s6] =	ssyncset.done $0x0  }
0x9d: {  	s22 =	rddreg [dreg:$0x10];
	[sflag:s6] =	ssyncadd.s32 $0xFFFFF000  }
0x9e: {  	[hbm4b:s22+s1] =	stream.strided.scatter [tilespmem:s23], [sflag:$0x2], $0x1000, s4, s1, $0x38;
	[tilespmem:$0x1AD00] =	vst v63  }
0x9f: {  	_ =	swait.ge [sflag:s6], $0x1000  }
0xa0: {  	[sflag:s6] =	ssyncset.done $0x0  }
0xa1: {  	s22 =	rddreg [dreg:$0x11];
	[sflag:s6] =	ssyncadd.s32 $0xFFFFF000  }
0xa2: {  	[hbm4b:s22+s1] =	stream.strided.scatter [tilespmem:s24], [sflag:$0x2], $0x1000, s4, s1, $0x38;
	[tilespmem:$0x1AD00] =	vst v63  }
0xa3: {  	_ =	swait.ge [sflag:s6], $0x1000  }
0xa4: {  	[sflag:s6] =	ssyncset.done $0x0  }
0xa5: {  	s22 =	rddreg [dreg:$0x12];
	[sflag:s6] =	ssyncadd.s32 $0xFFFFF000  }
0xa6: {  	[hbm4b:s22+s1] =	stream.strided.scatter [tilespmem:s25], [sflag:$0x2], $0x1000, s4, s1, $0x38;
	[tilespmem:$0x1AD00] =	vst v63  }
0xa7: {  	_ =	swait.ge [sflag:s6], $0x1000  }
0xa8: {  	[sflag:s6] =	ssyncset.done $0x0  }
0xa9: {  	s22 =	rddreg [dreg:$0x13];
	[sflag:s6] =	ssyncadd.s32 $0xFFFFF000  }
0xaa: {  	[hbm4b:s22+s1] =	stream.strided.scatter [tilespmem:s26], [sflag:$0x2], $0x1000, s4, s1, $0x38;
	[tilespmem:$0x1AD00] =	vst v63  }
0xab: {  	_ =	swait.ge [sflag:s6], $0x1000  }
0xac: {  	[sflag:s6] =	ssyncset.done $0x0  }
0xad: {  	s22 =	rddreg [dreg:$0x14];
	[sflag:s6] =	ssyncadd.s32 $0xFFFFF000  }
0xae: {  	[hbm4b:s22+s1] =	stream.strided.scatter [tilespmem:s28], [sflag:$0x2], $0x1000, s4, s1, $0x38;
	[tilespmem:$0x1AD00] =	vst v63  }
0xaf: {  	_ =	swait.ge [sflag:s6], $0x1000  }
0xb0: {  	[sflag:s6] =	ssyncset.done $0x0  }
0xb1: {  	s22 =	rddreg [dreg:$0x15];
	[sflag:s6] =	ssyncadd.s32 $0xFFFFF000  }
0xb2: {  	[hbm4b:s22+s1] =	stream.strided.scatter [tilespmem:s29], [sflag:$0x2], $0x1000, s4, s1, $0x38;
	[tilespmem:$0x1AD00] =	vst v63  }
0xb3: {  	_ =	swait.ge [sflag:s6], $0x1000  }
0xb4: {  	[sflag:s6] =	ssyncset.done $0x0  }
0xb5: {  	s22 =	rddreg [dreg:$0x16];
	[sflag:s6] =	ssyncadd.s32 $0xFFFFF000  }
0xb6: {  	[hbm4b:s22+s1] =	stream.strided.scatter [tilespmem:s30], [sflag:$0x2], $0x1000, s4, s1, $0x38;
	[tilespmem:$0x1AD00] =	vst v63  }
0xb7: {  	_ =	swait.ge [sflag:s6], $0x1000  }
0xb8: {  	[sflag:s6] =	ssyncset.done $0x0  }
0xb9: {  	s22 =	rddreg [dreg:$0x17];
	[sflag:s6] =	ssyncadd.s32 $0xFFFFF000  }
0xba: {  	[hbm4b:s22+s1] =	stream.strided.scatter [tilespmem:s5], [sflag:$0x2], $0x1000, s4, s1, $0x38;
	[tilespmem:$0x1AD00] =	vst v63  }
0xbb: {  	_ =	swait.ge [sflag:s6], $0x1000  }
0xbc: {  	[sflag:s6] =	ssyncset.done $0x0  }
0xbd: {  	s22 =	rddreg [dreg:$0x18];
	[sflag:s6] =	ssyncadd.s32 $0xFFFFF000  }
0xbe: {  	[hbm4b:s22+s1] =	stream.strided.scatter [tilespmem:s31], [sflag:$0x2], $0x1000, s4, s1, $0x38;
	[tilespmem:$0x1AD00] =	vst v63  }
0xbf: {  	_ =	swait.ge [sflag:s6], $0x1000  }
0xc0: {  	[sflag:s6] =	ssyncset.done $0x0  }
0xc1: {  	s22 =	rddreg [dreg:$0x19];
	[sflag:s6] =	ssyncadd.s32 $0xFFFFF000  }
0xc2: {  	[hbm4b:s22+s1] =	stream.strided.scatter [tilespmem:s3], [sflag:$0x2], $0x1000, s4, s1, $0x38;
	[tilespmem:$0x1AD00] =	vst v63  }
0xc3: {  	_ =	swait.ge [sflag:s6], $0x1000  }
0xc4: {  	[sflag:s6] =	ssyncset.done $0x0  }
0xc5: {  	s22 =	simm.s32 $0x16D00;
	s3 =	rddreg [dreg:$0x1a];
	[sflag:s6] =	ssyncadd.s32 $0xFFFFF000  }
0xc6: {  	[hbm4b:s3+s1] =	stream.strided.scatter [tilespmem:s22], [sflag:$0x2], $0x1000, s4, s1, $0x38;
	[tilespmem:$0x1AD00] =	vst v63  }
0xc7: {  	_ =	swait.ge [sflag:s6], $0x1000  }
0xc8: {  	[sflag:s6] =	ssyncset.done $0x0  }
0xc9: {  	s22 =	simm.s32 $0x17D00;
	s3 =	rddreg [dreg:$0x1b];
	[sflag:s6] =	ssyncadd.s32 $0xFFFFF000  }
0xca: {  	[hbm4b:s3+s1] =	stream.strided.scatter [tilespmem:s22], [sflag:$0x2], $0x1000, s4, s1, $0x38;
	[tilespmem:$0x1AD00] =	vst v63  }
0xcb: {  	_ =	swait.ge [sflag:s6], $0x1000  }
0xcc: {  	[sflag:s6] =	ssyncset.done $0x0  }
0xcd: {  	s22 =	simm.s32 $0x18D00;
	s3 =	rddreg [dreg:$0x1c];
	[sflag:s6] =	ssyncadd.s32 $0xFFFFF000  }
0xce: {  	[hbm4b:s3+s1] =	stream.strided.scatter [tilespmem:s22], [sflag:$0x2], $0x1000, s4, s1, $0x38;
	[tilespmem:$0x1AD00] =	vst v63  }
0xcf: {  	_ =	swait.ge [sflag:s6], $0x1000  }
0xd0: {  	[sflag:s6] =	ssyncset.done $0x0  }
0xd1: {  	s10 =	simm.s32 $0x19D00;
	s3 =	rddreg [dreg:$0x1d];
	[sflag:s6] =	ssyncadd.s32 $0xFFFFF000  }
0xd2: {  	[hbm4b:s3+s1] =	stream.strided.scatter [tilespmem:s10], [sflag:$0x2], $0x1000, s4, s1, $0x38;
	[tilespmem:$0x1AD00] =	vst v63  }
0xd3: {  	_ =	swait.ge [sflag:s0], $0x1000  }
0xd4: {  	[sflag:s0] =	ssyncset.done $0x0  }
0xd5: {  	[sflag:s0] =	ssyncadd.s32 $0xFFFFF000  }
0xd6: {  	_ =	swait.ge [sflag:s0], $0x1000  }
0xd7: {  	[sflag:s0] =	ssyncset.done $0x0  }
0xd8: {  	[sflag:s0] =	ssyncadd.s32 $0xFFFFF000  }
0xd9: {  	_ =	swait.ge [sflag:s0], $0x1000  }
0xda: {  	[sflag:s0] =	ssyncset.done $0x0  }
0xdb: {  	[sflag:s0] =	ssyncadd.s32 $0xFFFFF000  }
0xdc: {  	_ =	swait.ge [sflag:s0], $0x1000  }
0xdd: {  	[sflag:s0] =	ssyncset.done $0x0  }
0xde: {  	[sflag:s0] =	ssyncadd.s32 $0xFFFFF000  }
0xdf: {  	_ =	swait.ge [sflag:s0], $0x1000  }
0xe0: {  	[sflag:s0] =	ssyncset.done $0x0  }
0xe1: {  	[sflag:s0] =	ssyncadd.s32 $0xFFFFF000  }
0xe2: {  	_ =	swait.ge [sflag:s0], $0x1000  }
0xe3: {  	[sflag:s0] =	ssyncset.done $0x0  }
0xe4: {  	[sflag:s0] =	ssyncadd.s32 $0xFFFFF000  }
0xe5: {  	_ =	swait.ge [sflag:s0], $0x1000  }
0xe6: {  	[sflag:s0] =	ssyncset.done $0x0  }
0xe7: {  	[sflag:s0] =	ssyncadd.s32 $0xFFFFF000  }
0xe8: {  	_ =	swait.ge [sflag:s0], $0x1000  }
0xe9: {  	[sflag:s0] =	ssyncset.done $0x0  }
0xea: {  	[sflag:s0] =	ssyncadd.s32 $0xFFFFF000  }
0xeb: {  	_ =	swait.ge [sflag:s0], $0x1000  }
0xec: {  	[sflag:s0] =	ssyncset.done $0x0  }
0xed: {  	[sflag:s0] =	ssyncadd.s32 $0xFFFFF000  }
0xee: {  	_ =	swait.ge [sflag:s0], $0x1000  }
0xef: {  	[sflag:s0] =	ssyncset.done $0x0  }
0xf0: {  	[sflag:s0] =	ssyncadd.s32 $0xFFFFF000  }
0xf1: {  	_ =	swait.ge [sflag:s0], $0x1000  }
0xf2: {  	[sflag:s0] =	ssyncset.done $0x0  }
0xf3: {  	[sflag:s0] =	ssyncadd.s32 $0xFFFFF000  }
0xf4: {  	_ =	swait.ge [sflag:s0], $0x1000  }
0xf5: {  	[sflag:s0] =	ssyncset.done $0x0  }
0xf6: {  	[sflag:s0] =	ssyncadd.s32 $0xFFFFF000  }
0xf7: {  	_ =	swait.ge [sflag:s0], $0x1000  }
0xf8: {  	[sflag:s0] =	ssyncset.done $0x0  }
0xf9: {  	[sflag:s0] =	ssyncadd.s32 $0xFFFFF000  }
0xfa: {  	_ =	swait.ge [sflag:s0], $0x1000  }
0xfb: {  	[sflag:s0] =	ssyncset.done $0x0  }
0xfc: {  	[sflag:s0] =	ssyncadd.s32 $0xFFFFF000  }
0xfd: {  	_ =	swait.ge [sflag:s0], $0x1000  }
0xfe: {  	[sflag:s0] =	ssyncset.done $0x0  }
0xff: {  	[sflag:s0] =	ssyncadd.s32 $0xFFFFF000  }
0x100: {  	_ =	swait.ge [sflag:s0], $0x1000  }
0x101: {  	[sflag:s0] =	ssyncset.done $0x0  }
0x102: {  	[sflag:s0] =	ssyncadd.s32 $0xFFFFF000  }
0x103: {  	_ =	swait.ge [sflag:s0], $0x1000  }
0x104: {  	[sflag:s0] =	ssyncset.done $0x0  }
0x105: {  	[sflag:s0] =	ssyncadd.s32 $0xFFFFF000  }
0x106: {  	_ =	swait.ge [sflag:s0], $0x1000  }
0x107: {  	[sflag:s0] =	ssyncset.done $0x0  }
0x108: {  	[sflag:s0] =	ssyncadd.s32 $0xFFFFF000  }
0x109: {  	_ =	swait.ge [sflag:s0], $0x1000  }
0x10a: {  	[sflag:s0] =	ssyncset.done $0x0  }
0x10b: {  	[sflag:s0] =	ssyncadd.s32 $0xFFFFF000  }
0x10c: {  	_ =	swait.ge [sflag:s0], $0x1000  }
0x10d: {  	[sflag:s0] =	ssyncset.done $0x0  }
0x10e: {  	[sflag:s0] =	ssyncadd.s32 $0xFFFFF000  }
0x10f: {  	_ =	swait.ge [sflag:s0], $0x1000  }
0x110: {  	[sflag:s0] =	ssyncset.done $0x0  }
0x111: {  	[sflag:s0] =	ssyncadd.s32 $0xFFFFF000  }
0x112: {  	_ =	swait.ge [sflag:s0], $0x1000  }
0x113: {  	[sflag:s0] =	ssyncset.done $0x0  }
0x114: {  	[sflag:s0] =	ssyncadd.s32 $0xFFFFF000  }
0x115: {  	_ =	swait.ge [sflag:s0], $0x1000  }
0x116: {  	[sflag:s0] =	ssyncset.done $0x0  }
0x117: {  	[sflag:s0] =	ssyncadd.s32 $0xFFFFF000  }
0x118: {  	_ =	swait.ge [sflag:s0], $0x1000  }
0x119: {  	[sflag:s0] =	ssyncset.done $0x0  }
0x11a: {  	[sflag:s0] =	ssyncadd.s32 $0xFFFFF000  }
0x11b: {  	_ =	swait.ge [sflag:s0], $0x1000  }
0x11c: {  	[sflag:s0] =	ssyncset.done $0x0  }
0x11d: {  	[sflag:s0] =	ssyncadd.s32 $0xFFFFF000  }
0x11e: {  	_ =	swait.ge [sflag:s0], $0x1000  }
0x11f: {  	s7 =	sadd.s32 $0x1, s7;
	s22 =	rddreg [dreg:$0x1e]  }
0x120: {  	p0 =	sne.s32 s7, s22  }
.Ltmp1:
0x121: {  	_ = 	snop;
	(pc) =	sbr.rel @p0 .LBB2_1-.Ltmp1, $3  }
0x122: {  	_ =	sdelay $0x1  }
0x123: {  	[sflag:s0] =	ssyncset.done $0x0  }
0x124: {  	[sflag:s0] =	ssyncadd.s32 $0xFFFFF000  }
0x125: {  	_ =	sfence.sel $0x180000  }
0x126: {  	[bflag:$0x0] =	sbarrier.arrive $0xFFFF  }
0x127: {  	_ =	strace $0x90000047  }
0x128: {  	s0 =	stileid.u32;
	[bflag:$0x2] =	sbarrier.arrive $0xFFFF  }
0x129: {  	p0 =	sne.s32 s0, $0x0;
	s0 =	rddreg [dreg:$0x2]  }
0x12a: {  	s0 =	sadd.s32 @!p0 $0x100000, s0  }
0x12b: {  	[sflag:s0] =	ssyncadd.tile.s32 @!p0 $0x1;
	_ =	shalt  }
.Lfunc_end2:
_tile_overlayer_lowered:
.L_overlay_start_2:
0x12c: {  	(tag) =	ssettag $0x2  }
0x12d: {  	s0 =	rddreg [dreg:$0x0];
	s2 =	stileid.u32  }
0x12e: {  	s1 =	rddreg [dreg:$0x1];
	p0 =	sne.s32 s2, $0x0  }
0x12f: {  	s3 =	rddreg [dreg:$0x2];
	[bflag:$0x3] =	sbarrier.arrive $0xFFFF;
	s2 =	simm.s32 @!p0 $0x1C03  }
0x130: {  	[timem:s3], [sflag:s2] =	dma.local @!p0 [hbm:s0], s1  }
0x131: {  	s0 =	simm.s32 @!p0 $0x3  }
0x132: {  	_ =	swait.ge @!p0 [sflag:s0], s1  }
0x133: {  	s1 =	ssub.s32 @!p0 $0x0, s1;
	[sflag:s0] =	ssyncset.done @!p0 $0x0  }
0x134: {  	[sflag:s0] =	ssyncadd.s32 @!p0 s1  }
0x135: {  	[bflag:$0x3] =	sbarrier.arrive $0xFFFF  }
0x136: {  	_ =	shalt  }

</sc_bundles>
